<compile_context>
chip_gen: v7x
topology: tpu7x:2x2x1
jax: 0.10.2.dev20260603
libtpu: 0.0.44.dev20260713+nightly
codegen_flags: <defaults>
</compile_context>

<pallas_src>
import functools

import jax
import jax.numpy as jnp
from jax import lax
from jax.experimental import pallas as pl
from jax.experimental.pallas import tpu as pltpu
from jax.experimental.pallas import tpu_sc as plsc

_NC = 2
_NS = 16
_NW = _NC * _NS
_NBUF = 8
_PD = 128
_TC = 320
_L = 16


def _make_transpose(v, dim):
    n_chunks = v // _TC
    per_w = -(-n_chunks // _NW)
    n_groups = per_w // 2
    mesh = plsc.VectorSubcoreMesh(core_axis_name="c", subcore_axis_name="s")

    @functools.partial(
        pl.kernel,
        mesh=mesh,
        out_type=jax.ShapeDtypeStruct((v, _PD), jnp.float32),
        scratch_types=[
            pltpu.VMEM((dim, _TC), jnp.float32),
            pltpu.VMEM((dim, _TC), jnp.float32),
            pltpu.VMEM((_TC, dim), jnp.float32),
            pltpu.VMEM((_TC, dim), jnp.float32),
            pltpu.SemaphoreType.DMA((2,)),
            pltpu.SemaphoreType.DMA((2,)),
        ],
        compiler_params=pltpu.CompilerParams(
            use_tc_tiling_on_sc=False, needs_layout_passes=False),
    )
    def k(tt_hbm, out_hbm, in0, in1, ou0, ou1, isem, wsem):
        wid = lax.axis_index("s") * _NC + lax.axis_index("c")
        ins, ous = [in0, in1], [ou0, ou1]
        lanes = lax.iota(jnp.int32, _L)

        def chunk_col(j):
            return lax.min(wid + _NW * j, n_chunks - 1) * _TC

        def in_copy(j, s):
            return pltpu.make_async_copy(
                tt_hbm.at[:, pl.ds(chunk_col(j), _TC)], ins[s], isem.at[s])

        def out_copy(j, s):
            return pltpu.make_async_copy(
                ous[s], out_hbm.at[pl.ds(chunk_col(j), _TC), pl.ds(0, dim)],
                wsem.at[s])

        def transpose_block(s):
            ib, ob = ins[s], ous[s]

            def body(i, carry):
                col = jnp.full((_L,), i, jnp.int32)
                for d0 in range(0, dim, _L):
                    vals = plsc.load_gather(ib, [lanes + d0, col])
                    ob[i, pl.ds(d0, _L)] = vals
                return carry

            lax.fori_loop(0, _TC, body, 0)

        in_copy(0, 0).start()
        in_copy(1, 1).start()

        def group(g, carry):
            for s in range(2):
                c = 2 * g + s
                in_copy(c, s).wait()
                transpose_block(s)
                out_copy(c, s).start()
                out_copy(c, s).wait()
                in_copy(c + 2, s).start()
            return carry

        lax.fori_loop(0, n_groups - 1, group, 0)

        for s in range(2):
            c = 2 * (n_groups - 1) + s
            in_copy(c, s).wait()
            transpose_block(s)
            out_copy(c, s).start()
            out_copy(c, s).wait()

    return k


def _make_gather(b, l, dim):
    rows_per_w = b // _NW
    n_groups = rows_per_w // _NBUF
    mesh = plsc.VectorSubcoreMesh(core_axis_name="c", subcore_axis_name="s")

    @functools.partial(
        pl.kernel,
        mesh=mesh,
        out_type=jax.ShapeDtypeStruct((b, l, _PD), jnp.float32),
        scratch_types=[
            pltpu.VMEM((rows_per_w, l), jnp.int32),
            pltpu.VMEM((_NBUF, l, dim), jnp.float32),
            pltpu.SemaphoreType.DMA((_NBUF,)),
            pltpu.SemaphoreType.DMA((_NBUF,)),
        ],
        compiler_params=pltpu.CompilerParams(use_tc_tiling_on_sc=False),
    )
    def k(idx_hbm, table_hbm, out_hbm, idx_v, bufs, gsem, wsem):
        wid = lax.axis_index("s") * _NC + lax.axis_index("c")
        r0 = wid * rows_per_w
        pltpu.sync_copy(idx_hbm.at[pl.ds(r0, rows_per_w)], idx_v)

        def gather_copy(r, s):
            return pltpu.make_async_copy(
                table_hbm.at[idx_v.at[r]], bufs.at[s], gsem.at[s])

        def write_copy(r, s):
            return pltpu.make_async_copy(
                bufs.at[pl.ds(s, 1)],
                out_hbm.at[pl.ds(r0 + r, 1), :, pl.ds(0, dim)],
                wsem.at[s])

        for s in range(_NBUF):
            gather_copy(s, s).start()

        def group(g, carry):
            row0 = g * _NBUF
            for s in range(_NBUF):
                r = row0 + s
                gather_copy(r, s).wait()
                write_copy(r, s).start()
                write_copy(r, s).wait()
                gather_copy(r + _NBUF, s).start()
            return carry

        lax.fori_loop(0, n_groups - 1, group, 0)

        row0 = (n_groups - 1) * _NBUF
        for s in range(_NBUF):
            r = row0 + s
            gather_copy(r, s).wait()
            write_copy(r, s).start()
            write_copy(r, s).wait()

    return k


def kernel(indices, table):
    b, l = indices.shape
    v, dim = table.shape
    padded = _make_transpose(v, dim)(table.T)
    flat = padded.reshape(v * (_PD // dim), dim)
    idx2 = indices.astype(jnp.int32) * (_PD // dim)
    res = _make_gather(b, l, dim)(idx2, flat)
    return res[:, :, :dim]

# --- scband reference (transcript-rebuilt; emitter-appended) ---
"""Pipeline reference for scband-base-30709016167296 (READ-ONLY COPY).

The authoritative reference and input builder live on the scoring server;
editing this copy changes nothing except your own understanding.
"""

import jax, jax.numpy as jnp
import numpy as np

VOCAB = 1000000
DIM = 64
B = 4096
L = 200


def setup_inputs(seed: int = 0) -> dict:
    key = jax.random.key(seed)
    k1, k2 = jax.random.split(key)
    indices = jax.random.randint(k1, (B, L), 0, VOCAB)
    # nn.Embedding weight ~ N(0,1); padding_idx=0 row is zeroed
    table = jax.random.normal(k2, (VOCAB, DIM), dtype=jnp.float32)
    table = table.at[0].set(0.0)
    return {"indices": indices, "table": table}


def reference(indices, table):
    # Base.word_emb(indices): embedding lookup (gather rows of the table)
    out = jnp.take(table, indices, axis=0)
    return out

if __name__ == "__main__":
    import jax
    _d = setup_inputs()
    print(jax.jit(kernel)(*tuple(_d.values())))

</pallas_src>

<mosaic_0001>
#map = affine_map<(d0, d1) -> (0, 0)>
module attributes {stable_mosaic.version = 14 : i64} {
  func.func @k(%arg0: i32, %arg1: i32, %arg2: memref<64x1000000xf32, #tpu.memory_space<hbm>>, %arg3: memref<1000000x128xf32, #tpu.memory_space<hbm>>, %arg4: memref<64x320xf32, #tpu.memory_space<vmem>>, %arg5: memref<64x320xf32, #tpu.memory_space<vmem>>, %arg6: memref<320x64xf32, #tpu.memory_space<vmem>>, %arg7: memref<320x64xf32, #tpu.memory_space<vmem>>, %arg8: memref<2x!tpu.dma_semaphore, #tpu.memory_space<semaphore_mem>>, %arg9: memref<2x!tpu.dma_semaphore, #tpu.memory_space<semaphore_mem>>) attributes {dimension_semantics = [#tpu.dimension_semantics<core_parallel>, #tpu.dimension_semantics<subcore_parallel>], iteration_bounds = array<i64: 2, 16>, scalar_prefetch = 0 : i64, scratch_operands = 6 : i64, tpu.core_type = #tpu.core_type<sc_vector_subcore>, window_params = [{transform_indices = #map}, {transform_indices = #map}]} {
    %mul3A = arith.constant 2 : i32
    %mul3A_0 = arith.muli %arg1, %mul3A : i32
    %add3A = arith.addi %mul3A_0, %arg0 : i32
    %iota3A = tpu.iota {dimensions = array<i32: 0>} : vector<16xi32>
    %add3A_1 = arith.constant 0 : i32
    %add3A_2 = arith.addi %add3A, %add3A_1 : i32
    %min3A = arith.constant 3124 : i32
    %min3A_3 = arith.minsi %add3A_2, %min3A : i32
    %mul3A_4 = arith.constant 320 : i32
    %mul3A_5 = arith.muli %min3A_3, %mul3A_4 : i32
    %dma_start3A = arith.constant 0 : i32
    %dma_start3A_6 = arith.constant 0 : i32
    %dma_start3A_7 = tpu.memref_slice %arg2[%dma_start3A_6, %mul3A_5] : memref<64x1000000xf32, #tpu.memory_space<hbm>> -> memref<64x320xf32, #tpu.memory_space<hbm>>
    %dma_start3A_8 = tpu.memref_slice %arg8[%dma_start3A] : memref<2x!tpu.dma_semaphore, #tpu.memory_space<semaphore_mem>> -> memref<1x!tpu.dma_semaphore, #tpu.memory_space<semaphore_mem>>
    %dma_start3A_9 = tpu.memref_squeeze %dma_start3A_8 : memref<1x!tpu.dma_semaphore, #tpu.memory_space<semaphore_mem>> -> memref<!tpu.dma_semaphore, #tpu.memory_space<semaphore_mem>>
    %dma_start3A_10 = arith.constant 0 : i32
    %dma_start3A_11 = tpu.memref_slice %arg2[%dma_start3A_10, %mul3A_5] : memref<64x1000000xf32, #tpu.memory_space<hbm>> -> memref<64x320xf32, #tpu.memory_space<hbm>>
    tpu.enqueue_dma source(%dma_start3A_11 : memref<64x320xf32, #tpu.memory_space<hbm>>) target(%arg4 : memref<64x320xf32, #tpu.memory_space<vmem>>) target_semaphore(%dma_start3A_9 : memref<!tpu.dma_semaphore, #tpu.memory_space<semaphore_mem>>)
    %add3A_12 = arith.constant 32 : i32
    %add3A_13 = arith.addi %add3A, %add3A_12 : i32
    %min3A_14 = arith.constant 3124 : i32
    %min3A_15 = arith.minsi %add3A_13, %min3A_14 : i32
    %mul3A_16 = arith.constant 320 : i32
    %mul3A_17 = arith.muli %min3A_15, %mul3A_16 : i32
    %dma_start3A_18 = arith.constant 1 : i32
    %dma_start3A_19 = arith.constant 0 : i32
    %dma_start3A_20 = tpu.memref_slice %arg2[%dma_start3A_19, %mul3A_17] : memref<64x1000000xf32, #tpu.memory_space<hbm>> -> memref<64x320xf32, #tpu.memory_space<hbm>>
    %dma_start3A_21 = tpu.memref_slice %arg8[%dma_start3A_18] : memref<2x!tpu.dma_semaphore, #tpu.memory_space<semaphore_mem>> -> memref<1x!tpu.dma_semaphore, #tpu.memory_space<semaphore_mem>>
    %dma_start3A_22 = tpu.memref_squeeze %dma_start3A_21 : memref<1x!tpu.dma_semaphore, #tpu.memory_space<semaphore_mem>> -> memref<!tpu.dma_semaphore, #tpu.memory_space<semaphore_mem>>
    %dma_start3A_23 = arith.constant 0 : i32
    %dma_start3A_24 = tpu.memref_slice %arg2[%dma_start3A_23, %mul3A_17] : memref<64x1000000xf32, #tpu.memory_space<hbm>> -> memref<64x320xf32, #tpu.memory_space<hbm>>
    tpu.enqueue_dma source(%dma_start3A_24 : memref<64x320xf32, #tpu.memory_space<hbm>>) target(%arg5 : memref<64x320xf32, #tpu.memory_space<vmem>>) target_semaphore(%dma_start3A_22 : memref<!tpu.dma_semaphore, #tpu.memory_space<semaphore_mem>>)
    %scan3A = arith.constant 0 : i32
    %scan3A_25 = arith.constant 0 : i32
    %scan3A_26 = arith.constant 48 : i32
    %scan3A_27 = arith.addi %scan3A_25, %scan3A_26 : i32
    %scan3A_28 = arith.constant 1 : i32
    scf.for %scan3A_119 = %scan3A_25 to %scan3A_27 step %scan3A_28  : i32 {
      %mul3A_120 = arith.constant 2 : i32
      %mul3A_121 = arith.muli %mul3A_120, %scan3A_119 : i32
      %add3A_122 = arith.constant 0 : i32
      %add3A_123 = arith.addi %mul3A_121, %add3A_122 : i32
      %mul3A_124 = arith.constant 32 : i32
      %mul3A_125 = arith.muli %mul3A_124, %add3A_123 : i32
      %add3A_126 = arith.addi %add3A, %mul3A_125 : i32
      %min3A_127 = arith.constant 3124 : i32
      %min3A_128 = arith.minsi %add3A_126, %min3A_127 : i32
      %mul3A_129 = arith.constant 320 : i32
      %mul3A_130 = arith.muli %min3A_128, %mul3A_129 : i32
      %dma_wait3A_131 = arith.constant 0 : i32
      %dma_wait3A_132 = arith.constant 0 : i32
      %dma_wait3A_133 = tpu.memref_slice %arg2[%dma_wait3A_132, %mul3A_130] : memref<64x1000000xf32, #tpu.memory_space<hbm>> -> memref<64x320xf32, #tpu.memory_space<hbm>>
      %dma_wait3A_134 = tpu.memref_slice %arg8[%dma_wait3A_131] : memref<2x!tpu.dma_semaphore, #tpu.memory_space<semaphore_mem>> -> memref<1x!tpu.dma_semaphore, #tpu.memory_space<semaphore_mem>>
      %dma_wait3A_135 = tpu.memref_squeeze %dma_wait3A_134 : memref<1x!tpu.dma_semaphore, #tpu.memory_space<semaphore_mem>> -> memref<!tpu.dma_semaphore, #tpu.memory_space<semaphore_mem>>
      %dma_wait3A_136 = arith.constant 0 : i32
      %dma_wait3A_137 = tpu.memref_slice %arg2[%dma_wait3A_136, %mul3A_130] : memref<64x1000000xf32, #tpu.memory_space<hbm>> -> memref<64x320xf32, #tpu.memory_space<hbm>>
      tpu.wait_dma2 semaphore(%dma_wait3A_135 : memref<!tpu.dma_semaphore, #tpu.memory_space<semaphore_mem>>) src(%dma_wait3A_137 : memref<64x320xf32, #tpu.memory_space<hbm>>) dst(%arg4 : memref<64x320xf32, #tpu.memory_space<vmem>>)
      %scan3A_138 = arith.constant 0 : i32
      %scan3A_139 = arith.constant 0 : i32
      %scan3A_140 = arith.constant 320 : i32
      %scan3A_141 = arith.addi %scan3A_139, %scan3A_140 : i32
      %scan3A_142 = arith.constant 1 : i32
      scf.for %scan3A_256 = %scan3A_139 to %scan3A_141 step %scan3A_142  : i32 {
        %broadcast_in_dim3A = vector.broadcast %scan3A_256 : i32 to vector<16xi32>
        %add3A_257 = arith.constant 0 : i32
        %add3A_258 = vector.broadcast %add3A_257 : i32 to vector<16xi32>
        %add3A_259 = arith.addi %iota3A, %add3A_258 : vector<16xi32>
        %gather3A = tpu.vector_load_idx %arg4[%add3A_259, %broadcast_in_dim3A] : memref<64x320xf32, #tpu.memory_space<vmem>>[vector<16xi32>, vector<16xi32>], vector<16xf32>,
        %swap3A = arith.index_cast %scan3A_256 : i32 to index
        %swap3A_260 = arith.constant 0 : index
        %swap3A_261 = tpu.vector_load %arg6[%swap3A, %swap3A_260] {strides = array<i32>} : memref<320x64xf32, #tpu.memory_space<vmem>>, vector<16xf32>,
        tpu.vector_store %arg6[%swap3A, %swap3A_260], %gather3A {strides = array<i32>} : memref<320x64xf32, #tpu.memory_space<vmem>>, vector<16xf32>,
        %add3A_262 = arith.constant 16 : i32
        %add3A_263 = vector.broadcast %add3A_262 : i32 to vector<16xi32>
        %add3A_264 = arith.addi %iota3A, %add3A_263 : vector<16xi32>
        %gather3A_265 = tpu.vector_load_idx %arg4[%add3A_264, %broadcast_in_dim3A] : memref<64x320xf32, #tpu.memory_space<vmem>>[vector<16xi32>, vector<16xi32>], vector<16xf32>,
        %swap3A_266 = arith.index_cast %scan3A_256 : i32 to index
        %swap3A_267 = arith.constant 16 : index
        %swap3A_268 = tpu.vector_load %arg6[%swap3A_266, %swap3A_267] {strides = array<i32>} : memref<320x64xf32, #tpu.memory_space<vmem>>, vector<16xf32>,
        tpu.vector_store %arg6[%swap3A_266, %swap3A_267], %gather3A_265 {strides = array<i32>} : memref<320x64xf32, #tpu.memory_space<vmem>>, vector<16xf32>,
        %add3A_269 = arith.constant 32 : i32
        %add3A_270 = vector.broadcast %add3A_269 : i32 to vector<16xi32>
        %add3A_271 = arith.addi %iota3A, %add3A_270 : vector<16xi32>
        %gather3A_272 = tpu.vector_load_idx %arg4[%add3A_271, %broadcast_in_dim3A] : memref<64x320xf32, #tpu.memory_space<vmem>>[vector<16xi32>, vector<16xi32>], vector<16xf32>,
        %swap3A_273 = arith.index_cast %scan3A_256 : i32 to index
        %swap3A_274 = arith.constant 32 : index
        %swap3A_275 = tpu.vector_load %arg6[%swap3A_273, %swap3A_274] {strides = array<i32>} : memref<320x64xf32, #tpu.memory_space<vmem>>, vector<16xf32>,
        tpu.vector_store %arg6[%swap3A_273, %swap3A_274], %gather3A_272 {strides = array<i32>} : memref<320x64xf32, #tpu.memory_space<vmem>>, vector<16xf32>,
        %add3A_276 = arith.constant 48 : i32
        %add3A_277 = vector.broadcast %add3A_276 : i32 to vector<16xi32>
        %add3A_278 = arith.addi %iota3A, %add3A_277 : vector<16xi32>
        %gather3A_279 = tpu.vector_load_idx %arg4[%add3A_278, %broadcast_in_dim3A] : memref<64x320xf32, #tpu.memory_space<vmem>>[vector<16xi32>, vector<16xi32>], vector<16xf32>,
        %swap3A_280 = arith.index_cast %scan3A_256 : i32 to index
        %swap3A_281 = arith.constant 48 : index
        %swap3A_282 = tpu.vector_load %arg6[%swap3A_280, %swap3A_281] {strides = array<i32>} : memref<320x64xf32, #tpu.memory_space<vmem>>, vector<16xf32>,
        tpu.vector_store %arg6[%swap3A_280, %swap3A_281], %gather3A_279 {strides = array<i32>} : memref<320x64xf32, #tpu.memory_space<vmem>>, vector<16xf32>,
      }
      %scan3A_143 = arith.constant 320 : i32
      %mul3A_144 = arith.constant 32 : i32
      %mul3A_145 = arith.muli %mul3A_144, %add3A_123 : i32
      %add3A_146 = arith.addi %add3A, %mul3A_145 : i32
      %min3A_147 = arith.constant 3124 : i32
      %min3A_148 = arith.minsi %add3A_146, %min3A_147 : i32
      %mul3A_149 = arith.constant 320 : i32
      %mul3A_150 = arith.muli %min3A_148, %mul3A_149 : i32
      %dma_start3A_151 = arith.constant 0 : i32
      %dma_start3A_152 = arith.constant 0 : i32
      %dma_start3A_153 = tpu.memref_slice %arg3[%mul3A_150, %dma_start3A_152] : memref<1000000x128xf32, #tpu.memory_space<hbm>> -> memref<320x64xf32, #tpu.memory_space<hbm>>
      %dma_start3A_154 = tpu.memref_slice %arg9[%dma_start3A_151] : memref<2x!tpu.dma_semaphore, #tpu.memory_space<semaphore_mem>> -> memref<1x!tpu.dma_semaphore, #tpu.memory_space<semaphore_mem>>
      %dma_start3A_155 = tpu.memref_squeeze %dma_start3A_154 : memref<1x!tpu.dma_semaphore, #tpu.memory_space<semaphore_mem>> -> memref<!tpu.dma_semaphore, #tpu.memory_space<semaphore_mem>>
      %dma_start3A_156 = arith.constant 0 : i32
      %dma_start3A_157 = tpu.memref_slice %arg3[%mul3A_150, %dma_start3A_156] : memref<1000000x128xf32, #tpu.memory_space<hbm>> -> memref<320x64xf32, #tpu.memory_space<hbm>>
      tpu.enqueue_dma source(%arg6 : memref<320x64xf32, #tpu.memory_space<vmem>>) target(%dma_start3A_157 : memref<320x64xf32, #tpu.memory_space<hbm>>) target_semaphore(%dma_start3A_155 : memref<!tpu.dma_semaphore, #tpu.memory_space<semaphore_mem>>)
      %mul3A_158 = arith.constant 32 : i32
      %mul3A_159 = arith.muli %mul3A_158, %add3A_123 : i32
      %add3A_160 = arith.addi %add3A, %mul3A_159 : i32
      %min3A_161 = arith.constant 3124 : i32
      %min3A_162 = arith.minsi %add3A_160, %min3A_161 : i32
      %mul3A_163 = arith.constant 320 : i32
      %mul3A_164 = arith.muli %min3A_162, %mul3A_163 : i32
      %dma_wait3A_165 = arith.constant 0 : i32
      %dma_wait3A_166 = arith.constant 0 : i32
      %dma_wait3A_167 = tpu.memref_slice %arg3[%mul3A_164, %dma_wait3A_166] : memref<1000000x128xf32, #tpu.memory_space<hbm>> -> memref<320x64xf32, #tpu.memory_space<hbm>>
      %dma_wait3A_168 = tpu.memref_slice %arg9[%dma_wait3A_165] : memref<2x!tpu.dma_semaphore, #tpu.memory_space<semaphore_mem>> -> memref<1x!tpu.dma_semaphore, #tpu.memory_space<semaphore_mem>>
      %dma_wait3A_169 = tpu.memref_squeeze %dma_wait3A_168 : memref<1x!tpu.dma_semaphore, #tpu.memory_space<semaphore_mem>> -> memref<!tpu.dma_semaphore, #tpu.memory_space<semaphore_mem>>
      %dma_wait3A_170 = arith.constant 0 : i32
      %dma_wait3A_171 = tpu.memref_slice %arg3[%mul3A_164, %dma_wait3A_170] : memref<1000000x128xf32, #tpu.memory_space<hbm>> -> memref<320x64xf32, #tpu.memory_space<hbm>>
      tpu.wait_dma2 semaphore(%dma_wait3A_169 : memref<!tpu.dma_semaphore, #tpu.memory_space<semaphore_mem>>) src(%arg6 : memref<320x64xf32, #tpu.memory_space<vmem>>) dst(%dma_wait3A_171 : memref<320x64xf32, #tpu.memory_space<hbm>>)
      %add3A_172 = arith.constant 2 : i32
      %add3A_173 = arith.addi %add3A_123, %add3A_172 : i32
      %mul3A_174 = arith.constant 32 : i32
      %mul3A_175 = arith.muli %mul3A_174, %add3A_173 : i32
      %add3A_176 = arith.addi %add3A, %mul3A_175 : i32
      %min3A_177 = arith.constant 3124 : i32
      %min3A_178 = arith.minsi %add3A_176, %min3A_177 : i32
      %mul3A_179 = arith.constant 320 : i32
      %mul3A_180 = arith.muli %min3A_178, %mul3A_179 : i32
      %dma_start3A_181 = arith.constant 0 : i32
      %dma_start3A_182 = arith.constant 0 : i32
      %dma_start3A_183 = tpu.memref_slice %arg2[%dma_start3A_182, %mul3A_180] : memref<64x1000000xf32, #tpu.memory_space<hbm>> -> memref<64x320xf32, #tpu.memory_space<hbm>>
      %dma_start3A_184 = tpu.memref_slice %arg8[%dma_start3A_181] : memref<2x!tpu.dma_semaphore, #tpu.memory_space<semaphore_mem>> -> memref<1x!tpu.dma_semaphore, #tpu.memory_space<semaphore_mem>>
      %dma_start3A_185 = tpu.memref_squeeze %dma_start3A_184 : memref<1x!tpu.dma_semaphore, #tpu.memory_space<semaphore_mem>> -> memref<!tpu.dma_semaphore, #tpu.memory_space<semaphore_mem>>
      %dma_start3A_186 = arith.constant 0 : i32
      %dma_start3A_187 = tpu.memref_slice %arg2[%dma_start3A_186, %mul3A_180] : memref<64x1000000xf32, #tpu.memory_space<hbm>> -> memref<64x320xf32, #tpu.memory_space<hbm>>
      tpu.enqueue_dma source(%dma_start3A_187 : memref<64x320xf32, #tpu.memory_space<hbm>>) target(%arg4 : memref<64x320xf32, #tpu.memory_space<vmem>>) target_semaphore(%dma_start3A_185 : memref<!tpu.dma_semaphore, #tpu.memory_space<semaphore_mem>>)
      %mul3A_188 = arith.constant 2 : i32
      %mul3A_189 = arith.muli %mul3A_188, %scan3A_119 : i32
      %add3A_190 = arith.constant 1 : i32
      %add3A_191 = arith.addi %mul3A_189, %add3A_190 : i32
      %mul3A_192 = arith.constant 32 : i32
      %mul3A_193 = arith.muli %mul3A_192, %add3A_191 : i32
      %add3A_194 = arith.addi %add3A, %mul3A_193 : i32
      %min3A_195 = arith.constant 3124 : i32
      %min3A_196 = arith.minsi %add3A_194, %min3A_195 : i32
      %mul3A_197 = arith.constant 320 : i32
      %mul3A_198 = arith.muli %min3A_196, %mul3A_197 : i32
      %dma_wait3A_199 = arith.constant 1 : i32
      %dma_wait3A_200 = arith.constant 0 : i32
      %dma_wait3A_201 = tpu.memref_slice %arg2[%dma_wait3A_200, %mul3A_198] : memref<64x1000000xf32, #tpu.memory_space<hbm>> -> memref<64x320xf32, #tpu.memory_space<hbm>>
      %dma_wait3A_202 = tpu.memref_slice %arg8[%dma_wait3A_199] : memref<2x!tpu.dma_semaphore, #tpu.memory_space<semaphore_mem>> -> memref<1x!tpu.dma_semaphore, #tpu.memory_space<semaphore_mem>>
      %dma_wait3A_203 = tpu.memref_squeeze %dma_wait3A_202 : memref<1x!tpu.dma_semaphore, #tpu.memory_space<semaphore_mem>> -> memref<!tpu.dma_semaphore, #tpu.memory_space<semaphore_mem>>
      %dma_wait3A_204 = arith.constant 0 : i32
      %dma_wait3A_205 = tpu.memref_slice %arg2[%dma_wait3A_204, %mul3A_198] : memref<64x1000000xf32, #tpu.memory_space<hbm>> -> memref<64x320xf32, #tpu.memory_space<hbm>>
      tpu.wait_dma2 semaphore(%dma_wait3A_203 : memref<!tpu.dma_semaphore, #tpu.memory_space<semaphore_mem>>) src(%dma_wait3A_205 : memref<64x320xf32, #tpu.memory_space<hbm>>) dst(%arg5 : memref<64x320xf32, #tpu.memory_space<vmem>>)
      %scan3A_206 = arith.constant 0 : i32
      %scan3A_207 = arith.constant 0 : i32
      %scan3A_208 = arith.constant 320 : i32
      %scan3A_209 = arith.addi %scan3A_207, %scan3A_208 : i32
      %scan3A_210 = arith.constant 1 : i32
      scf.for %scan3A_256 = %scan3A_207 to %scan3A_209 step %scan3A_210  : i32 {
        %broadcast_in_dim3A = vector.broadcast %scan3A_256 : i32 to vector<16xi32>
        %add3A_257 = arith.constant 0 : i32
        %add3A_258 = vector.broadcast %add3A_257 : i32 to vector<16xi32>
        %add3A_259 = arith.addi %iota3A, %add3A_258 : vector<16xi32>
        %gather3A = tpu.vector_load_idx %arg5[%add3A_259, %broadcast_in_dim3A] : memref<64x320xf32, #tpu.memory_space<vmem>>[vector<16xi32>, vector<16xi32>], vector<16xf32>,
        %swap3A = arith.index_cast %scan3A_256 : i32 to index
        %swap3A_260 = arith.constant 0 : index
        %swap3A_261 = tpu.vector_load %arg7[%swap3A, %swap3A_260] {strides = array<i32>} : memref<320x64xf32, #tpu.memory_space<vmem>>, vector<16xf32>,
        tpu.vector_store %arg7[%swap3A, %swap3A_260], %gather3A {strides = array<i32>} : memref<320x64xf32, #tpu.memory_space<vmem>>, vector<16xf32>,
        %add3A_262 = arith.constant 16 : i32
        %add3A_263 = vector.broadcast %add3A_262 : i32 to vector<16xi32>
        %add3A_264 = arith.addi %iota3A, %add3A_263 : vector<16xi32>
        %gather3A_265 = tpu.vector_load_idx %arg5[%add3A_264, %broadcast_in_dim3A] : memref<64x320xf32, #tpu.memory_space<vmem>>[vector<16xi32>, vector<16xi32>], vector<16xf32>,
        %swap3A_266 = arith.index_cast %scan3A_256 : i32 to index
        %swap3A_267 = arith.constant 16 : index
        %swap3A_268 = tpu.vector_load %arg7[%swap3A_266, %swap3A_267] {strides = array<i32>} : memref<320x64xf32, #tpu.memory_space<vmem>>, vector<16xf32>,
        tpu.vector_store %arg7[%swap3A_266, %swap3A_267], %gather3A_265 {strides = array<i32>} : memref<320x64xf32, #tpu.memory_space<vmem>>, vector<16xf32>,
        %add3A_269 = arith.constant 32 : i32
        %add3A_270 = vector.broadcast %add3A_269 : i32 to vector<16xi32>
        %add3A_271 = arith.addi %iota3A, %add3A_270 : vector<16xi32>
        %gather3A_272 = tpu.vector_load_idx %arg5[%add3A_271, %broadcast_in_dim3A] : memref<64x320xf32, #tpu.memory_space<vmem>>[vector<16xi32>, vector<16xi32>], vector<16xf32>,
        %swap3A_273 = arith.index_cast %scan3A_256 : i32 to index
        %swap3A_274 = arith.constant 32 : index
        %swap3A_275 = tpu.vector_load %arg7[%swap3A_273, %swap3A_274] {strides = array<i32>} : memref<320x64xf32, #tpu.memory_space<vmem>>, vector<16xf32>,
        tpu.vector_store %arg7[%swap3A_273, %swap3A_274], %gather3A_272 {strides = array<i32>} : memref<320x64xf32, #tpu.memory_space<vmem>>, vector<16xf32>,
        %add3A_276 = arith.constant 48 : i32
        %add3A_277 = vector.broadcast %add3A_276 : i32 to vector<16xi32>
        %add3A_278 = arith.addi %iota3A, %add3A_277 : vector<16xi32>
        %gather3A_279 = tpu.vector_load_idx %arg5[%add3A_278, %broadcast_in_dim3A] : memref<64x320xf32, #tpu.memory_space<vmem>>[vector<16xi32>, vector<16xi32>], vector<16xf32>,
        %swap3A_280 = arith.index_cast %scan3A_256 : i32 to index
        %swap3A_281 = arith.constant 48 : index
        %swap3A_282 = tpu.vector_load %arg7[%swap3A_280, %swap3A_281] {strides = array<i32>} : memref<320x64xf32, #tpu.memory_space<vmem>>, vector<16xf32>,
        tpu.vector_store %arg7[%swap3A_280, %swap3A_281], %gather3A_279 {strides = array<i32>} : memref<320x64xf32, #tpu.memory_space<vmem>>, vector<16xf32>,
      }
      %scan3A_211 = arith.constant 320 : i32
      %mul3A_212 = arith.constant 32 : i32
      %mul3A_213 = arith.muli %mul3A_212, %add3A_191 : i32
      %add3A_214 = arith.addi %add3A, %mul3A_213 : i32
      %min3A_215 = arith.constant 3124 : i32
      %min3A_216 = arith.minsi %add3A_214, %min3A_215 : i32
      %mul3A_217 = arith.constant 320 : i32
      %mul3A_218 = arith.muli %min3A_216, %mul3A_217 : i32
      %dma_start3A_219 = arith.constant 1 : i32
      %dma_start3A_220 = arith.constant 0 : i32
      %dma_start3A_221 = tpu.memref_slice %arg3[%mul3A_218, %dma_start3A_220] : memref<1000000x128xf32, #tpu.memory_space<hbm>> -> memref<320x64xf32, #tpu.memory_space<hbm>>
      %dma_start3A_222 = tpu.memref_slice %arg9[%dma_start3A_219] : memref<2x!tpu.dma_semaphore, #tpu.memory_space<semaphore_mem>> -> memref<1x!tpu.dma_semaphore, #tpu.memory_space<semaphore_mem>>
      %dma_start3A_223 = tpu.memref_squeeze %dma_start3A_222 : memref<1x!tpu.dma_semaphore, #tpu.memory_space<semaphore_mem>> -> memref<!tpu.dma_semaphore, #tpu.memory_space<semaphore_mem>>
      %dma_start3A_224 = arith.constant 0 : i32
      %dma_start3A_225 = tpu.memref_slice %arg3[%mul3A_218, %dma_start3A_224] : memref<1000000x128xf32, #tpu.memory_space<hbm>> -> memref<320x64xf32, #tpu.memory_space<hbm>>
      tpu.enqueue_dma source(%arg7 : memref<320x64xf32, #tpu.memory_space<vmem>>) target(%dma_start3A_225 : memref<320x64xf32, #tpu.memory_space<hbm>>) target_semaphore(%dma_start3A_223 : memref<!tpu.dma_semaphore, #tpu.memory_space<semaphore_mem>>)
      %mul3A_226 = arith.constant 32 : i32
      %mul3A_227 = arith.muli %mul3A_226, %add3A_191 : i32
      %add3A_228 = arith.addi %add3A, %mul3A_227 : i32
      %min3A_229 = arith.constant 3124 : i32
      %min3A_230 = arith.minsi %add3A_228, %min3A_229 : i32
      %mul3A_231 = arith.constant 320 : i32
      %mul3A_232 = arith.muli %min3A_230, %mul3A_231 : i32
      %dma_wait3A_233 = arith.constant 1 : i32
      %dma_wait3A_234 = arith.constant 0 : i32
      %dma_wait3A_235 = tpu.memref_slice %arg3[%mul3A_232, %dma_wait3A_234] : memref<1000000x128xf32, #tpu.memory_space<hbm>> -> memref<320x64xf32, #tpu.memory_space<hbm>>
      %dma_wait3A_236 = tpu.memref_slice %arg9[%dma_wait3A_233] : memref<2x!tpu.dma_semaphore, #tpu.memory_space<semaphore_mem>> -> memref<1x!tpu.dma_semaphore, #tpu.memory_space<semaphore_mem>>
      %dma_wait3A_237 = tpu.memref_squeeze %dma_wait3A_236 : memref<1x!tpu.dma_semaphore, #tpu.memory_space<semaphore_mem>> -> memref<!tpu.dma_semaphore, #tpu.memory_space<semaphore_mem>>
      %dma_wait3A_238 = arith.constant 0 : i32
      %dma_wait3A_239 = tpu.memref_slice %arg3[%mul3A_232, %dma_wait3A_238] : memref<1000000x128xf32, #tpu.memory_space<hbm>> -> memref<320x64xf32, #tpu.memory_space<hbm>>
      tpu.wait_dma2 semaphore(%dma_wait3A_237 : memref<!tpu.dma_semaphore, #tpu.memory_space<semaphore_mem>>) src(%arg7 : memref<320x64xf32, #tpu.memory_space<vmem>>) dst(%dma_wait3A_239 : memref<320x64xf32, #tpu.memory_space<hbm>>)
      %add3A_240 = arith.constant 2 : i32
      %add3A_241 = arith.addi %add3A_191, %add3A_240 : i32
      %mul3A_242 = arith.constant 32 : i32
      %mul3A_243 = arith.muli %mul3A_242, %add3A_241 : i32
      %add3A_244 = arith.addi %add3A, %mul3A_243 : i32
      %min3A_245 = arith.constant 3124 : i32
      %min3A_246 = arith.minsi %add3A_244, %min3A_245 : i32
      %mul3A_247 = arith.constant 320 : i32
      %mul3A_248 = arith.muli %min3A_246, %mul3A_247 : i32
      %dma_start3A_249 = arith.constant 1 : i32
      %dma_start3A_250 = arith.constant 0 : i32
      %dma_start3A_251 = tpu.memref_slice %arg2[%dma_start3A_250, %mul3A_248] : memref<64x1000000xf32, #tpu.memory_space<hbm>> -> memref<64x320xf32, #tpu.memory_space<hbm>>
      %dma_start3A_252 = tpu.memref_slice %arg8[%dma_start3A_249] : memref<2x!tpu.dma_semaphore, #tpu.memory_space<semaphore_mem>> -> memref<1x!tpu.dma_semaphore, #tpu.memory_space<semaphore_mem>>
      %dma_start3A_253 = tpu.memref_squeeze %dma_start3A_252 : memref<1x!tpu.dma_semaphore, #tpu.memory_space<semaphore_mem>> -> memref<!tpu.dma_semaphore, #tpu.memory_space<semaphore_mem>>
      %dma_start3A_254 = arith.constant 0 : i32
      %dma_start3A_255 = tpu.memref_slice %arg2[%dma_start3A_254, %mul3A_248] : memref<64x1000000xf32, #tpu.memory_space<hbm>> -> memref<64x320xf32, #tpu.memory_space<hbm>>
      tpu.enqueue_dma source(%dma_start3A_255 : memref<64x320xf32, #tpu.memory_space<hbm>>) target(%arg5 : memref<64x320xf32, #tpu.memory_space<vmem>>) target_semaphore(%dma_start3A_253 : memref<!tpu.dma_semaphore, #tpu.memory_space<semaphore_mem>>)
    }
    %scan3A_29 = arith.constant 48 : i32
    %add3A_30 = arith.constant 3072 : i32
    %add3A_31 = arith.addi %add3A, %add3A_30 : i32
    %min3A_32 = arith.constant 3124 : i32
    %min3A_33 = arith.minsi %add3A_31, %min3A_32 : i32
    %mul3A_34 = arith.constant 320 : i32
    %mul3A_35 = arith.muli %min3A_33, %mul3A_34 : i32
    %dma_wait3A = arith.constant 0 : i32
    %dma_wait3A_36 = arith.constant 0 : i32
    %dma_wait3A_37 = tpu.memref_slice %arg2[%dma_wait3A_36, %mul3A_35] : memref<64x1000000xf32, #tpu.memory_space<hbm>> -> memref<64x320xf32, #tpu.memory_space<hbm>>
    %dma_wait3A_38 = tpu.memref_slice %arg8[%dma_wait3A] : memref<2x!tpu.dma_semaphore, #tpu.memory_space<semaphore_mem>> -> memref<1x!tpu.dma_semaphore, #tpu.memory_space<semaphore_mem>>
    %dma_wait3A_39 = tpu.memref_squeeze %dma_wait3A_38 : memref<1x!tpu.dma_semaphore, #tpu.memory_space<semaphore_mem>> -> memref<!tpu.dma_semaphore, #tpu.memory_space<semaphore_mem>>
    %dma_wait3A_40 = arith.constant 0 : i32
    %dma_wait3A_41 = tpu.memref_slice %arg2[%dma_wait3A_40, %mul3A_35] : memref<64x1000000xf32, #tpu.memory_space<hbm>> -> memref<64x320xf32, #tpu.memory_space<hbm>>
    tpu.wait_dma2 semaphore(%dma_wait3A_39 : memref<!tpu.dma_semaphore, #tpu.memory_space<semaphore_mem>>) src(%dma_wait3A_41 : memref<64x320xf32, #tpu.memory_space<hbm>>) dst(%arg4 : memref<64x320xf32, #tpu.memory_space<vmem>>)
    %scan3A_42 = arith.constant 0 : i32
    %scan3A_43 = arith.constant 0 : i32
    %scan3A_44 = arith.constant 320 : i32
    %scan3A_45 = arith.addi %scan3A_43, %scan3A_44 : i32
    %scan3A_46 = arith.constant 1 : i32
    scf.for %scan3A_119 = %scan3A_43 to %scan3A_45 step %scan3A_46  : i32 {
      %broadcast_in_dim3A = vector.broadcast %scan3A_119 : i32 to vector<16xi32>
      %add3A_120 = arith.constant 0 : i32
      %add3A_121 = vector.broadcast %add3A_120 : i32 to vector<16xi32>
      %add3A_122 = arith.addi %iota3A, %add3A_121 : vector<16xi32>
      %gather3A = tpu.vector_load_idx %arg4[%add3A_122, %broadcast_in_dim3A] : memref<64x320xf32, #tpu.memory_space<vmem>>[vector<16xi32>, vector<16xi32>], vector<16xf32>,
      %swap3A = arith.index_cast %scan3A_119 : i32 to index
      %swap3A_123 = arith.constant 0 : index
      %swap3A_124 = tpu.vector_load %arg6[%swap3A, %swap3A_123] {strides = array<i32>} : memref<320x64xf32, #tpu.memory_space<vmem>>, vector<16xf32>,
      tpu.vector_store %arg6[%swap3A, %swap3A_123], %gather3A {strides = array<i32>} : memref<320x64xf32, #tpu.memory_space<vmem>>, vector<16xf32>,
      %add3A_125 = arith.constant 16 : i32
      %add3A_126 = vector.broadcast %add3A_125 : i32 to vector<16xi32>
      %add3A_127 = arith.addi %iota3A, %add3A_126 : vector<16xi32>
      %gather3A_128 = tpu.vector_load_idx %arg4[%add3A_127, %broadcast_in_dim3A] : memref<64x320xf32, #tpu.memory_space<vmem>>[vector<16xi32>, vector<16xi32>], vector<16xf32>,
      %swap3A_129 = arith.index_cast %scan3A_119 : i32 to index
      %swap3A_130 = arith.constant 16 : index
      %swap3A_131 = tpu.vector_load %arg6[%swap3A_129, %swap3A_130] {strides = array<i32>} : memref<320x64xf32, #tpu.memory_space<vmem>>, vector<16xf32>,
      tpu.vector_store %arg6[%swap3A_129, %swap3A_130], %gather3A_128 {strides = array<i32>} : memref<320x64xf32, #tpu.memory_space<vmem>>, vector<16xf32>,
      %add3A_132 = arith.constant 32 : i32
      %add3A_133 = vector.broadcast %add3A_132 : i32 to vector<16xi32>
      %add3A_134 = arith.addi %iota3A, %add3A_133 : vector<16xi32>
      %gather3A_135 = tpu.vector_load_idx %arg4[%add3A_134, %broadcast_in_dim3A] : memref<64x320xf32, #tpu.memory_space<vmem>>[vector<16xi32>, vector<16xi32>], vector<16xf32>,
      %swap3A_136 = arith.index_cast %scan3A_119 : i32 to index
      %swap3A_137 = arith.constant 32 : index
      %swap3A_138 = tpu.vector_load %arg6[%swap3A_136, %swap3A_137] {strides = array<i32>} : memref<320x64xf32, #tpu.memory_space<vmem>>, vector<16xf32>,
      tpu.vector_store %arg6[%swap3A_136, %swap3A_137], %gather3A_135 {strides = array<i32>} : memref<320x64xf32, #tpu.memory_space<vmem>>, vector<16xf32>,
      %add3A_139 = arith.constant 48 : i32
      %add3A_140 = vector.broadcast %add3A_139 : i32 to vector<16xi32>
      %add3A_141 = arith.addi %iota3A, %add3A_140 : vector<16xi32>
      %gather3A_142 = tpu.vector_load_idx %arg4[%add3A_141, %broadcast_in_dim3A] : memref<64x320xf32, #tpu.memory_space<vmem>>[vector<16xi32>, vector<16xi32>], vector<16xf32>,
      %swap3A_143 = arith.index_cast %scan3A_119 : i32 to index
      %swap3A_144 = arith.constant 48 : index
      %swap3A_145 = tpu.vector_load %arg6[%swap3A_143, %swap3A_144] {strides = array<i32>} : memref<320x64xf32, #tpu.memory_space<vmem>>, vector<16xf32>,
      tpu.vector_store %arg6[%swap3A_143, %swap3A_144], %gather3A_142 {strides = array<i32>} : memref<320x64xf32, #tpu.memory_space<vmem>>, vector<16xf32>,
    }
    %scan3A_47 = arith.constant 320 : i32
    %add3A_48 = arith.constant 3072 : i32
    %add3A_49 = arith.addi %add3A, %add3A_48 : i32
    %min3A_50 = arith.constant 3124 : i32
    %min3A_51 = arith.minsi %add3A_49, %min3A_50 : i32
    %mul3A_52 = arith.constant 320 : i32
    %mul3A_53 = arith.muli %min3A_51, %mul3A_52 : i32
    %dma_start3A_54 = arith.constant 0 : i32
    %dma_start3A_55 = arith.constant 0 : i32
    %dma_start3A_56 = tpu.memref_slice %arg3[%mul3A_53, %dma_start3A_55] : memref<1000000x128xf32, #tpu.memory_space<hbm>> -> memref<320x64xf32, #tpu.memory_space<hbm>>
    %dma_start3A_57 = tpu.memref_slice %arg9[%dma_start3A_54] : memref<2x!tpu.dma_semaphore, #tpu.memory_space<semaphore_mem>> -> memref<1x!tpu.dma_semaphore, #tpu.memory_space<semaphore_mem>>
    %dma_start3A_58 = tpu.memref_squeeze %dma_start3A_57 : memref<1x!tpu.dma_semaphore, #tpu.memory_space<semaphore_mem>> -> memref<!tpu.dma_semaphore, #tpu.memory_space<semaphore_mem>>
    %dma_start3A_59 = arith.constant 0 : i32
    %dma_start3A_60 = tpu.memref_slice %arg3[%mul3A_53, %dma_start3A_59] : memref<1000000x128xf32, #tpu.memory_space<hbm>> -> memref<320x64xf32, #tpu.memory_space<hbm>>
    tpu.enqueue_dma source(%arg6 : memref<320x64xf32, #tpu.memory_space<vmem>>) target(%dma_start3A_60 : memref<320x64xf32, #tpu.memory_space<hbm>>) target_semaphore(%dma_start3A_58 : memref<!tpu.dma_semaphore, #tpu.memory_space<semaphore_mem>>)
    %add3A_61 = arith.constant 3072 : i32
    %add3A_62 = arith.addi %add3A, %add3A_61 : i32
    %min3A_63 = arith.constant 3124 : i32
    %min3A_64 = arith.minsi %add3A_62, %min3A_63 : i32
    %mul3A_65 = arith.constant 320 : i32
    %mul3A_66 = arith.muli %min3A_64, %mul3A_65 : i32
    %dma_wait3A_67 = arith.constant 0 : i32
    %dma_wait3A_68 = arith.constant 0 : i32
    %dma_wait3A_69 = tpu.memref_slice %arg3[%mul3A_66, %dma_wait3A_68] : memref<1000000x128xf32, #tpu.memory_space<hbm>> -> memref<320x64xf32, #tpu.memory_space<hbm>>
    %dma_wait3A_70 = tpu.memref_slice %arg9[%dma_wait3A_67] : memref<2x!tpu.dma_semaphore, #tpu.memory_space<semaphore_mem>> -> memref<1x!tpu.dma_semaphore, #tpu.memory_space<semaphore_mem>>
    %dma_wait3A_71 = tpu.memref_squeeze %dma_wait3A_70 : memref<1x!tpu.dma_semaphore, #tpu.memory_space<semaphore_mem>> -> memref<!tpu.dma_semaphore, #tpu.memory_space<semaphore_mem>>
    %dma_wait3A_72 = arith.constant 0 : i32
    %dma_wait3A_73 = tpu.memref_slice %arg3[%mul3A_66, %dma_wait3A_72] : memref<1000000x128xf32, #tpu.memory_space<hbm>> -> memref<320x64xf32, #tpu.memory_space<hbm>>
    tpu.wait_dma2 semaphore(%dma_wait3A_71 : memref<!tpu.dma_semaphore, #tpu.memory_space<semaphore_mem>>) src(%arg6 : memref<320x64xf32, #tpu.memory_space<vmem>>) dst(%dma_wait3A_73 : memref<320x64xf32, #tpu.memory_space<hbm>>)
    %add3A_74 = arith.constant 3104 : i32
    %add3A_75 = arith.addi %add3A, %add3A_74 : i32
    %min3A_76 = arith.constant 3124 : i32
    %min3A_77 = arith.minsi %add3A_75, %min3A_76 : i32
    %mul3A_78 = arith.constant 320 : i32
    %mul3A_79 = arith.muli %min3A_77, %mul3A_78 : i32
    %dma_wait3A_80 = arith.constant 1 : i32
    %dma_wait3A_81 = arith.constant 0 : i32
    %dma_wait3A_82 = tpu.memref_slice %arg2[%dma_wait3A_81, %mul3A_79] : memref<64x1000000xf32, #tpu.memory_space<hbm>> -> memref<64x320xf32, #tpu.memory_space<hbm>>
    %dma_wait3A_83 = tpu.memref_slice %arg8[%dma_wait3A_80] : memref<2x!tpu.dma_semaphore, #tpu.memory_space<semaphore_mem>> -> memref<1x!tpu.dma_semaphore, #tpu.memory_space<semaphore_mem>>
    %dma_wait3A_84 = tpu.memref_squeeze %dma_wait3A_83 : memref<1x!tpu.dma_semaphore, #tpu.memory_space<semaphore_mem>> -> memref<!tpu.dma_semaphore, #tpu.memory_space<semaphore_mem>>
    %dma_wait3A_85 = arith.constant 0 : i32
    %dma_wait3A_86 = tpu.memref_slice %arg2[%dma_wait3A_85, %mul3A_79] : memref<64x1000000xf32, #tpu.memory_space<hbm>> -> memref<64x320xf32, #tpu.memory_space<hbm>>
    tpu.wait_dma2 semaphore(%dma_wait3A_84 : memref<!tpu.dma_semaphore, #tpu.memory_space<semaphore_mem>>) src(%dma_wait3A_86 : memref<64x320xf32, #tpu.memory_space<hbm>>) dst(%arg5 : memref<64x320xf32, #tpu.memory_space<vmem>>)
    %scan3A_87 = arith.constant 0 : i32
    %scan3A_88 = arith.constant 0 : i32
    %scan3A_89 = arith.constant 320 : i32
    %scan3A_90 = arith.addi %scan3A_88, %scan3A_89 : i32
    %scan3A_91 = arith.constant 1 : i32
    scf.for %scan3A_119 = %scan3A_88 to %scan3A_90 step %scan3A_91  : i32 {
      %broadcast_in_dim3A = vector.broadcast %scan3A_119 : i32 to vector<16xi32>
      %add3A_120 = arith.constant 0 : i32
      %add3A_121 = vector.broadcast %add3A_120 : i32 to vector<16xi32>
      %add3A_122 = arith.addi %iota3A, %add3A_121 : vector<16xi32>
      %gather3A = tpu.vector_load_idx %arg5[%add3A_122, %broadcast_in_dim3A] : memref<64x320xf32, #tpu.memory_space<vmem>>[vector<16xi32>, vector<16xi32>], vector<16xf32>,
      %swap3A = arith.index_cast %scan3A_119 : i32 to index
      %swap3A_123 = arith.constant 0 : index
      %swap3A_124 = tpu.vector_load %arg7[%swap3A, %swap3A_123] {strides = array<i32>} : memref<320x64xf32, #tpu.memory_space<vmem>>, vector<16xf32>,
      tpu.vector_store %arg7[%swap3A, %swap3A_123], %gather3A {strides = array<i32>} : memref<320x64xf32, #tpu.memory_space<vmem>>, vector<16xf32>,
      %add3A_125 = arith.constant 16 : i32
      %add3A_126 = vector.broadcast %add3A_125 : i32 to vector<16xi32>
      %add3A_127 = arith.addi %iota3A, %add3A_126 : vector<16xi32>
      %gather3A_128 = tpu.vector_load_idx %arg5[%add3A_127, %broadcast_in_dim3A] : memref<64x320xf32, #tpu.memory_space<vmem>>[vector<16xi32>, vector<16xi32>], vector<16xf32>,
      %swap3A_129 = arith.index_cast %scan3A_119 : i32 to index
      %swap3A_130 = arith.constant 16 : index
      %swap3A_131 = tpu.vector_load %arg7[%swap3A_129, %swap3A_130] {strides = array<i32>} : memref<320x64xf32, #tpu.memory_space<vmem>>, vector<16xf32>,
      tpu.vector_store %arg7[%swap3A_129, %swap3A_130], %gather3A_128 {strides = array<i32>} : memref<320x64xf32, #tpu.memory_space<vmem>>, vector<16xf32>,
      %add3A_132 = arith.constant 32 : i32
      %add3A_133 = vector.broadcast %add3A_132 : i32 to vector<16xi32>
      %add3A_134 = arith.addi %iota3A, %add3A_133 : vector<16xi32>
      %gather3A_135 = tpu.vector_load_idx %arg5[%add3A_134, %broadcast_in_dim3A] : memref<64x320xf32, #tpu.memory_space<vmem>>[vector<16xi32>, vector<16xi32>], vector<16xf32>,
      %swap3A_136 = arith.index_cast %scan3A_119 : i32 to index
      %swap3A_137 = arith.constant 32 : index
      %swap3A_138 = tpu.vector_load %arg7[%swap3A_136, %swap3A_137] {strides = array<i32>} : memref<320x64xf32, #tpu.memory_space<vmem>>, vector<16xf32>,
      tpu.vector_store %arg7[%swap3A_136, %swap3A_137], %gather3A_135 {strides = array<i32>} : memref<320x64xf32, #tpu.memory_space<vmem>>, vector<16xf32>,
      %add3A_139 = arith.constant 48 : i32
      %add3A_140 = vector.broadcast %add3A_139 : i32 to vector<16xi32>
      %add3A_141 = arith.addi %iota3A, %add3A_140 : vector<16xi32>
      %gather3A_142 = tpu.vector_load_idx %arg5[%add3A_141, %broadcast_in_dim3A] : memref<64x320xf32, #tpu.memory_space<vmem>>[vector<16xi32>, vector<16xi32>], vector<16xf32>,
      %swap3A_143 = arith.index_cast %scan3A_119 : i32 to index
      %swap3A_144 = arith.constant 48 : index
      %swap3A_145 = tpu.vector_load %arg7[%swap3A_143, %swap3A_144] {strides = array<i32>} : memref<320x64xf32, #tpu.memory_space<vmem>>, vector<16xf32>,
      tpu.vector_store %arg7[%swap3A_143, %swap3A_144], %gather3A_142 {strides = array<i32>} : memref<320x64xf32, #tpu.memory_space<vmem>>, vector<16xf32>,
    }
    %scan3A_92 = arith.constant 320 : i32
    %add3A_93 = arith.constant 3104 : i32
    %add3A_94 = arith.addi %add3A, %add3A_93 : i32
    %min3A_95 = arith.constant 3124 : i32
    %min3A_96 = arith.minsi %add3A_94, %min3A_95 : i32
    %mul3A_97 = arith.constant 320 : i32
    %mul3A_98 = arith.muli %min3A_96, %mul3A_97 : i32
    %dma_start3A_99 = arith.constant 1 : i32
    %dma_start3A_100 = arith.constant 0 : i32
    %dma_start3A_101 = tpu.memref_slice %arg3[%mul3A_98, %dma_start3A_100] : memref<1000000x128xf32, #tpu.memory_space<hbm>> -> memref<320x64xf32, #tpu.memory_space<hbm>>
    %dma_start3A_102 = tpu.memref_slice %arg9[%dma_start3A_99] : memref<2x!tpu.dma_semaphore, #tpu.memory_space<semaphore_mem>> -> memref<1x!tpu.dma_semaphore, #tpu.memory_space<semaphore_mem>>
    %dma_start3A_103 = tpu.memref_squeeze %dma_start3A_102 : memref<1x!tpu.dma_semaphore, #tpu.memory_space<semaphore_mem>> -> memref<!tpu.dma_semaphore, #tpu.memory_space<semaphore_mem>>
    %dma_start3A_104 = arith.constant 0 : i32
    %dma_start3A_105 = tpu.memref_slice %arg3[%mul3A_98, %dma_start3A_104] : memref<1000000x128xf32, #tpu.memory_space<hbm>> -> memref<320x64xf32, #tpu.memory_space<hbm>>
    tpu.enqueue_dma source(%arg7 : memref<320x64xf32, #tpu.memory_space<vmem>>) target(%dma_start3A_105 : memref<320x64xf32, #tpu.memory_space<hbm>>) target_semaphore(%dma_start3A_103 : memref<!tpu.dma_semaphore, #tpu.memory_space<semaphore_mem>>)
    %add3A_106 = arith.constant 3104 : i32
    %add3A_107 = arith.addi %add3A, %add3A_106 : i32
    %min3A_108 = arith.constant 3124 : i32
    %min3A_109 = arith.minsi %add3A_107, %min3A_108 : i32
    %mul3A_110 = arith.constant 320 : i32
    %mul3A_111 = arith.muli %min3A_109, %mul3A_110 : i32
    %dma_wait3A_112 = arith.constant 1 : i32
    %dma_wait3A_113 = arith.constant 0 : i32
    %dma_wait3A_114 = tpu.memref_slice %arg3[%mul3A_111, %dma_wait3A_113] : memref<1000000x128xf32, #tpu.memory_space<hbm>> -> memref<320x64xf32, #tpu.memory_space<hbm>>
    %dma_wait3A_115 = tpu.memref_slice %arg9[%dma_wait3A_112] : memref<2x!tpu.dma_semaphore, #tpu.memory_space<semaphore_mem>> -> memref<1x!tpu.dma_semaphore, #tpu.memory_space<semaphore_mem>>
    %dma_wait3A_116 = tpu.memref_squeeze %dma_wait3A_115 : memref<1x!tpu.dma_semaphore, #tpu.memory_space<semaphore_mem>> -> memref<!tpu.dma_semaphore, #tpu.memory_space<semaphore_mem>>
    %dma_wait3A_117 = arith.constant 0 : i32
    %dma_wait3A_118 = tpu.memref_slice %arg3[%mul3A_111, %dma_wait3A_117] : memref<1000000x128xf32, #tpu.memory_space<hbm>> -> memref<320x64xf32, #tpu.memory_space<hbm>>
    tpu.wait_dma2 semaphore(%dma_wait3A_116 : memref<!tpu.dma_semaphore, #tpu.memory_space<semaphore_mem>>) src(%arg7 : memref<320x64xf32, #tpu.memory_space<vmem>>) dst(%dma_wait3A_118 : memref<320x64xf32, #tpu.memory_space<hbm>>)
    return
  }
}

#map = affine_map<(d0, d1) -> (0, 0)>
#map1 = affine_map<(d0, d1) -> (0, 0, 0)>
module attributes {stable_mosaic.version = 14 : i64} {
  func.func @k(%arg0: i32, %arg1: i32, %arg2: memref<4096x200xi32, #tpu.memory_space<hbm>>, %arg3: memref<2000000x64xf32, #tpu.memory_space<hbm>>, %arg4: memref<4096x200x128xf32, #tpu.memory_space<hbm>>, %arg5: memref<128x200xi32, #tpu.memory_space<vmem>>, %arg6: memref<8x200x64xf32, #tpu.memory_space<vmem>>, %arg7: memref<8x!tpu.dma_semaphore, #tpu.memory_space<semaphore_mem>>, %arg8: memref<8x!tpu.dma_semaphore, #tpu.memory_space<semaphore_mem>>) attributes {dimension_semantics = [#tpu.dimension_semantics<core_parallel>, #tpu.dimension_semantics<subcore_parallel>], iteration_bounds = array<i64: 2, 16>, scalar_prefetch = 0 : i64, scratch_operands = 4 : i64, tpu.core_type = #tpu.core_type<sc_vector_subcore>, window_params = [{transform_indices = #map}, {transform_indices = #map}, {transform_indices = #map1}]} {
    %mul3A = arith.constant 2 : i32
    %mul3A_0 = arith.muli %arg1, %mul3A : i32
    %add3A = arith.addi %mul3A_0, %arg0 : i32
    %mul3A_1 = arith.constant 128 : i32
    %mul3A_2 = arith.muli %add3A, %mul3A_1 : i32
    "tpu.region"() ({
      %run_scoped3A = tpu.sem_alloc : memref<!tpu.dma_semaphore, #tpu.memory_space<semaphore_mem>>
      %dma_start3A_550 = arith.constant 0 : i32
      %dma_start3A_551 = tpu.memref_slice %arg2[%mul3A_2, %dma_start3A_550] : memref<4096x200xi32, #tpu.memory_space<hbm>> -> memref<128x200xi32, #tpu.memory_space<hbm>>
      %dma_start3A_552 = arith.constant 0 : i32
      %dma_start3A_553 = tpu.memref_slice %arg2[%mul3A_2, %dma_start3A_552] : memref<4096x200xi32, #tpu.memory_space<hbm>> -> memref<128x200xi32, #tpu.memory_space<hbm>>
      tpu.enqueue_dma source(%dma_start3A_553 : memref<128x200xi32, #tpu.memory_space<hbm>>) target(%arg5 : memref<128x200xi32, #tpu.memory_space<vmem>>) target_semaphore(%run_scoped3A : memref<!tpu.dma_semaphore, #tpu.memory_space<semaphore_mem>>)
      %dma_wait3A_554 = arith.constant 0 : i32
      %dma_wait3A_555 = tpu.memref_slice %arg2[%mul3A_2, %dma_wait3A_554] : memref<4096x200xi32, #tpu.memory_space<hbm>> -> memref<128x200xi32, #tpu.memory_space<hbm>>
      %dma_wait3A_556 = arith.constant 0 : i32
      %dma_wait3A_557 = tpu.memref_slice %arg2[%mul3A_2, %dma_wait3A_556] : memref<4096x200xi32, #tpu.memory_space<hbm>> -> memref<128x200xi32, #tpu.memory_space<hbm>>
      tpu.wait_dma2 semaphore(%run_scoped3A : memref<!tpu.dma_semaphore, #tpu.memory_space<semaphore_mem>>) src(%dma_wait3A_557 : memref<128x200xi32, #tpu.memory_space<hbm>>) dst(%arg5 : memref<128x200xi32, #tpu.memory_space<vmem>>)
      tpu.yield
    }) : () -> ()
    %dma_start3A = arith.constant 0 : i32
    %dma_start3A_3 = arith.constant 0 : i32
    %dma_start3A_4 = arith.constant 0 : i32
    %dma_start3A_5 = arith.constant 0 : i32
    %dma_start3A_6 = arith.constant 0 : i32
    %dma_start3A_7 = tpu.memref_slice %arg6[%dma_start3A_3, %dma_start3A_5, %dma_start3A_6] : memref<8x200x64xf32, #tpu.memory_space<vmem>> -> memref<1x200x64xf32, #tpu.memory_space<vmem>>
    %dma_start3A_8 = tpu.memref_squeeze %dma_start3A_7 : memref<1x200x64xf32, #tpu.memory_space<vmem>> -> memref<200x64xf32, #tpu.memory_space<vmem>>
    %dma_start3A_9 = arith.constant 0 : i32
    %dma_start3A_10 = tpu.memref_slice %arg5[%dma_start3A, %dma_start3A_9] : memref<128x200xi32, #tpu.memory_space<vmem>> -> memref<1x200xi32, #tpu.memory_space<vmem>>
    %dma_start3A_11 = tpu.memref_squeeze %dma_start3A_10 : memref<1x200xi32, #tpu.memory_space<vmem>> -> memref<200xi32, #tpu.memory_space<vmem>>
    %dma_start3A_12 = arith.constant 0 : i32
    %dma_start3A_13 = arith.constant 0 : i32
    %dma_start3A_14 = tpu.memref_slice %arg3[%dma_start3A_12, %dma_start3A_13] : memref<2000000x64xf32, #tpu.memory_space<hbm>> -> memref<2000000x64xf32, #tpu.memory_space<hbm>>
    %dma_start3A_15 = tpu.memref_slice %arg7[%dma_start3A_4] : memref<8x!tpu.dma_semaphore, #tpu.memory_space<semaphore_mem>> -> memref<1x!tpu.dma_semaphore, #tpu.memory_space<semaphore_mem>>
    %dma_start3A_16 = tpu.memref_squeeze %dma_start3A_15 : memref<1x!tpu.dma_semaphore, #tpu.memory_space<semaphore_mem>> -> memref<!tpu.dma_semaphore, #tpu.memory_space<semaphore_mem>>
    tpu.enqueue_indirect_dma source(%dma_start3A_14 : memref<2000000x64xf32, #tpu.memory_space<hbm>>) target(%dma_start3A_8 : memref<200x64xf32, #tpu.memory_space<vmem>>) offsets(%dma_start3A_11 : memref<200xi32, #tpu.memory_space<vmem>>) semaphore(%dma_start3A_16 : memref<!tpu.dma_semaphore, #tpu.memory_space<semaphore_mem>>)
    %dma_start3A_17 = arith.constant 1 : i32
    %dma_start3A_18 = arith.constant 1 : i32
    %dma_start3A_19 = arith.constant 1 : i32
    %dma_start3A_20 = arith.constant 0 : i32
    %dma_start3A_21 = arith.constant 0 : i32
    %dma_start3A_22 = tpu.memref_slice %arg6[%dma_start3A_18, %dma_start3A_20, %dma_start3A_21] : memref<8x200x64xf32, #tpu.memory_space<vmem>> -> memref<1x200x64xf32, #tpu.memory_space<vmem>>
    %dma_start3A_23 = tpu.memref_squeeze %dma_start3A_22 : memref<1x200x64xf32, #tpu.memory_space<vmem>> -> memref<200x64xf32, #tpu.memory_space<vmem>>
    %dma_start3A_24 = arith.constant 0 : i32
    %dma_start3A_25 = tpu.memref_slice %arg5[%dma_start3A_17, %dma_start3A_24] : memref<128x200xi32, #tpu.memory_space<vmem>> -> memref<1x200xi32, #tpu.memory_space<vmem>>
    %dma_start3A_26 = tpu.memref_squeeze %dma_start3A_25 : memref<1x200xi32, #tpu.memory_space<vmem>> -> memref<200xi32, #tpu.memory_space<vmem>>
    %dma_start3A_27 = arith.constant 0 : i32
    %dma_start3A_28 = arith.constant 0 : i32
    %dma_start3A_29 = tpu.memref_slice %arg3[%dma_start3A_27, %dma_start3A_28] : memref<2000000x64xf32, #tpu.memory_space<hbm>> -> memref<2000000x64xf32, #tpu.memory_space<hbm>>
    %dma_start3A_30 = tpu.memref_slice %arg7[%dma_start3A_19] : memref<8x!tpu.dma_semaphore, #tpu.memory_space<semaphore_mem>> -> memref<1x!tpu.dma_semaphore, #tpu.memory_space<semaphore_mem>>
    %dma_start3A_31 = tpu.memref_squeeze %dma_start3A_30 : memref<1x!tpu.dma_semaphore, #tpu.memory_space<semaphore_mem>> -> memref<!tpu.dma_semaphore, #tpu.memory_space<semaphore_mem>>
    tpu.enqueue_indirect_dma source(%dma_start3A_29 : memref<2000000x64xf32, #tpu.memory_space<hbm>>) target(%dma_start3A_23 : memref<200x64xf32, #tpu.memory_space<vmem>>) offsets(%dma_start3A_26 : memref<200xi32, #tpu.memory_space<vmem>>) semaphore(%dma_start3A_31 : memref<!tpu.dma_semaphore, #tpu.memory_space<semaphore_mem>>)
    %dma_start3A_32 = arith.constant 2 : i32
    %dma_start3A_33 = arith.constant 2 : i32
    %dma_start3A_34 = arith.constant 2 : i32
    %dma_start3A_35 = arith.constant 0 : i32
    %dma_start3A_36 = arith.constant 0 : i32
    %dma_start3A_37 = tpu.memref_slice %arg6[%dma_start3A_33, %dma_start3A_35, %dma_start3A_36] : memref<8x200x64xf32, #tpu.memory_space<vmem>> -> memref<1x200x64xf32, #tpu.memory_space<vmem>>
    %dma_start3A_38 = tpu.memref_squeeze %dma_start3A_37 : memref<1x200x64xf32, #tpu.memory_space<vmem>> -> memref<200x64xf32, #tpu.memory_space<vmem>>
    %dma_start3A_39 = arith.constant 0 : i32
    %dma_start3A_40 = tpu.memref_slice %arg5[%dma_start3A_32, %dma_start3A_39] : memref<128x200xi32, #tpu.memory_space<vmem>> -> memref<1x200xi32, #tpu.memory_space<vmem>>
    %dma_start3A_41 = tpu.memref_squeeze %dma_start3A_40 : memref<1x200xi32, #tpu.memory_space<vmem>> -> memref<200xi32, #tpu.memory_space<vmem>>
    %dma_start3A_42 = arith.constant 0 : i32
    %dma_start3A_43 = arith.constant 0 : i32
    %dma_start3A_44 = tpu.memref_slice %arg3[%dma_start3A_42, %dma_start3A_43] : memref<2000000x64xf32, #tpu.memory_space<hbm>> -> memref<2000000x64xf32, #tpu.memory_space<hbm>>
    %dma_start3A_45 = tpu.memref_slice %arg7[%dma_start3A_34] : memref<8x!tpu.dma_semaphore, #tpu.memory_space<semaphore_mem>> -> memref<1x!tpu.dma_semaphore, #tpu.memory_space<semaphore_mem>>
    %dma_start3A_46 = tpu.memref_squeeze %dma_start3A_45 : memref<1x!tpu.dma_semaphore, #tpu.memory_space<semaphore_mem>> -> memref<!tpu.dma_semaphore, #tpu.memory_space<semaphore_mem>>
    tpu.enqueue_indirect_dma source(%dma_start3A_44 : memref<2000000x64xf32, #tpu.memory_space<hbm>>) target(%dma_start3A_38 : memref<200x64xf32, #tpu.memory_space<vmem>>) offsets(%dma_start3A_41 : memref<200xi32, #tpu.memory_space<vmem>>) semaphore(%dma_start3A_46 : memref<!tpu.dma_semaphore, #tpu.memory_space<semaphore_mem>>)
    %dma_start3A_47 = arith.constant 3 : i32
    %dma_start3A_48 = arith.constant 3 : i32
    %dma_start3A_49 = arith.constant 3 : i32
    %dma_start3A_50 = arith.constant 0 : i32
    %dma_start3A_51 = arith.constant 0 : i32
    %dma_start3A_52 = tpu.memref_slice %arg6[%dma_start3A_48, %dma_start3A_50, %dma_start3A_51] : memref<8x200x64xf32, #tpu.memory_space<vmem>> -> memref<1x200x64xf32, #tpu.memory_space<vmem>>
    %dma_start3A_53 = tpu.memref_squeeze %dma_start3A_52 : memref<1x200x64xf32, #tpu.memory_space<vmem>> -> memref<200x64xf32, #tpu.memory_space<vmem>>
    %dma_start3A_54 = arith.constant 0 : i32
    %dma_start3A_55 = tpu.memref_slice %arg5[%dma_start3A_47, %dma_start3A_54] : memref<128x200xi32, #tpu.memory_space<vmem>> -> memref<1x200xi32, #tpu.memory_space<vmem>>
    %dma_start3A_56 = tpu.memref_squeeze %dma_start3A_55 : memref<1x200xi32, #tpu.memory_space<vmem>> -> memref<200xi32, #tpu.memory_space<vmem>>
    %dma_start3A_57 = arith.constant 0 : i32
    %dma_start3A_58 = arith.constant 0 : i32
    %dma_start3A_59 = tpu.memref_slice %arg3[%dma_start3A_57, %dma_start3A_58] : memref<2000000x64xf32, #tpu.memory_space<hbm>> -> memref<2000000x64xf32, #tpu.memory_space<hbm>>
    %dma_start3A_60 = tpu.memref_slice %arg7[%dma_start3A_49] : memref<8x!tpu.dma_semaphore, #tpu.memory_space<semaphore_mem>> -> memref<1x!tpu.dma_semaphore, #tpu.memory_space<semaphore_mem>>
    %dma_start3A_61 = tpu.memref_squeeze %dma_start3A_60 : memref<1x!tpu.dma_semaphore, #tpu.memory_space<semaphore_mem>> -> memref<!tpu.dma_semaphore, #tpu.memory_space<semaphore_mem>>
    tpu.enqueue_indirect_dma source(%dma_start3A_59 : memref<2000000x64xf32, #tpu.memory_space<hbm>>) target(%dma_start3A_53 : memref<200x64xf32, #tpu.memory_space<vmem>>) offsets(%dma_start3A_56 : memref<200xi32, #tpu.memory_space<vmem>>) semaphore(%dma_start3A_61 : memref<!tpu.dma_semaphore, #tpu.memory_space<semaphore_mem>>)
    %dma_start3A_62 = arith.constant 4 : i32
    %dma_start3A_63 = arith.constant 4 : i32
    %dma_start3A_64 = arith.constant 4 : i32
    %dma_start3A_65 = arith.constant 0 : i32
    %dma_start3A_66 = arith.constant 0 : i32
    %dma_start3A_67 = tpu.memref_slice %arg6[%dma_start3A_63, %dma_start3A_65, %dma_start3A_66] : memref<8x200x64xf32, #tpu.memory_space<vmem>> -> memref<1x200x64xf32, #tpu.memory_space<vmem>>
    %dma_start3A_68 = tpu.memref_squeeze %dma_start3A_67 : memref<1x200x64xf32, #tpu.memory_space<vmem>> -> memref<200x64xf32, #tpu.memory_space<vmem>>
    %dma_start3A_69 = arith.constant 0 : i32
    %dma_start3A_70 = tpu.memref_slice %arg5[%dma_start3A_62, %dma_start3A_69] : memref<128x200xi32, #tpu.memory_space<vmem>> -> memref<1x200xi32, #tpu.memory_space<vmem>>
    %dma_start3A_71 = tpu.memref_squeeze %dma_start3A_70 : memref<1x200xi32, #tpu.memory_space<vmem>> -> memref<200xi32, #tpu.memory_space<vmem>>
    %dma_start3A_72 = arith.constant 0 : i32
    %dma_start3A_73 = arith.constant 0 : i32
    %dma_start3A_74 = tpu.memref_slice %arg3[%dma_start3A_72, %dma_start3A_73] : memref<2000000x64xf32, #tpu.memory_space<hbm>> -> memref<2000000x64xf32, #tpu.memory_space<hbm>>
    %dma_start3A_75 = tpu.memref_slice %arg7[%dma_start3A_64] : memref<8x!tpu.dma_semaphore, #tpu.memory_space<semaphore_mem>> -> memref<1x!tpu.dma_semaphore, #tpu.memory_space<semaphore_mem>>
    %dma_start3A_76 = tpu.memref_squeeze %dma_start3A_75 : memref<1x!tpu.dma_semaphore, #tpu.memory_space<semaphore_mem>> -> memref<!tpu.dma_semaphore, #tpu.memory_space<semaphore_mem>>
    tpu.enqueue_indirect_dma source(%dma_start3A_74 : memref<2000000x64xf32, #tpu.memory_space<hbm>>) target(%dma_start3A_68 : memref<200x64xf32, #tpu.memory_space<vmem>>) offsets(%dma_start3A_71 : memref<200xi32, #tpu.memory_space<vmem>>) semaphore(%dma_start3A_76 : memref<!tpu.dma_semaphore, #tpu.memory_space<semaphore_mem>>)
    %dma_start3A_77 = arith.constant 5 : i32
    %dma_start3A_78 = arith.constant 5 : i32
    %dma_start3A_79 = arith.constant 5 : i32
    %dma_start3A_80 = arith.constant 0 : i32
    %dma_start3A_81 = arith.constant 0 : i32
    %dma_start3A_82 = tpu.memref_slice %arg6[%dma_start3A_78, %dma_start3A_80, %dma_start3A_81] : memref<8x200x64xf32, #tpu.memory_space<vmem>> -> memref<1x200x64xf32, #tpu.memory_space<vmem>>
    %dma_start3A_83 = tpu.memref_squeeze %dma_start3A_82 : memref<1x200x64xf32, #tpu.memory_space<vmem>> -> memref<200x64xf32, #tpu.memory_space<vmem>>
    %dma_start3A_84 = arith.constant 0 : i32
    %dma_start3A_85 = tpu.memref_slice %arg5[%dma_start3A_77, %dma_start3A_84] : memref<128x200xi32, #tpu.memory_space<vmem>> -> memref<1x200xi32, #tpu.memory_space<vmem>>
    %dma_start3A_86 = tpu.memref_squeeze %dma_start3A_85 : memref<1x200xi32, #tpu.memory_space<vmem>> -> memref<200xi32, #tpu.memory_space<vmem>>
    %dma_start3A_87 = arith.constant 0 : i32
    %dma_start3A_88 = arith.constant 0 : i32
    %dma_start3A_89 = tpu.memref_slice %arg3[%dma_start3A_87, %dma_start3A_88] : memref<2000000x64xf32, #tpu.memory_space<hbm>> -> memref<2000000x64xf32, #tpu.memory_space<hbm>>
    %dma_start3A_90 = tpu.memref_slice %arg7[%dma_start3A_79] : memref<8x!tpu.dma_semaphore, #tpu.memory_space<semaphore_mem>> -> memref<1x!tpu.dma_semaphore, #tpu.memory_space<semaphore_mem>>
    %dma_start3A_91 = tpu.memref_squeeze %dma_start3A_90 : memref<1x!tpu.dma_semaphore, #tpu.memory_space<semaphore_mem>> -> memref<!tpu.dma_semaphore, #tpu.memory_space<semaphore_mem>>
    tpu.enqueue_indirect_dma source(%dma_start3A_89 : memref<2000000x64xf32, #tpu.memory_space<hbm>>) target(%dma_start3A_83 : memref<200x64xf32, #tpu.memory_space<vmem>>) offsets(%dma_start3A_86 : memref<200xi32, #tpu.memory_space<vmem>>) semaphore(%dma_start3A_91 : memref<!tpu.dma_semaphore, #tpu.memory_space<semaphore_mem>>)
    %dma_start3A_92 = arith.constant 6 : i32
    %dma_start3A_93 = arith.constant 6 : i32
    %dma_start3A_94 = arith.constant 6 : i32
    %dma_start3A_95 = arith.constant 0 : i32
    %dma_start3A_96 = arith.constant 0 : i32
    %dma_start3A_97 = tpu.memref_slice %arg6[%dma_start3A_93, %dma_start3A_95, %dma_start3A_96] : memref<8x200x64xf32, #tpu.memory_space<vmem>> -> memref<1x200x64xf32, #tpu.memory_space<vmem>>
    %dma_start3A_98 = tpu.memref_squeeze %dma_start3A_97 : memref<1x200x64xf32, #tpu.memory_space<vmem>> -> memref<200x64xf32, #tpu.memory_space<vmem>>
    %dma_start3A_99 = arith.constant 0 : i32
    %dma_start3A_100 = tpu.memref_slice %arg5[%dma_start3A_92, %dma_start3A_99] : memref<128x200xi32, #tpu.memory_space<vmem>> -> memref<1x200xi32, #tpu.memory_space<vmem>>
    %dma_start3A_101 = tpu.memref_squeeze %dma_start3A_100 : memref<1x200xi32, #tpu.memory_space<vmem>> -> memref<200xi32, #tpu.memory_space<vmem>>
    %dma_start3A_102 = arith.constant 0 : i32
    %dma_start3A_103 = arith.constant 0 : i32
    %dma_start3A_104 = tpu.memref_slice %arg3[%dma_start3A_102, %dma_start3A_103] : memref<2000000x64xf32, #tpu.memory_space<hbm>> -> memref<2000000x64xf32, #tpu.memory_space<hbm>>
    %dma_start3A_105 = tpu.memref_slice %arg7[%dma_start3A_94] : memref<8x!tpu.dma_semaphore, #tpu.memory_space<semaphore_mem>> -> memref<1x!tpu.dma_semaphore, #tpu.memory_space<semaphore_mem>>
    %dma_start3A_106 = tpu.memref_squeeze %dma_start3A_105 : memref<1x!tpu.dma_semaphore, #tpu.memory_space<semaphore_mem>> -> memref<!tpu.dma_semaphore, #tpu.memory_space<semaphore_mem>>
    tpu.enqueue_indirect_dma source(%dma_start3A_104 : memref<2000000x64xf32, #tpu.memory_space<hbm>>) target(%dma_start3A_98 : memref<200x64xf32, #tpu.memory_space<vmem>>) offsets(%dma_start3A_101 : memref<200xi32, #tpu.memory_space<vmem>>) semaphore(%dma_start3A_106 : memref<!tpu.dma_semaphore, #tpu.memory_space<semaphore_mem>>)
    %dma_start3A_107 = arith.constant 7 : i32
    %dma_start3A_108 = arith.constant 7 : i32
    %dma_start3A_109 = arith.constant 7 : i32
    %dma_start3A_110 = arith.constant 0 : i32
    %dma_start3A_111 = arith.constant 0 : i32
    %dma_start3A_112 = tpu.memref_slice %arg6[%dma_start3A_108, %dma_start3A_110, %dma_start3A_111] : memref<8x200x64xf32, #tpu.memory_space<vmem>> -> memref<1x200x64xf32, #tpu.memory_space<vmem>>
    %dma_start3A_113 = tpu.memref_squeeze %dma_start3A_112 : memref<1x200x64xf32, #tpu.memory_space<vmem>> -> memref<200x64xf32, #tpu.memory_space<vmem>>
    %dma_start3A_114 = arith.constant 0 : i32
    %dma_start3A_115 = tpu.memref_slice %arg5[%dma_start3A_107, %dma_start3A_114] : memref<128x200xi32, #tpu.memory_space<vmem>> -> memref<1x200xi32, #tpu.memory_space<vmem>>
    %dma_start3A_116 = tpu.memref_squeeze %dma_start3A_115 : memref<1x200xi32, #tpu.memory_space<vmem>> -> memref<200xi32, #tpu.memory_space<vmem>>
    %dma_start3A_117 = arith.constant 0 : i32
    %dma_start3A_118 = arith.constant 0 : i32
    %dma_start3A_119 = tpu.memref_slice %arg3[%dma_start3A_117, %dma_start3A_118] : memref<2000000x64xf32, #tpu.memory_space<hbm>> -> memref<2000000x64xf32, #tpu.memory_space<hbm>>
    %dma_start3A_120 = tpu.memref_slice %arg7[%dma_start3A_109] : memref<8x!tpu.dma_semaphore, #tpu.memory_space<semaphore_mem>> -> memref<1x!tpu.dma_semaphore, #tpu.memory_space<semaphore_mem>>
    %dma_start3A_121 = tpu.memref_squeeze %dma_start3A_120 : memref<1x!tpu.dma_semaphore, #tpu.memory_space<semaphore_mem>> -> memref<!tpu.dma_semaphore, #tpu.memory_space<semaphore_mem>>
    tpu.enqueue_indirect_dma source(%dma_start3A_119 : memref<2000000x64xf32, #tpu.memory_space<hbm>>) target(%dma_start3A_113 : memref<200x64xf32, #tpu.memory_space<vmem>>) offsets(%dma_start3A_116 : memref<200xi32, #tpu.memory_space<vmem>>) semaphore(%dma_start3A_121 : memref<!tpu.dma_semaphore, #tpu.memory_space<semaphore_mem>>)
    %scan3A = arith.constant 0 : i32
    %scan3A_122 = arith.constant 0 : i32
    %scan3A_123 = arith.constant 15 : i32
    %scan3A_124 = arith.addi %scan3A_122, %scan3A_123 : i32
    %scan3A_125 = arith.constant 1 : i32
    scf.for %scan3A_550 = %scan3A_122 to %scan3A_124 step %scan3A_125  : i32 {
      %mul3A_551 = arith.constant 8 : i32
      %mul3A_552 = arith.muli %scan3A_550, %mul3A_551 : i32
      %add3A_553 = arith.constant 0 : i32
      %add3A_554 = arith.addi %mul3A_552, %add3A_553 : i32
      %dma_wait3A_555 = arith.constant 0 : i32
      %dma_wait3A_556 = arith.constant 0 : i32
      %dma_wait3A_557 = arith.constant 0 : i32
      %dma_wait3A_558 = arith.constant 0 : i32
      %dma_wait3A_559 = tpu.memref_slice %arg6[%dma_wait3A_555, %dma_wait3A_557, %dma_wait3A_558] : memref<8x200x64xf32, #tpu.memory_space<vmem>> -> memref<1x200x64xf32, #tpu.memory_space<vmem>>
      %dma_wait3A_560 = tpu.memref_squeeze %dma_wait3A_559 : memref<1x200x64xf32, #tpu.memory_space<vmem>> -> memref<200x64xf32, #tpu.memory_space<vmem>>
      %dma_wait3A_561 = arith.constant 0 : i32
      %dma_wait3A_562 = tpu.memref_slice %arg5[%add3A_554, %dma_wait3A_561] : memref<128x200xi32, #tpu.memory_space<vmem>> -> memref<1x200xi32, #tpu.memory_space<vmem>>
      %dma_wait3A_563 = tpu.memref_squeeze %dma_wait3A_562 : memref<1x200xi32, #tpu.memory_space<vmem>> -> memref<200xi32, #tpu.memory_space<vmem>>
      %dma_wait3A_564 = arith.constant 0 : i32
      %dma_wait3A_565 = arith.constant 0 : i32
      %dma_wait3A_566 = tpu.memref_slice %arg3[%dma_wait3A_564, %dma_wait3A_565] : memref<2000000x64xf32, #tpu.memory_space<hbm>> -> memref<2000000x64xf32, #tpu.memory_space<hbm>>
      %dma_wait3A_567 = tpu.memref_slice %arg7[%dma_wait3A_556] : memref<8x!tpu.dma_semaphore, #tpu.memory_space<semaphore_mem>> -> memref<1x!tpu.dma_semaphore, #tpu.memory_space<semaphore_mem>>
      %dma_wait3A_568 = tpu.memref_squeeze %dma_wait3A_567 : memref<1x!tpu.dma_semaphore, #tpu.memory_space<semaphore_mem>> -> memref<!tpu.dma_semaphore, #tpu.memory_space<semaphore_mem>>
      tpu.wait_indirect_dma semaphore(%dma_wait3A_568 : memref<!tpu.dma_semaphore, #tpu.memory_space<semaphore_mem>>) src(%dma_wait3A_566 : memref<2000000x64xf32, #tpu.memory_space<hbm>>) dst(%dma_wait3A_560 : memref<200x64xf32, #tpu.memory_space<vmem>>)
      %add3A_569 = arith.addi %mul3A_2, %add3A_554 : i32
      %dma_start3A_570 = arith.constant 0 : i32
      %dma_start3A_571 = arith.constant 0 : i32
      %dma_start3A_572 = arith.constant 0 : i32
      %dma_start3A_573 = arith.constant 0 : i32
      %dma_start3A_574 = tpu.memref_slice %arg6[%dma_start3A_571, %dma_start3A_572, %dma_start3A_573] : memref<8x200x64xf32, #tpu.memory_space<vmem>> -> memref<1x200x64xf32, #tpu.memory_space<vmem>>
      %dma_start3A_575 = arith.constant 0 : i32
      %dma_start3A_576 = arith.constant 0 : i32
      %dma_start3A_577 = tpu.memref_slice %arg4[%add3A_569, %dma_start3A_575, %dma_start3A_576] : memref<4096x200x128xf32, #tpu.memory_space<hbm>> -> memref<1x200x64xf32, #tpu.memory_space<hbm>>
      %dma_start3A_578 = tpu.memref_slice %arg8[%dma_start3A_570] : memref<8x!tpu.dma_semaphore, #tpu.memory_space<semaphore_mem>> -> memref<1x!tpu.dma_semaphore, #tpu.memory_space<semaphore_mem>>
      %dma_start3A_579 = tpu.memref_squeeze %dma_start3A_578 : memref<1x!tpu.dma_semaphore, #tpu.memory_space<semaphore_mem>> -> memref<!tpu.dma_semaphore, #tpu.memory_space<semaphore_mem>>
      %dma_start3A_580 = arith.constant 0 : i32
      %dma_start3A_581 = arith.constant 0 : i32
      %dma_start3A_582 = tpu.memref_slice %arg4[%add3A_569, %dma_start3A_580, %dma_start3A_581] : memref<4096x200x128xf32, #tpu.memory_space<hbm>> -> memref<1x200x64xf32, #tpu.memory_space<hbm>>
      %dma_start3A_583 = arith.constant 0 : i32
      %dma_start3A_584 = arith.constant 0 : i32
      %dma_start3A_585 = arith.constant 0 : i32
      %dma_start3A_586 = tpu.memref_slice %arg6[%dma_start3A_583, %dma_start3A_584, %dma_start3A_585] : memref<8x200x64xf32, #tpu.memory_space<vmem>> -> memref<1x200x64xf32, #tpu.memory_space<vmem>>
      tpu.enqueue_dma source(%dma_start3A_586 : memref<1x200x64xf32, #tpu.memory_space<vmem>>) target(%dma_start3A_582 : memref<1x200x64xf32, #tpu.memory_space<hbm>>) target_semaphore(%dma_start3A_579 : memref<!tpu.dma_semaphore, #tpu.memory_space<semaphore_mem>>)
      %add3A_587 = arith.addi %mul3A_2, %add3A_554 : i32
      %dma_wait3A_588 = arith.constant 0 : i32
      %dma_wait3A_589 = arith.constant 0 : i32
      %dma_wait3A_590 = arith.constant 0 : i32
      %dma_wait3A_591 = arith.constant 0 : i32
      %dma_wait3A_592 = tpu.memref_slice %arg6[%dma_wait3A_589, %dma_wait3A_590, %dma_wait3A_591] : memref<8x200x64xf32, #tpu.memory_space<vmem>> -> memref<1x200x64xf32, #tpu.memory_space<vmem>>
      %dma_wait3A_593 = arith.constant 0 : i32
      %dma_wait3A_594 = arith.constant 0 : i32
      %dma_wait3A_595 = tpu.memref_slice %arg4[%add3A_587, %dma_wait3A_593, %dma_wait3A_594] : memref<4096x200x128xf32, #tpu.memory_space<hbm>> -> memref<1x200x64xf32, #tpu.memory_space<hbm>>
      %dma_wait3A_596 = tpu.memref_slice %arg8[%dma_wait3A_588] : memref<8x!tpu.dma_semaphore, #tpu.memory_space<semaphore_mem>> -> memref<1x!tpu.dma_semaphore, #tpu.memory_space<semaphore_mem>>
      %dma_wait3A_597 = tpu.memref_squeeze %dma_wait3A_596 : memref<1x!tpu.dma_semaphore, #tpu.memory_space<semaphore_mem>> -> memref<!tpu.dma_semaphore, #tpu.memory_space<semaphore_mem>>
      %dma_wait3A_598 = arith.constant 0 : i32
      %dma_wait3A_599 = arith.constant 0 : i32
      %dma_wait3A_600 = tpu.memref_slice %arg4[%add3A_587, %dma_wait3A_598, %dma_wait3A_599] : memref<4096x200x128xf32, #tpu.memory_space<hbm>> -> memref<1x200x64xf32, #tpu.memory_space<hbm>>
      %dma_wait3A_601 = arith.constant 0 : i32
      %dma_wait3A_602 = arith.constant 0 : i32
      %dma_wait3A_603 = arith.constant 0 : i32
      %dma_wait3A_604 = tpu.memref_slice %arg6[%dma_wait3A_601, %dma_wait3A_602, %dma_wait3A_603] : memref<8x200x64xf32, #tpu.memory_space<vmem>> -> memref<1x200x64xf32, #tpu.memory_space<vmem>>
      tpu.wait_dma2 semaphore(%dma_wait3A_597 : memref<!tpu.dma_semaphore, #tpu.memory_space<semaphore_mem>>) src(%dma_wait3A_604 : memref<1x200x64xf32, #tpu.memory_space<vmem>>) dst(%dma_wait3A_600 : memref<1x200x64xf32, #tpu.memory_space<hbm>>)
      %add3A_605 = arith.constant 8 : i32
      %add3A_606 = arith.addi %add3A_554, %add3A_605 : i32
      %dma_start3A_607 = arith.constant 0 : i32
      %dma_start3A_608 = arith.constant 0 : i32
      %dma_start3A_609 = arith.constant 0 : i32
      %dma_start3A_610 = arith.constant 0 : i32
      %dma_start3A_611 = tpu.memref_slice %arg6[%dma_start3A_607, %dma_start3A_609, %dma_start3A_610] : memref<8x200x64xf32, #tpu.memory_space<vmem>> -> memref<1x200x64xf32, #tpu.memory_space<vmem>>
      %dma_start3A_612 = tpu.memref_squeeze %dma_start3A_611 : memref<1x200x64xf32, #tpu.memory_space<vmem>> -> memref<200x64xf32, #tpu.memory_space<vmem>>
      %dma_start3A_613 = arith.constant 0 : i32
      %dma_start3A_614 = tpu.memref_slice %arg5[%add3A_606, %dma_start3A_613] : memref<128x200xi32, #tpu.memory_space<vmem>> -> memref<1x200xi32, #tpu.memory_space<vmem>>
      %dma_start3A_615 = tpu.memref_squeeze %dma_start3A_614 : memref<1x200xi32, #tpu.memory_space<vmem>> -> memref<200xi32, #tpu.memory_space<vmem>>
      %dma_start3A_616 = arith.constant 0 : i32
      %dma_start3A_617 = arith.constant 0 : i32
      %dma_start3A_618 = tpu.memref_slice %arg3[%dma_start3A_616, %dma_start3A_617] : memref<2000000x64xf32, #tpu.memory_space<hbm>> -> memref<2000000x64xf32, #tpu.memory_space<hbm>>
      %dma_start3A_619 = tpu.memref_slice %arg7[%dma_start3A_608] : memref<8x!tpu.dma_semaphore, #tpu.memory_space<semaphore_mem>> -> memref<1x!tpu.dma_semaphore, #tpu.memory_space<semaphore_mem>>
      %dma_start3A_620 = tpu.memref_squeeze %dma_start3A_619 : memref<1x!tpu.dma_semaphore, #tpu.memory_space<semaphore_mem>> -> memref<!tpu.dma_semaphore, #tpu.memory_space<semaphore_mem>>
      tpu.enqueue_indirect_dma source(%dma_start3A_618 : memref<2000000x64xf32, #tpu.memory_space<hbm>>) target(%dma_start3A_612 : memref<200x64xf32, #tpu.memory_space<vmem>>) offsets(%dma_start3A_615 : memref<200xi32, #tpu.memory_space<vmem>>) semaphore(%dma_start3A_620 : memref<!tpu.dma_semaphore, #tpu.memory_space<semaphore_mem>>)
      %add3A_621 = arith.constant 1 : i32
      %add3A_622 = arith.addi %mul3A_552, %add3A_621 : i32
      %dma_wait3A_623 = arith.constant 1 : i32
      %dma_wait3A_624 = arith.constant 1 : i32
      %dma_wait3A_625 = arith.constant 0 : i32
      %dma_wait3A_626 = arith.constant 0 : i32
      %dma_wait3A_627 = tpu.memref_slice %arg6[%dma_wait3A_623, %dma_wait3A_625, %dma_wait3A_626] : memref<8x200x64xf32, #tpu.memory_space<vmem>> -> memref<1x200x64xf32, #tpu.memory_space<vmem>>
      %dma_wait3A_628 = tpu.memref_squeeze %dma_wait3A_627 : memref<1x200x64xf32, #tpu.memory_space<vmem>> -> memref<200x64xf32, #tpu.memory_space<vmem>>
      %dma_wait3A_629 = arith.constant 0 : i32
      %dma_wait3A_630 = tpu.memref_slice %arg5[%add3A_622, %dma_wait3A_629] : memref<128x200xi32, #tpu.memory_space<vmem>> -> memref<1x200xi32, #tpu.memory_space<vmem>>
      %dma_wait3A_631 = tpu.memref_squeeze %dma_wait3A_630 : memref<1x200xi32, #tpu.memory_space<vmem>> -> memref<200xi32, #tpu.memory_space<vmem>>
      %dma_wait3A_632 = arith.constant 0 : i32
      %dma_wait3A_633 = arith.constant 0 : i32
      %dma_wait3A_634 = tpu.memref_slice %arg3[%dma_wait3A_632, %dma_wait3A_633] : memref<2000000x64xf32, #tpu.memory_space<hbm>> -> memref<2000000x64xf32, #tpu.memory_space<hbm>>
      %dma_wait3A_635 = tpu.memref_slice %arg7[%dma_wait3A_624] : memref<8x!tpu.dma_semaphore, #tpu.memory_space<semaphore_mem>> -> memref<1x!tpu.dma_semaphore, #tpu.memory_space<semaphore_mem>>
      %dma_wait3A_636 = tpu.memref_squeeze %dma_wait3A_635 : memref<1x!tpu.dma_semaphore, #tpu.memory_space<semaphore_mem>> -> memref<!tpu.dma_semaphore, #tpu.memory_space<semaphore_mem>>
      tpu.wait_indirect_dma semaphore(%dma_wait3A_636 : memref<!tpu.dma_semaphore, #tpu.memory_space<semaphore_mem>>) src(%dma_wait3A_634 : memref<2000000x64xf32, #tpu.memory_space<hbm>>) dst(%dma_wait3A_628 : memref<200x64xf32, #tpu.memory_space<vmem>>)
      %add3A_637 = arith.addi %mul3A_2, %add3A_622 : i32
      %dma_start3A_638 = arith.constant 1 : i32
      %dma_start3A_639 = arith.constant 1 : i32
      %dma_start3A_640 = arith.constant 0 : i32
      %dma_start3A_641 = arith.constant 0 : i32
      %dma_start3A_642 = tpu.memref_slice %arg6[%dma_start3A_639, %dma_start3A_640, %dma_start3A_641] : memref<8x200x64xf32, #tpu.memory_space<vmem>> -> memref<1x200x64xf32, #tpu.memory_space<vmem>>
      %dma_start3A_643 = arith.constant 0 : i32
      %dma_start3A_644 = arith.constant 0 : i32
      %dma_start3A_645 = tpu.memref_slice %arg4[%add3A_637, %dma_start3A_643, %dma_start3A_644] : memref<4096x200x128xf32, #tpu.memory_space<hbm>> -> memref<1x200x64xf32, #tpu.memory_space<hbm>>
      %dma_start3A_646 = tpu.memref_slice %arg8[%dma_start3A_638] : memref<8x!tpu.dma_semaphore, #tpu.memory_space<semaphore_mem>> -> memref<1x!tpu.dma_semaphore, #tpu.memory_space<semaphore_mem>>
      %dma_start3A_647 = tpu.memref_squeeze %dma_start3A_646 : memref<1x!tpu.dma_semaphore, #tpu.memory_space<semaphore_mem>> -> memref<!tpu.dma_semaphore, #tpu.memory_space<semaphore_mem>>
      %dma_start3A_648 = arith.constant 0 : i32
      %dma_start3A_649 = arith.constant 0 : i32
      %dma_start3A_650 = tpu.memref_slice %arg4[%add3A_637, %dma_start3A_648, %dma_start3A_649] : memref<4096x200x128xf32, #tpu.memory_space<hbm>> -> memref<1x200x64xf32, #tpu.memory_space<hbm>>
      %dma_start3A_651 = arith.constant 1 : i32
      %dma_start3A_652 = arith.constant 0 : i32
      %dma_start3A_653 = arith.constant 0 : i32
      %dma_start3A_654 = tpu.memref_slice %arg6[%dma_start3A_651, %dma_start3A_652, %dma_start3A_653] : memref<8x200x64xf32, #tpu.memory_space<vmem>> -> memref<1x200x64xf32, #tpu.memory_space<vmem>>
      tpu.enqueue_dma source(%dma_start3A_654 : memref<1x200x64xf32, #tpu.memory_space<vmem>>) target(%dma_start3A_650 : memref<1x200x64xf32, #tpu.memory_space<hbm>>) target_semaphore(%dma_start3A_647 : memref<!tpu.dma_semaphore, #tpu.memory_space<semaphore_mem>>)
      %add3A_655 = arith.addi %mul3A_2, %add3A_622 : i32
      %dma_wait3A_656 = arith.constant 1 : i32
      %dma_wait3A_657 = arith.constant 1 : i32
      %dma_wait3A_658 = arith.constant 0 : i32
      %dma_wait3A_659 = arith.constant 0 : i32
      %dma_wait3A_660 = tpu.memref_slice %arg6[%dma_wait3A_657, %dma_wait3A_658, %dma_wait3A_659] : memref<8x200x64xf32, #tpu.memory_space<vmem>> -> memref<1x200x64xf32, #tpu.memory_space<vmem>>
      %dma_wait3A_661 = arith.constant 0 : i32
      %dma_wait3A_662 = arith.constant 0 : i32
      %dma_wait3A_663 = tpu.memref_slice %arg4[%add3A_655, %dma_wait3A_661, %dma_wait3A_662] : memref<4096x200x128xf32, #tpu.memory_space<hbm>> -> memref<1x200x64xf32, #tpu.memory_space<hbm>>
      %dma_wait3A_664 = tpu.memref_slice %arg8[%dma_wait3A_656] : memref<8x!tpu.dma_semaphore, #tpu.memory_space<semaphore_mem>> -> memref<1x!tpu.dma_semaphore, #tpu.memory_space<semaphore_mem>>
      %dma_wait3A_665 = tpu.memref_squeeze %dma_wait3A_664 : memref<1x!tpu.dma_semaphore, #tpu.memory_space<semaphore_mem>> -> memref<!tpu.dma_semaphore, #tpu.memory_space<semaphore_mem>>
      %dma_wait3A_666 = arith.constant 0 : i32
      %dma_wait3A_667 = arith.constant 0 : i32
      %dma_wait3A_668 = tpu.memref_slice %arg4[%add3A_655, %dma_wait3A_666, %dma_wait3A_667] : memref<4096x200x128xf32, #tpu.memory_space<hbm>> -> memref<1x200x64xf32, #tpu.memory_space<hbm>>
      %dma_wait3A_669 = arith.constant 1 : i32
      %dma_wait3A_670 = arith.constant 0 : i32
      %dma_wait3A_671 = arith.constant 0 : i32
      %dma_wait3A_672 = tpu.memref_slice %arg6[%dma_wait3A_669, %dma_wait3A_670, %dma_wait3A_671] : memref<8x200x64xf32, #tpu.memory_space<vmem>> -> memref<1x200x64xf32, #tpu.memory_space<vmem>>
      tpu.wait_dma2 semaphore(%dma_wait3A_665 : memref<!tpu.dma_semaphore, #tpu.memory_space<semaphore_mem>>) src(%dma_wait3A_672 : memref<1x200x64xf32, #tpu.memory_space<vmem>>) dst(%dma_wait3A_668 : memref<1x200x64xf32, #tpu.memory_space<hbm>>)
      %add3A_673 = arith.constant 8 : i32
      %add3A_674 = arith.addi %add3A_622, %add3A_673 : i32
      %dma_start3A_675 = arith.constant 1 : i32
      %dma_start3A_676 = arith.constant 1 : i32
      %dma_start3A_677 = arith.constant 0 : i32
      %dma_start3A_678 = arith.constant 0 : i32
      %dma_start3A_679 = tpu.memref_slice %arg6[%dma_start3A_675, %dma_start3A_677, %dma_start3A_678] : memref<8x200x64xf32, #tpu.memory_space<vmem>> -> memref<1x200x64xf32, #tpu.memory_space<vmem>>
      %dma_start3A_680 = tpu.memref_squeeze %dma_start3A_679 : memref<1x200x64xf32, #tpu.memory_space<vmem>> -> memref<200x64xf32, #tpu.memory_space<vmem>>
      %dma_start3A_681 = arith.constant 0 : i32
      %dma_start3A_682 = tpu.memref_slice %arg5[%add3A_674, %dma_start3A_681] : memref<128x200xi32, #tpu.memory_space<vmem>> -> memref<1x200xi32, #tpu.memory_space<vmem>>
      %dma_start3A_683 = tpu.memref_squeeze %dma_start3A_682 : memref<1x200xi32, #tpu.memory_space<vmem>> -> memref<200xi32, #tpu.memory_space<vmem>>
      %dma_start3A_684 = arith.constant 0 : i32
      %dma_start3A_685 = arith.constant 0 : i32
      %dma_start3A_686 = tpu.memref_slice %arg3[%dma_start3A_684, %dma_start3A_685] : memref<2000000x64xf32, #tpu.memory_space<hbm>> -> memref<2000000x64xf32, #tpu.memory_space<hbm>>
      %dma_start3A_687 = tpu.memref_slice %arg7[%dma_start3A_676] : memref<8x!tpu.dma_semaphore, #tpu.memory_space<semaphore_mem>> -> memref<1x!tpu.dma_semaphore, #tpu.memory_space<semaphore_mem>>
      %dma_start3A_688 = tpu.memref_squeeze %dma_start3A_687 : memref<1x!tpu.dma_semaphore, #tpu.memory_space<semaphore_mem>> -> memref<!tpu.dma_semaphore, #tpu.memory_space<semaphore_mem>>
      tpu.enqueue_indirect_dma source(%dma_start3A_686 : memref<2000000x64xf32, #tpu.memory_space<hbm>>) target(%dma_start3A_680 : memref<200x64xf32, #tpu.memory_space<vmem>>) offsets(%dma_start3A_683 : memref<200xi32, #tpu.memory_space<vmem>>) semaphore(%dma_start3A_688 : memref<!tpu.dma_semaphore, #tpu.memory_space<semaphore_mem>>)
      %add3A_689 = arith.constant 2 : i32
      %add3A_690 = arith.addi %mul3A_552, %add3A_689 : i32
      %dma_wait3A_691 = arith.constant 2 : i32
      %dma_wait3A_692 = arith.constant 2 : i32
      %dma_wait3A_693 = arith.constant 0 : i32
      %dma_wait3A_694 = arith.constant 0 : i32
      %dma_wait3A_695 = tpu.memref_slice %arg6[%dma_wait3A_691, %dma_wait3A_693, %dma_wait3A_694] : memref<8x200x64xf32, #tpu.memory_space<vmem>> -> memref<1x200x64xf32, #tpu.memory_space<vmem>>
      %dma_wait3A_696 = tpu.memref_squeeze %dma_wait3A_695 : memref<1x200x64xf32, #tpu.memory_space<vmem>> -> memref<200x64xf32, #tpu.memory_space<vmem>>
      %dma_wait3A_697 = arith.constant 0 : i32
      %dma_wait3A_698 = tpu.memref_slice %arg5[%add3A_690, %dma_wait3A_697] : memref<128x200xi32, #tpu.memory_space<vmem>> -> memref<1x200xi32, #tpu.memory_space<vmem>>
      %dma_wait3A_699 = tpu.memref_squeeze %dma_wait3A_698 : memref<1x200xi32, #tpu.memory_space<vmem>> -> memref<200xi32, #tpu.memory_space<vmem>>
      %dma_wait3A_700 = arith.constant 0 : i32
      %dma_wait3A_701 = arith.constant 0 : i32
      %dma_wait3A_702 = tpu.memref_slice %arg3[%dma_wait3A_700, %dma_wait3A_701] : memref<2000000x64xf32, #tpu.memory_space<hbm>> -> memref<2000000x64xf32, #tpu.memory_space<hbm>>
      %dma_wait3A_703 = tpu.memref_slice %arg7[%dma_wait3A_692] : memref<8x!tpu.dma_semaphore, #tpu.memory_space<semaphore_mem>> -> memref<1x!tpu.dma_semaphore, #tpu.memory_space<semaphore_mem>>
      %dma_wait3A_704 = tpu.memref_squeeze %dma_wait3A_703 : memref<1x!tpu.dma_semaphore, #tpu.memory_space<semaphore_mem>> -> memref<!tpu.dma_semaphore, #tpu.memory_space<semaphore_mem>>
      tpu.wait_indirect_dma semaphore(%dma_wait3A_704 : memref<!tpu.dma_semaphore, #tpu.memory_space<semaphore_mem>>) src(%dma_wait3A_702 : memref<2000000x64xf32, #tpu.memory_space<hbm>>) dst(%dma_wait3A_696 : memref<200x64xf32, #tpu.memory_space<vmem>>)
      %add3A_705 = arith.addi %mul3A_2, %add3A_690 : i32
      %dma_start3A_706 = arith.constant 2 : i32
      %dma_start3A_707 = arith.constant 2 : i32
      %dma_start3A_708 = arith.constant 0 : i32
      %dma_start3A_709 = arith.constant 0 : i32
      %dma_start3A_710 = tpu.memref_slice %arg6[%dma_start3A_707, %dma_start3A_708, %dma_start3A_709] : memref<8x200x64xf32, #tpu.memory_space<vmem>> -> memref<1x200x64xf32, #tpu.memory_space<vmem>>
      %dma_start3A_711 = arith.constant 0 : i32
      %dma_start3A_712 = arith.constant 0 : i32
      %dma_start3A_713 = tpu.memref_slice %arg4[%add3A_705, %dma_start3A_711, %dma_start3A_712] : memref<4096x200x128xf32, #tpu.memory_space<hbm>> -> memref<1x200x64xf32, #tpu.memory_space<hbm>>
      %dma_start3A_714 = tpu.memref_slice %arg8[%dma_start3A_706] : memref<8x!tpu.dma_semaphore, #tpu.memory_space<semaphore_mem>> -> memref<1x!tpu.dma_semaphore, #tpu.memory_space<semaphore_mem>>
      %dma_start3A_715 = tpu.memref_squeeze %dma_start3A_714 : memref<1x!tpu.dma_semaphore, #tpu.memory_space<semaphore_mem>> -> memref<!tpu.dma_semaphore, #tpu.memory_space<semaphore_mem>>
      %dma_start3A_716 = arith.constant 0 : i32
      %dma_start3A_717 = arith.constant 0 : i32
      %dma_start3A_718 = tpu.memref_slice %arg4[%add3A_705, %dma_start3A_716, %dma_start3A_717] : memref<4096x200x128xf32, #tpu.memory_space<hbm>> -> memref<1x200x64xf32, #tpu.memory_space<hbm>>
      %dma_start3A_719 = arith.constant 2 : i32
      %dma_start3A_720 = arith.constant 0 : i32
      %dma_start3A_721 = arith.constant 0 : i32
      %dma_start3A_722 = tpu.memref_slice %arg6[%dma_start3A_719, %dma_start3A_720, %dma_start3A_721] : memref<8x200x64xf32, #tpu.memory_space<vmem>> -> memref<1x200x64xf32, #tpu.memory_space<vmem>>
      tpu.enqueue_dma source(%dma_start3A_722 : memref<1x200x64xf32, #tpu.memory_space<vmem>>) target(%dma_start3A_718 : memref<1x200x64xf32, #tpu.memory_space<hbm>>) target_semaphore(%dma_start3A_715 : memref<!tpu.dma_semaphore, #tpu.memory_space<semaphore_mem>>)
      %add3A_723 = arith.addi %mul3A_2, %add3A_690 : i32
      %dma_wait3A_724 = arith.constant 2 : i32
      %dma_wait3A_725 = arith.constant 2 : i32
      %dma_wait3A_726 = arith.constant 0 : i32
      %dma_wait3A_727 = arith.constant 0 : i32
      %dma_wait3A_728 = tpu.memref_slice %arg6[%dma_wait3A_725, %dma_wait3A_726, %dma_wait3A_727] : memref<8x200x64xf32, #tpu.memory_space<vmem>> -> memref<1x200x64xf32, #tpu.memory_space<vmem>>
      %dma_wait3A_729 = arith.constant 0 : i32
      %dma_wait3A_730 = arith.constant 0 : i32
      %dma_wait3A_731 = tpu.memref_slice %arg4[%add3A_723, %dma_wait3A_729, %dma_wait3A_730] : memref<4096x200x128xf32, #tpu.memory_space<hbm>> -> memref<1x200x64xf32, #tpu.memory_space<hbm>>
      %dma_wait3A_732 = tpu.memref_slice %arg8[%dma_wait3A_724] : memref<8x!tpu.dma_semaphore, #tpu.memory_space<semaphore_mem>> -> memref<1x!tpu.dma_semaphore, #tpu.memory_space<semaphore_mem>>
      %dma_wait3A_733 = tpu.memref_squeeze %dma_wait3A_732 : memref<1x!tpu.dma_semaphore, #tpu.memory_space<semaphore_mem>> -> memref<!tpu.dma_semaphore, #tpu.memory_space<semaphore_mem>>
      %dma_wait3A_734 = arith.constant 0 : i32
      %dma_wait3A_735 = arith.constant 0 : i32
      %dma_wait3A_736 = tpu.memref_slice %arg4[%add3A_723, %dma_wait3A_734, %dma_wait3A_735] : memref<4096x200x128xf32, #tpu.memory_space<hbm>> -> memref<1x200x64xf32, #tpu.memory_space<hbm>>
      %dma_wait3A_737 = arith.constant 2 : i32
      %dma_wait3A_738 = arith.constant 0 : i32
      %dma_wait3A_739 = arith.constant 0 : i32
      %dma_wait3A_740 = tpu.memref_slice %arg6[%dma_wait3A_737, %dma_wait3A_738, %dma_wait3A_739] : memref<8x200x64xf32, #tpu.memory_space<vmem>> -> memref<1x200x64xf32, #tpu.memory_space<vmem>>
      tpu.wait_dma2 semaphore(%dma_wait3A_733 : memref<!tpu.dma_semaphore, #tpu.memory_space<semaphore_mem>>) src(%dma_wait3A_740 : memref<1x200x64xf32, #tpu.memory_space<vmem>>) dst(%dma_wait3A_736 : memref<1x200x64xf32, #tpu.memory_space<hbm>>)
      %add3A_741 = arith.constant 8 : i32
      %add3A_742 = arith.addi %add3A_690, %add3A_741 : i32
      %dma_start3A_743 = arith.constant 2 : i32
      %dma_start3A_744 = arith.constant 2 : i32
      %dma_start3A_745 = arith.constant 0 : i32
      %dma_start3A_746 = arith.constant 0 : i32
      %dma_start3A_747 = tpu.memref_slice %arg6[%dma_start3A_743, %dma_start3A_745, %dma_start3A_746] : memref<8x200x64xf32, #tpu.memory_space<vmem>> -> memref<1x200x64xf32, #tpu.memory_space<vmem>>
      %dma_start3A_748 = tpu.memref_squeeze %dma_start3A_747 : memref<1x200x64xf32, #tpu.memory_space<vmem>> -> memref<200x64xf32, #tpu.memory_space<vmem>>
      %dma_start3A_749 = arith.constant 0 : i32
      %dma_start3A_750 = tpu.memref_slice %arg5[%add3A_742, %dma_start3A_749] : memref<128x200xi32, #tpu.memory_space<vmem>> -> memref<1x200xi32, #tpu.memory_space<vmem>>
      %dma_start3A_751 = tpu.memref_squeeze %dma_start3A_750 : memref<1x200xi32, #tpu.memory_space<vmem>> -> memref<200xi32, #tpu.memory_space<vmem>>
      %dma_start3A_752 = arith.constant 0 : i32
      %dma_start3A_753 = arith.constant 0 : i32
      %dma_start3A_754 = tpu.memref_slice %arg3[%dma_start3A_752, %dma_start3A_753] : memref<2000000x64xf32, #tpu.memory_space<hbm>> -> memref<2000000x64xf32, #tpu.memory_space<hbm>>
      %dma_start3A_755 = tpu.memref_slice %arg7[%dma_start3A_744] : memref<8x!tpu.dma_semaphore, #tpu.memory_space<semaphore_mem>> -> memref<1x!tpu.dma_semaphore, #tpu.memory_space<semaphore_mem>>
      %dma_start3A_756 = tpu.memref_squeeze %dma_start3A_755 : memref<1x!tpu.dma_semaphore, #tpu.memory_space<semaphore_mem>> -> memref<!tpu.dma_semaphore, #tpu.memory_space<semaphore_mem>>
      tpu.enqueue_indirect_dma source(%dma_start3A_754 : memref<2000000x64xf32, #tpu.memory_space<hbm>>) target(%dma_start3A_748 : memref<200x64xf32, #tpu.memory_space<vmem>>) offsets(%dma_start3A_751 : memref<200xi32, #tpu.memory_space<vmem>>) semaphore(%dma_start3A_756 : memref<!tpu.dma_semaphore, #tpu.memory_space<semaphore_mem>>)
      %add3A_757 = arith.constant 3 : i32
      %add3A_758 = arith.addi %mul3A_552, %add3A_757 : i32
      %dma_wait3A_759 = arith.constant 3 : i32
      %dma_wait3A_760 = arith.constant 3 : i32
      %dma_wait3A_761 = arith.constant 0 : i32
      %dma_wait3A_762 = arith.constant 0 : i32
      %dma_wait3A_763 = tpu.memref_slice %arg6[%dma_wait3A_759, %dma_wait3A_761, %dma_wait3A_762] : memref<8x200x64xf32, #tpu.memory_space<vmem>> -> memref<1x200x64xf32, #tpu.memory_space<vmem>>
      %dma_wait3A_764 = tpu.memref_squeeze %dma_wait3A_763 : memref<1x200x64xf32, #tpu.memory_space<vmem>> -> memref<200x64xf32, #tpu.memory_space<vmem>>
      %dma_wait3A_765 = arith.constant 0 : i32
      %dma_wait3A_766 = tpu.memref_slice %arg5[%add3A_758, %dma_wait3A_765] : memref<128x200xi32, #tpu.memory_space<vmem>> -> memref<1x200xi32, #tpu.memory_space<vmem>>
      %dma_wait3A_767 = tpu.memref_squeeze %dma_wait3A_766 : memref<1x200xi32, #tpu.memory_space<vmem>> -> memref<200xi32, #tpu.memory_space<vmem>>
      %dma_wait3A_768 = arith.constant 0 : i32
      %dma_wait3A_769 = arith.constant 0 : i32
      %dma_wait3A_770 = tpu.memref_slice %arg3[%dma_wait3A_768, %dma_wait3A_769] : memref<2000000x64xf32, #tpu.memory_space<hbm>> -> memref<2000000x64xf32, #tpu.memory_space<hbm>>
      %dma_wait3A_771 = tpu.memref_slice %arg7[%dma_wait3A_760] : memref<8x!tpu.dma_semaphore, #tpu.memory_space<semaphore_mem>> -> memref<1x!tpu.dma_semaphore, #tpu.memory_space<semaphore_mem>>
      %dma_wait3A_772 = tpu.memref_squeeze %dma_wait3A_771 : memref<1x!tpu.dma_semaphore, #tpu.memory_space<semaphore_mem>> -> memref<!tpu.dma_semaphore, #tpu.memory_space<semaphore_mem>>
      tpu.wait_indirect_dma semaphore(%dma_wait3A_772 : memref<!tpu.dma_semaphore, #tpu.memory_space<semaphore_mem>>) src(%dma_wait3A_770 : memref<2000000x64xf32, #tpu.memory_space<hbm>>) dst(%dma_wait3A_764 : memref<200x64xf32, #tpu.memory_space<vmem>>)
      %add3A_773 = arith.addi %mul3A_2, %add3A_758 : i32
      %dma_start3A_774 = arith.constant 3 : i32
      %dma_start3A_775 = arith.constant 3 : i32
      %dma_start3A_776 = arith.constant 0 : i32
      %dma_start3A_777 = arith.constant 0 : i32
      %dma_start3A_778 = tpu.memref_slice %arg6[%dma_start3A_775, %dma_start3A_776, %dma_start3A_777] : memref<8x200x64xf32, #tpu.memory_space<vmem>> -> memref<1x200x64xf32, #tpu.memory_space<vmem>>
      %dma_start3A_779 = arith.constant 0 : i32
      %dma_start3A_780 = arith.constant 0 : i32
      %dma_start3A_781 = tpu.memref_slice %arg4[%add3A_773, %dma_start3A_779, %dma_start3A_780] : memref<4096x200x128xf32, #tpu.memory_space<hbm>> -> memref<1x200x64xf32, #tpu.memory_space<hbm>>
      %dma_start3A_782 = tpu.memref_slice %arg8[%dma_start3A_774] : memref<8x!tpu.dma_semaphore, #tpu.memory_space<semaphore_mem>> -> memref<1x!tpu.dma_semaphore, #tpu.memory_space<semaphore_mem>>
      %dma_start3A_783 = tpu.memref_squeeze %dma_start3A_782 : memref<1x!tpu.dma_semaphore, #tpu.memory_space<semaphore_mem>> -> memref<!tpu.dma_semaphore, #tpu.memory_space<semaphore_mem>>
      %dma_start3A_784 = arith.constant 0 : i32
      %dma_start3A_785 = arith.constant 0 : i32
      %dma_start3A_786 = tpu.memref_slice %arg4[%add3A_773, %dma_start3A_784, %dma_start3A_785] : memref<4096x200x128xf32, #tpu.memory_space<hbm>> -> memref<1x200x64xf32, #tpu.memory_space<hbm>>
      %dma_start3A_787 = arith.constant 3 : i32
      %dma_start3A_788 = arith.constant 0 : i32
      %dma_start3A_789 = arith.constant 0 : i32
      %dma_start3A_790 = tpu.memref_slice %arg6[%dma_start3A_787, %dma_start3A_788, %dma_start3A_789] : memref<8x200x64xf32, #tpu.memory_space<vmem>> -> memref<1x200x64xf32, #tpu.memory_space<vmem>>
      tpu.enqueue_dma source(%dma_start3A_790 : memref<1x200x64xf32, #tpu.memory_space<vmem>>) target(%dma_start3A_786 : memref<1x200x64xf32, #tpu.memory_space<hbm>>) target_semaphore(%dma_start3A_783 : memref<!tpu.dma_semaphore, #tpu.memory_space<semaphore_mem>>)
      %add3A_791 = arith.addi %mul3A_2, %add3A_758 : i32
      %dma_wait3A_792 = arith.constant 3 : i32
      %dma_wait3A_793 = arith.constant 3 : i32
      %dma_wait3A_794 = arith.constant 0 : i32
      %dma_wait3A_795 = arith.constant 0 : i32
      %dma_wait3A_796 = tpu.memref_slice %arg6[%dma_wait3A_793, %dma_wait3A_794, %dma_wait3A_795] : memref<8x200x64xf32, #tpu.memory_space<vmem>> -> memref<1x200x64xf32, #tpu.memory_space<vmem>>
      %dma_wait3A_797 = arith.constant 0 : i32
      %dma_wait3A_798 = arith.constant 0 : i32
      %dma_wait3A_799 = tpu.memref_slice %arg4[%add3A_791, %dma_wait3A_797, %dma_wait3A_798] : memref<4096x200x128xf32, #tpu.memory_space<hbm>> -> memref<1x200x64xf32, #tpu.memory_space<hbm>>
      %dma_wait3A_800 = tpu.memref_slice %arg8[%dma_wait3A_792] : memref<8x!tpu.dma_semaphore, #tpu.memory_space<semaphore_mem>> -> memref<1x!tpu.dma_semaphore, #tpu.memory_space<semaphore_mem>>
      %dma_wait3A_801 = tpu.memref_squeeze %dma_wait3A_800 : memref<1x!tpu.dma_semaphore, #tpu.memory_space<semaphore_mem>> -> memref<!tpu.dma_semaphore, #tpu.memory_space<semaphore_mem>>
      %dma_wait3A_802 = arith.constant 0 : i32
      %dma_wait3A_803 = arith.constant 0 : i32
      %dma_wait3A_804 = tpu.memref_slice %arg4[%add3A_791, %dma_wait3A_802, %dma_wait3A_803] : memref<4096x200x128xf32, #tpu.memory_space<hbm>> -> memref<1x200x64xf32, #tpu.memory_space<hbm>>
      %dma_wait3A_805 = arith.constant 3 : i32
      %dma_wait3A_806 = arith.constant 0 : i32
      %dma_wait3A_807 = arith.constant 0 : i32
      %dma_wait3A_808 = tpu.memref_slice %arg6[%dma_wait3A_805, %dma_wait3A_806, %dma_wait3A_807] : memref<8x200x64xf32, #tpu.memory_space<vmem>> -> memref<1x200x64xf32, #tpu.memory_space<vmem>>
      tpu.wait_dma2 semaphore(%dma_wait3A_801 : memref<!tpu.dma_semaphore, #tpu.memory_space<semaphore_mem>>) src(%dma_wait3A_808 : memref<1x200x64xf32, #tpu.memory_space<vmem>>) dst(%dma_wait3A_804 : memref<1x200x64xf32, #tpu.memory_space<hbm>>)
      %add3A_809 = arith.constant 8 : i32
      %add3A_810 = arith.addi %add3A_758, %add3A_809 : i32
      %dma_start3A_811 = arith.constant 3 : i32
      %dma_start3A_812 = arith.constant 3 : i32
      %dma_start3A_813 = arith.constant 0 : i32
      %dma_start3A_814 = arith.constant 0 : i32
      %dma_start3A_815 = tpu.memref_slice %arg6[%dma_start3A_811, %dma_start3A_813, %dma_start3A_814] : memref<8x200x64xf32, #tpu.memory_space<vmem>> -> memref<1x200x64xf32, #tpu.memory_space<vmem>>
      %dma_start3A_816 = tpu.memref_squeeze %dma_start3A_815 : memref<1x200x64xf32, #tpu.memory_space<vmem>> -> memref<200x64xf32, #tpu.memory_space<vmem>>
      %dma_start3A_817 = arith.constant 0 : i32
      %dma_start3A_818 = tpu.memref_slice %arg5[%add3A_810, %dma_start3A_817] : memref<128x200xi32, #tpu.memory_space<vmem>> -> memref<1x200xi32, #tpu.memory_space<vmem>>
      %dma_start3A_819 = tpu.memref_squeeze %dma_start3A_818 : memref<1x200xi32, #tpu.memory_space<vmem>> -> memref<200xi32, #tpu.memory_space<vmem>>
      %dma_start3A_820 = arith.constant 0 : i32
      %dma_start3A_821 = arith.constant 0 : i32
      %dma_start3A_822 = tpu.memref_slice %arg3[%dma_start3A_820, %dma_start3A_821] : memref<2000000x64xf32, #tpu.memory_space<hbm>> -> memref<2000000x64xf32, #tpu.memory_space<hbm>>
      %dma_start3A_823 = tpu.memref_slice %arg7[%dma_start3A_812] : memref<8x!tpu.dma_semaphore, #tpu.memory_space<semaphore_mem>> -> memref<1x!tpu.dma_semaphore, #tpu.memory_space<semaphore_mem>>
      %dma_start3A_824 = tpu.memref_squeeze %dma_start3A_823 : memref<1x!tpu.dma_semaphore, #tpu.memory_space<semaphore_mem>> -> memref<!tpu.dma_semaphore, #tpu.memory_space<semaphore_mem>>
      tpu.enqueue_indirect_dma source(%dma_start3A_822 : memref<2000000x64xf32, #tpu.memory_space<hbm>>) target(%dma_start3A_816 : memref<200x64xf32, #tpu.memory_space<vmem>>) offsets(%dma_start3A_819 : memref<200xi32, #tpu.memory_space<vmem>>) semaphore(%dma_start3A_824 : memref<!tpu.dma_semaphore, #tpu.memory_space<semaphore_mem>>)
      %add3A_825 = arith.constant 4 : i32
      %add3A_826 = arith.addi %mul3A_552, %add3A_825 : i32
      %dma_wait3A_827 = arith.constant 4 : i32
      %dma_wait3A_828 = arith.constant 4 : i32
      %dma_wait3A_829 = arith.constant 0 : i32
      %dma_wait3A_830 = arith.constant 0 : i32
      %dma_wait3A_831 = tpu.memref_slice %arg6[%dma_wait3A_827, %dma_wait3A_829, %dma_wait3A_830] : memref<8x200x64xf32, #tpu.memory_space<vmem>> -> memref<1x200x64xf32, #tpu.memory_space<vmem>>
      %dma_wait3A_832 = tpu.memref_squeeze %dma_wait3A_831 : memref<1x200x64xf32, #tpu.memory_space<vmem>> -> memref<200x64xf32, #tpu.memory_space<vmem>>
      %dma_wait3A_833 = arith.constant 0 : i32
      %dma_wait3A_834 = tpu.memref_slice %arg5[%add3A_826, %dma_wait3A_833] : memref<128x200xi32, #tpu.memory_space<vmem>> -> memref<1x200xi32, #tpu.memory_space<vmem>>
      %dma_wait3A_835 = tpu.memref_squeeze %dma_wait3A_834 : memref<1x200xi32, #tpu.memory_space<vmem>> -> memref<200xi32, #tpu.memory_space<vmem>>
      %dma_wait3A_836 = arith.constant 0 : i32
      %dma_wait3A_837 = arith.constant 0 : i32
      %dma_wait3A_838 = tpu.memref_slice %arg3[%dma_wait3A_836, %dma_wait3A_837] : memref<2000000x64xf32, #tpu.memory_space<hbm>> -> memref<2000000x64xf32, #tpu.memory_space<hbm>>
      %dma_wait3A_839 = tpu.memref_slice %arg7[%dma_wait3A_828] : memref<8x!tpu.dma_semaphore, #tpu.memory_space<semaphore_mem>> -> memref<1x!tpu.dma_semaphore, #tpu.memory_space<semaphore_mem>>
      %dma_wait3A_840 = tpu.memref_squeeze %dma_wait3A_839 : memref<1x!tpu.dma_semaphore, #tpu.memory_space<semaphore_mem>> -> memref<!tpu.dma_semaphore, #tpu.memory_space<semaphore_mem>>
      tpu.wait_indirect_dma semaphore(%dma_wait3A_840 : memref<!tpu.dma_semaphore, #tpu.memory_space<semaphore_mem>>) src(%dma_wait3A_838 : memref<2000000x64xf32, #tpu.memory_space<hbm>>) dst(%dma_wait3A_832 : memref<200x64xf32, #tpu.memory_space<vmem>>)
      %add3A_841 = arith.addi %mul3A_2, %add3A_826 : i32
      %dma_start3A_842 = arith.constant 4 : i32
      %dma_start3A_843 = arith.constant 4 : i32
      %dma_start3A_844 = arith.constant 0 : i32
      %dma_start3A_845 = arith.constant 0 : i32
      %dma_start3A_846 = tpu.memref_slice %arg6[%dma_start3A_843, %dma_start3A_844, %dma_start3A_845] : memref<8x200x64xf32, #tpu.memory_space<vmem>> -> memref<1x200x64xf32, #tpu.memory_space<vmem>>
      %dma_start3A_847 = arith.constant 0 : i32
      %dma_start3A_848 = arith.constant 0 : i32
      %dma_start3A_849 = tpu.memref_slice %arg4[%add3A_841, %dma_start3A_847, %dma_start3A_848] : memref<4096x200x128xf32, #tpu.memory_space<hbm>> -> memref<1x200x64xf32, #tpu.memory_space<hbm>>
      %dma_start3A_850 = tpu.memref_slice %arg8[%dma_start3A_842] : memref<8x!tpu.dma_semaphore, #tpu.memory_space<semaphore_mem>> -> memref<1x!tpu.dma_semaphore, #tpu.memory_space<semaphore_mem>>
      %dma_start3A_851 = tpu.memref_squeeze %dma_start3A_850 : memref<1x!tpu.dma_semaphore, #tpu.memory_space<semaphore_mem>> -> memref<!tpu.dma_semaphore, #tpu.memory_space<semaphore_mem>>
      %dma_start3A_852 = arith.constant 0 : i32
      %dma_start3A_853 = arith.constant 0 : i32
      %dma_start3A_854 = tpu.memref_slice %arg4[%add3A_841, %dma_start3A_852, %dma_start3A_853] : memref<4096x200x128xf32, #tpu.memory_space<hbm>> -> memref<1x200x64xf32, #tpu.memory_space<hbm>>
      %dma_start3A_855 = arith.constant 4 : i32
      %dma_start3A_856 = arith.constant 0 : i32
      %dma_start3A_857 = arith.constant 0 : i32
      %dma_start3A_858 = tpu.memref_slice %arg6[%dma_start3A_855, %dma_start3A_856, %dma_start3A_857] : memref<8x200x64xf32, #tpu.memory_space<vmem>> -> memref<1x200x64xf32, #tpu.memory_space<vmem>>
      tpu.enqueue_dma source(%dma_start3A_858 : memref<1x200x64xf32, #tpu.memory_space<vmem>>) target(%dma_start3A_854 : memref<1x200x64xf32, #tpu.memory_space<hbm>>) target_semaphore(%dma_start3A_851 : memref<!tpu.dma_semaphore, #tpu.memory_space<semaphore_mem>>)
      %add3A_859 = arith.addi %mul3A_2, %add3A_826 : i32
      %dma_wait3A_860 = arith.constant 4 : i32
      %dma_wait3A_861 = arith.constant 4 : i32
      %dma_wait3A_862 = arith.constant 0 : i32
      %dma_wait3A_863 = arith.constant 0 : i32
      %dma_wait3A_864 = tpu.memref_slice %arg6[%dma_wait3A_861, %dma_wait3A_862, %dma_wait3A_863] : memref<8x200x64xf32, #tpu.memory_space<vmem>> -> memref<1x200x64xf32, #tpu.memory_space<vmem>>
      %dma_wait3A_865 = arith.constant 0 : i32
      %dma_wait3A_866 = arith.constant 0 : i32
      %dma_wait3A_867 = tpu.memref_slice %arg4[%add3A_859, %dma_wait3A_865, %dma_wait3A_866] : memref<4096x200x128xf32, #tpu.memory_space<hbm>> -> memref<1x200x64xf32, #tpu.memory_space<hbm>>
      %dma_wait3A_868 = tpu.memref_slice %arg8[%dma_wait3A_860] : memref<8x!tpu.dma_semaphore, #tpu.memory_space<semaphore_mem>> -> memref<1x!tpu.dma_semaphore, #tpu.memory_space<semaphore_mem>>
      %dma_wait3A_869 = tpu.memref_squeeze %dma_wait3A_868 : memref<1x!tpu.dma_semaphore, #tpu.memory_space<semaphore_mem>> -> memref<!tpu.dma_semaphore, #tpu.memory_space<semaphore_mem>>
      %dma_wait3A_870 = arith.constant 0 : i32
      %dma_wait3A_871 = arith.constant 0 : i32
      %dma_wait3A_872 = tpu.memref_slice %arg4[%add3A_859, %dma_wait3A_870, %dma_wait3A_871] : memref<4096x200x128xf32, #tpu.memory_space<hbm>> -> memref<1x200x64xf32, #tpu.memory_space<hbm>>
      %dma_wait3A_873 = arith.constant 4 : i32
      %dma_wait3A_874 = arith.constant 0 : i32
      %dma_wait3A_875 = arith.constant 0 : i32
      %dma_wait3A_876 = tpu.memref_slice %arg6[%dma_wait3A_873, %dma_wait3A_874, %dma_wait3A_875] : memref<8x200x64xf32, #tpu.memory_space<vmem>> -> memref<1x200x64xf32, #tpu.memory_space<vmem>>
      tpu.wait_dma2 semaphore(%dma_wait3A_869 : memref<!tpu.dma_semaphore, #tpu.memory_space<semaphore_mem>>) src(%dma_wait3A_876 : memref<1x200x64xf32, #tpu.memory_space<vmem>>) dst(%dma_wait3A_872 : memref<1x200x64xf32, #tpu.memory_space<hbm>>)
      %add3A_877 = arith.constant 8 : i32
      %add3A_878 = arith.addi %add3A_826, %add3A_877 : i32
      %dma_start3A_879 = arith.constant 4 : i32
      %dma_start3A_880 = arith.constant 4 : i32
      %dma_start3A_881 = arith.constant 0 : i32
      %dma_start3A_882 = arith.constant 0 : i32
      %dma_start3A_883 = tpu.memref_slice %arg6[%dma_start3A_879, %dma_start3A_881, %dma_start3A_882] : memref<8x200x64xf32, #tpu.memory_space<vmem>> -> memref<1x200x64xf32, #tpu.memory_space<vmem>>
      %dma_start3A_884 = tpu.memref_squeeze %dma_start3A_883 : memref<1x200x64xf32, #tpu.memory_space<vmem>> -> memref<200x64xf32, #tpu.memory_space<vmem>>
      %dma_start3A_885 = arith.constant 0 : i32
      %dma_start3A_886 = tpu.memref_slice %arg5[%add3A_878, %dma_start3A_885] : memref<128x200xi32, #tpu.memory_space<vmem>> -> memref<1x200xi32, #tpu.memory_space<vmem>>
      %dma_start3A_887 = tpu.memref_squeeze %dma_start3A_886 : memref<1x200xi32, #tpu.memory_space<vmem>> -> memref<200xi32, #tpu.memory_space<vmem>>
      %dma_start3A_888 = arith.constant 0 : i32
      %dma_start3A_889 = arith.constant 0 : i32
      %dma_start3A_890 = tpu.memref_slice %arg3[%dma_start3A_888, %dma_start3A_889] : memref<2000000x64xf32, #tpu.memory_space<hbm>> -> memref<2000000x64xf32, #tpu.memory_space<hbm>>
      %dma_start3A_891 = tpu.memref_slice %arg7[%dma_start3A_880] : memref<8x!tpu.dma_semaphore, #tpu.memory_space<semaphore_mem>> -> memref<1x!tpu.dma_semaphore, #tpu.memory_space<semaphore_mem>>
      %dma_start3A_892 = tpu.memref_squeeze %dma_start3A_891 : memref<1x!tpu.dma_semaphore, #tpu.memory_space<semaphore_mem>> -> memref<!tpu.dma_semaphore, #tpu.memory_space<semaphore_mem>>
      tpu.enqueue_indirect_dma source(%dma_start3A_890 : memref<2000000x64xf32, #tpu.memory_space<hbm>>) target(%dma_start3A_884 : memref<200x64xf32, #tpu.memory_space<vmem>>) offsets(%dma_start3A_887 : memref<200xi32, #tpu.memory_space<vmem>>) semaphore(%dma_start3A_892 : memref<!tpu.dma_semaphore, #tpu.memory_space<semaphore_mem>>)
      %add3A_893 = arith.constant 5 : i32
      %add3A_894 = arith.addi %mul3A_552, %add3A_893 : i32
      %dma_wait3A_895 = arith.constant 5 : i32
      %dma_wait3A_896 = arith.constant 5 : i32
      %dma_wait3A_897 = arith.constant 0 : i32
      %dma_wait3A_898 = arith.constant 0 : i32
      %dma_wait3A_899 = tpu.memref_slice %arg6[%dma_wait3A_895, %dma_wait3A_897, %dma_wait3A_898] : memref<8x200x64xf32, #tpu.memory_space<vmem>> -> memref<1x200x64xf32, #tpu.memory_space<vmem>>
      %dma_wait3A_900 = tpu.memref_squeeze %dma_wait3A_899 : memref<1x200x64xf32, #tpu.memory_space<vmem>> -> memref<200x64xf32, #tpu.memory_space<vmem>>
      %dma_wait3A_901 = arith.constant 0 : i32
      %dma_wait3A_902 = tpu.memref_slice %arg5[%add3A_894, %dma_wait3A_901] : memref<128x200xi32, #tpu.memory_space<vmem>> -> memref<1x200xi32, #tpu.memory_space<vmem>>
      %dma_wait3A_903 = tpu.memref_squeeze %dma_wait3A_902 : memref<1x200xi32, #tpu.memory_space<vmem>> -> memref<200xi32, #tpu.memory_space<vmem>>
      %dma_wait3A_904 = arith.constant 0 : i32
      %dma_wait3A_905 = arith.constant 0 : i32
      %dma_wait3A_906 = tpu.memref_slice %arg3[%dma_wait3A_904, %dma_wait3A_905] : memref<2000000x64xf32, #tpu.memory_space<hbm>> -> memref<2000000x64xf32, #tpu.memory_space<hbm>>
      %dma_wait3A_907 = tpu.memref_slice %arg7[%dma_wait3A_896] : memref<8x!tpu.dma_semaphore, #tpu.memory_space<semaphore_mem>> -> memref<1x!tpu.dma_semaphore, #tpu.memory_space<semaphore_mem>>
      %dma_wait3A_908 = tpu.memref_squeeze %dma_wait3A_907 : memref<1x!tpu.dma_semaphore, #tpu.memory_space<semaphore_mem>> -> memref<!tpu.dma_semaphore, #tpu.memory_space<semaphore_mem>>
      tpu.wait_indirect_dma semaphore(%dma_wait3A_908 : memref<!tpu.dma_semaphore, #tpu.memory_space<semaphore_mem>>) src(%dma_wait3A_906 : memref<2000000x64xf32, #tpu.memory_space<hbm>>) dst(%dma_wait3A_900 : memref<200x64xf32, #tpu.memory_space<vmem>>)
      %add3A_909 = arith.addi %mul3A_2, %add3A_894 : i32
      %dma_start3A_910 = arith.constant 5 : i32
      %dma_start3A_911 = arith.constant 5 : i32
      %dma_start3A_912 = arith.constant 0 : i32
      %dma_start3A_913 = arith.constant 0 : i32
      %dma_start3A_914 = tpu.memref_slice %arg6[%dma_start3A_911, %dma_start3A_912, %dma_start3A_913] : memref<8x200x64xf32, #tpu.memory_space<vmem>> -> memref<1x200x64xf32, #tpu.memory_space<vmem>>
      %dma_start3A_915 = arith.constant 0 : i32
      %dma_start3A_916 = arith.constant 0 : i32
      %dma_start3A_917 = tpu.memref_slice %arg4[%add3A_909, %dma_start3A_915, %dma_start3A_916] : memref<4096x200x128xf32, #tpu.memory_space<hbm>> -> memref<1x200x64xf32, #tpu.memory_space<hbm>>
      %dma_start3A_918 = tpu.memref_slice %arg8[%dma_start3A_910] : memref<8x!tpu.dma_semaphore, #tpu.memory_space<semaphore_mem>> -> memref<1x!tpu.dma_semaphore, #tpu.memory_space<semaphore_mem>>
      %dma_start3A_919 = tpu.memref_squeeze %dma_start3A_918 : memref<1x!tpu.dma_semaphore, #tpu.memory_space<semaphore_mem>> -> memref<!tpu.dma_semaphore, #tpu.memory_space<semaphore_mem>>
      %dma_start3A_920 = arith.constant 0 : i32
      %dma_start3A_921 = arith.constant 0 : i32
      %dma_start3A_922 = tpu.memref_slice %arg4[%add3A_909, %dma_start3A_920, %dma_start3A_921] : memref<4096x200x128xf32, #tpu.memory_space<hbm>> -> memref<1x200x64xf32, #tpu.memory_space<hbm>>
      %dma_start3A_923 = arith.constant 5 : i32
      %dma_start3A_924 = arith.constant 0 : i32
      %dma_start3A_925 = arith.constant 0 : i32
      %dma_start3A_926 = tpu.memref_slice %arg6[%dma_start3A_923, %dma_start3A_924, %dma_start3A_925] : memref<8x200x64xf32, #tpu.memory_space<vmem>> -> memref<1x200x64xf32, #tpu.memory_space<vmem>>
      tpu.enqueue_dma source(%dma_start3A_926 : memref<1x200x64xf32, #tpu.memory_space<vmem>>) target(%dma_start3A_922 : memref<1x200x64xf32, #tpu.memory_space<hbm>>) target_semaphore(%dma_start3A_919 : memref<!tpu.dma_semaphore, #tpu.memory_space<semaphore_mem>>)
      %add3A_927 = arith.addi %mul3A_2, %add3A_894 : i32
      %dma_wait3A_928 = arith.constant 5 : i32
      %dma_wait3A_929 = arith.constant 5 : i32
      %dma_wait3A_930 = arith.constant 0 : i32
      %dma_wait3A_931 = arith.constant 0 : i32
      %dma_wait3A_932 = tpu.memref_slice %arg6[%dma_wait3A_929, %dma_wait3A_930, %dma_wait3A_931] : memref<8x200x64xf32, #tpu.memory_space<vmem>> -> memref<1x200x64xf32, #tpu.memory_space<vmem>>
      %dma_wait3A_933 = arith.constant 0 : i32
      %dma_wait3A_934 = arith.constant 0 : i32
      %dma_wait3A_935 = tpu.memref_slice %arg4[%add3A_927, %dma_wait3A_933, %dma_wait3A_934] : memref<4096x200x128xf32, #tpu.memory_space<hbm>> -> memref<1x200x64xf32, #tpu.memory_space<hbm>>
      %dma_wait3A_936 = tpu.memref_slice %arg8[%dma_wait3A_928] : memref<8x!tpu.dma_semaphore, #tpu.memory_space<semaphore_mem>> -> memref<1x!tpu.dma_semaphore, #tpu.memory_space<semaphore_mem>>
      %dma_wait3A_937 = tpu.memref_squeeze %dma_wait3A_936 : memref<1x!tpu.dma_semaphore, #tpu.memory_space<semaphore_mem>> -> memref<!tpu.dma_semaphore, #tpu.memory_space<semaphore_mem>>
      %dma_wait3A_938 = arith.constant 0 : i32
      %dma_wait3A_939 = arith.constant 0 : i32
      %dma_wait3A_940 = tpu.memref_slice %arg4[%add3A_927, %dma_wait3A_938, %dma_wait3A_939] : memref<4096x200x128xf32, #tpu.memory_space<hbm>> -> memref<1x200x64xf32, #tpu.memory_space<hbm>>
      %dma_wait3A_941 = arith.constant 5 : i32
      %dma_wait3A_942 = arith.constant 0 : i32
      %dma_wait3A_943 = arith.constant 0 : i32
      %dma_wait3A_944 = tpu.memref_slice %arg6[%dma_wait3A_941, %dma_wait3A_942, %dma_wait3A_943] : memref<8x200x64xf32, #tpu.memory_space<vmem>> -> memref<1x200x64xf32, #tpu.memory_space<vmem>>
      tpu.wait_dma2 semaphore(%dma_wait3A_937 : memref<!tpu.dma_semaphore, #tpu.memory_space<semaphore_mem>>) src(%dma_wait3A_944 : memref<1x200x64xf32, #tpu.memory_space<vmem>>) dst(%dma_wait3A_940 : memref<1x200x64xf32, #tpu.memory_space<hbm>>)
      %add3A_945 = arith.constant 8 : i32
      %add3A_946 = arith.addi %add3A_894, %add3A_945 : i32
      %dma_start3A_947 = arith.constant 5 : i32
      %dma_start3A_948 = arith.constant 5 : i32
      %dma_start3A_949 = arith.constant 0 : i32
      %dma_start3A_950 = arith.constant 0 : i32
      %dma_start3A_951 = tpu.memref_slice %arg6[%dma_start3A_947, %dma_start3A_949, %dma_start3A_950] : memref<8x200x64xf32, #tpu.memory_space<vmem>> -> memref<1x200x64xf32, #tpu.memory_space<vmem>>
      %dma_start3A_952 = tpu.memref_squeeze %dma_start3A_951 : memref<1x200x64xf32, #tpu.memory_space<vmem>> -> memref<200x64xf32, #tpu.memory_space<vmem>>
      %dma_start3A_953 = arith.constant 0 : i32
      %dma_start3A_954 = tpu.memref_slice %arg5[%add3A_946, %dma_start3A_953] : memref<128x200xi32, #tpu.memory_space<vmem>> -> memref<1x200xi32, #tpu.memory_space<vmem>>
      %dma_start3A_955 = tpu.memref_squeeze %dma_start3A_954 : memref<1x200xi32, #tpu.memory_space<vmem>> -> memref<200xi32, #tpu.memory_space<vmem>>
      %dma_start3A_956 = arith.constant 0 : i32
      %dma_start3A_957 = arith.constant 0 : i32
      %dma_start3A_958 = tpu.memref_slice %arg3[%dma_start3A_956, %dma_start3A_957] : memref<2000000x64xf32, #tpu.memory_space<hbm>> -> memref<2000000x64xf32, #tpu.memory_space<hbm>>
      %dma_start3A_959 = tpu.memref_slice %arg7[%dma_start3A_948] : memref<8x!tpu.dma_semaphore, #tpu.memory_space<semaphore_mem>> -> memref<1x!tpu.dma_semaphore, #tpu.memory_space<semaphore_mem>>
      %dma_start3A_960 = tpu.memref_squeeze %dma_start3A_959 : memref<1x!tpu.dma_semaphore, #tpu.memory_space<semaphore_mem>> -> memref<!tpu.dma_semaphore, #tpu.memory_space<semaphore_mem>>
      tpu.enqueue_indirect_dma source(%dma_start3A_958 : memref<2000000x64xf32, #tpu.memory_space<hbm>>) target(%dma_start3A_952 : memref<200x64xf32, #tpu.memory_space<vmem>>) offsets(%dma_start3A_955 : memref<200xi32, #tpu.memory_space<vmem>>) semaphore(%dma_start3A_960 : memref<!tpu.dma_semaphore, #tpu.memory_space<semaphore_mem>>)
      %add3A_961 = arith.constant 6 : i32
      %add3A_962 = arith.addi %mul3A_552, %add3A_961 : i32
      %dma_wait3A_963 = arith.constant 6 : i32
      %dma_wait3A_964 = arith.constant 6 : i32
      %dma_wait3A_965 = arith.constant 0 : i32
      %dma_wait3A_966 = arith.constant 0 : i32
      %dma_wait3A_967 = tpu.memref_slice %arg6[%dma_wait3A_963, %dma_wait3A_965, %dma_wait3A_966] : memref<8x200x64xf32, #tpu.memory_space<vmem>> -> memref<1x200x64xf32, #tpu.memory_space<vmem>>
      %dma_wait3A_968 = tpu.memref_squeeze %dma_wait3A_967 : memref<1x200x64xf32, #tpu.memory_space<vmem>> -> memref<200x64xf32, #tpu.memory_space<vmem>>
      %dma_wait3A_969 = arith.constant 0 : i32
      %dma_wait3A_970 = tpu.memref_slice %arg5[%add3A_962, %dma_wait3A_969] : memref<128x200xi32, #tpu.memory_space<vmem>> -> memref<1x200xi32, #tpu.memory_space<vmem>>
      %dma_wait3A_971 = tpu.memref_squeeze %dma_wait3A_970 : memref<1x200xi32, #tpu.memory_space<vmem>> -> memref<200xi32, #tpu.memory_space<vmem>>
      %dma_wait3A_972 = arith.constant 0 : i32
      %dma_wait3A_973 = arith.constant 0 : i32
      %dma_wait3A_974 = tpu.memref_slice %arg3[%dma_wait3A_972, %dma_wait3A_973] : memref<2000000x64xf32, #tpu.memory_space<hbm>> -> memref<2000000x64xf32, #tpu.memory_space<hbm>>
      %dma_wait3A_975 = tpu.memref_slice %arg7[%dma_wait3A_964] : memref<8x!tpu.dma_semaphore, #tpu.memory_space<semaphore_mem>> -> memref<1x!tpu.dma_semaphore, #tpu.memory_space<semaphore_mem>>
      %dma_wait3A_976 = tpu.memref_squeeze %dma_wait3A_975 : memref<1x!tpu.dma_semaphore, #tpu.memory_space<semaphore_mem>> -> memref<!tpu.dma_semaphore, #tpu.memory_space<semaphore_mem>>
      tpu.wait_indirect_dma semaphore(%dma_wait3A_976 : memref<!tpu.dma_semaphore, #tpu.memory_space<semaphore_mem>>) src(%dma_wait3A_974 : memref<2000000x64xf32, #tpu.memory_space<hbm>>) dst(%dma_wait3A_968 : memref<200x64xf32, #tpu.memory_space<vmem>>)
      %add3A_977 = arith.addi %mul3A_2, %add3A_962 : i32
      %dma_start3A_978 = arith.constant 6 : i32
      %dma_start3A_979 = arith.constant 6 : i32
      %dma_start3A_980 = arith.constant 0 : i32
      %dma_start3A_981 = arith.constant 0 : i32
      %dma_start3A_982 = tpu.memref_slice %arg6[%dma_start3A_979, %dma_start3A_980, %dma_start3A_981] : memref<8x200x64xf32, #tpu.memory_space<vmem>> -> memref<1x200x64xf32, #tpu.memory_space<vmem>>
      %dma_start3A_983 = arith.constant 0 : i32
      %dma_start3A_984 = arith.constant 0 : i32
      %dma_start3A_985 = tpu.memref_slice %arg4[%add3A_977, %dma_start3A_983, %dma_start3A_984] : memref<4096x200x128xf32, #tpu.memory_space<hbm>> -> memref<1x200x64xf32, #tpu.memory_space<hbm>>
      %dma_start3A_986 = tpu.memref_slice %arg8[%dma_start3A_978] : memref<8x!tpu.dma_semaphore, #tpu.memory_space<semaphore_mem>> -> memref<1x!tpu.dma_semaphore, #tpu.memory_space<semaphore_mem>>
      %dma_start3A_987 = tpu.memref_squeeze %dma_start3A_986 : memref<1x!tpu.dma_semaphore, #tpu.memory_space<semaphore_mem>> -> memref<!tpu.dma_semaphore, #tpu.memory_space<semaphore_mem>>
      %dma_start3A_988 = arith.constant 0 : i32
      %dma_start3A_989 = arith.constant 0 : i32
      %dma_start3A_990 = tpu.memref_slice %arg4[%add3A_977, %dma_start3A_988, %dma_start3A_989] : memref<4096x200x128xf32, #tpu.memory_space<hbm>> -> memref<1x200x64xf32, #tpu.memory_space<hbm>>
      %dma_start3A_991 = arith.constant 6 : i32
      %dma_start3A_992 = arith.constant 0 : i32
      %dma_start3A_993 = arith.constant 0 : i32
      %dma_start3A_994 = tpu.memref_slice %arg6[%dma_start3A_991, %dma_start3A_992, %dma_start3A_993] : memref<8x200x64xf32, #tpu.memory_space<vmem>> -> memref<1x200x64xf32, #tpu.memory_space<vmem>>
      tpu.enqueue_dma source(%dma_start3A_994 : memref<1x200x64xf32, #tpu.memory_space<vmem>>) target(%dma_start3A_990 : memref<1x200x64xf32, #tpu.memory_space<hbm>>) target_semaphore(%dma_start3A_987 : memref<!tpu.dma_semaphore, #tpu.memory_space<semaphore_mem>>)
      %add3A_995 = arith.addi %mul3A_2, %add3A_962 : i32
      %dma_wait3A_996 = arith.constant 6 : i32
      %dma_wait3A_997 = arith.constant 6 : i32
      %dma_wait3A_998 = arith.constant 0 : i32
      %dma_wait3A_999 = arith.constant 0 : i32
      %dma_wait3A_1000 = tpu.memref_slice %arg6[%dma_wait3A_997, %dma_wait3A_998, %dma_wait3A_999] : memref<8x200x64xf32, #tpu.memory_space<vmem>> -> memref<1x200x64xf32, #tpu.memory_space<vmem>>
      %dma_wait3A_1001 = arith.constant 0 : i32
      %dma_wait3A_1002 = arith.constant 0 : i32
      %dma_wait3A_1003 = tpu.memref_slice %arg4[%add3A_995, %dma_wait3A_1001, %dma_wait3A_1002] : memref<4096x200x128xf32, #tpu.memory_space<hbm>> -> memref<1x200x64xf32, #tpu.memory_space<hbm>>
      %dma_wait3A_1004 = tpu.memref_slice %arg8[%dma_wait3A_996] : memref<8x!tpu.dma_semaphore, #tpu.memory_space<semaphore_mem>> -> memref<1x!tpu.dma_semaphore, #tpu.memory_space<semaphore_mem>>
      %dma_wait3A_1005 = tpu.memref_squeeze %dma_wait3A_1004 : memref<1x!tpu.dma_semaphore, #tpu.memory_space<semaphore_mem>> -> memref<!tpu.dma_semaphore, #tpu.memory_space<semaphore_mem>>
      %dma_wait3A_1006 = arith.constant 0 : i32
      %dma_wait3A_1007 = arith.constant 0 : i32
      %dma_wait3A_1008 = tpu.memref_slice %arg4[%add3A_995, %dma_wait3A_1006, %dma_wait3A_1007] : memref<4096x200x128xf32, #tpu.memory_space<hbm>> -> memref<1x200x64xf32, #tpu.memory_space<hbm>>
      %dma_wait3A_1009 = arith.constant 6 : i32
      %dma_wait3A_1010 = arith.constant 0 : i32
      %dma_wait3A_1011 = arith.constant 0 : i32
      %dma_wait3A_1012 = tpu.memref_slice %arg6[%dma_wait3A_1009, %dma_wait3A_1010, %dma_wait3A_1011] : memref<8x200x64xf32, #tpu.memory_space<vmem>> -> memref<1x200x64xf32, #tpu.memory_space<vmem>>
      tpu.wait_dma2 semaphore(%dma_wait3A_1005 : memref<!tpu.dma_semaphore, #tpu.memory_space<semaphore_mem>>) src(%dma_wait3A_1012 : memref<1x200x64xf32, #tpu.memory_space<vmem>>) dst(%dma_wait3A_1008 : memref<1x200x64xf32, #tpu.memory_space<hbm>>)
      %add3A_1013 = arith.constant 8 : i32
      %add3A_1014 = arith.addi %add3A_962, %add3A_1013 : i32
      %dma_start3A_1015 = arith.constant 6 : i32
      %dma_start3A_1016 = arith.constant 6 : i32
      %dma_start3A_1017 = arith.constant 0 : i32
      %dma_start3A_1018 = arith.constant 0 : i32
      %dma_start3A_1019 = tpu.memref_slice %arg6[%dma_start3A_1015, %dma_start3A_1017, %dma_start3A_1018] : memref<8x200x64xf32, #tpu.memory_space<vmem>> -> memref<1x200x64xf32, #tpu.memory_space<vmem>>
      %dma_start3A_1020 = tpu.memref_squeeze %dma_start3A_1019 : memref<1x200x64xf32, #tpu.memory_space<vmem>> -> memref<200x64xf32, #tpu.memory_space<vmem>>
      %dma_start3A_1021 = arith.constant 0 : i32
      %dma_start3A_1022 = tpu.memref_slice %arg5[%add3A_1014, %dma_start3A_1021] : memref<128x200xi32, #tpu.memory_space<vmem>> -> memref<1x200xi32, #tpu.memory_space<vmem>>
      %dma_start3A_1023 = tpu.memref_squeeze %dma_start3A_1022 : memref<1x200xi32, #tpu.memory_space<vmem>> -> memref<200xi32, #tpu.memory_space<vmem>>
      %dma_start3A_1024 = arith.constant 0 : i32
      %dma_start3A_1025 = arith.constant 0 : i32
      %dma_start3A_1026 = tpu.memref_slice %arg3[%dma_start3A_1024, %dma_start3A_1025] : memref<2000000x64xf32, #tpu.memory_space<hbm>> -> memref<2000000x64xf32, #tpu.memory_space<hbm>>
      %dma_start3A_1027 = tpu.memref_slice %arg7[%dma_start3A_1016] : memref<8x!tpu.dma_semaphore, #tpu.memory_space<semaphore_mem>> -> memref<1x!tpu.dma_semaphore, #tpu.memory_space<semaphore_mem>>
      %dma_start3A_1028 = tpu.memref_squeeze %dma_start3A_1027 : memref<1x!tpu.dma_semaphore, #tpu.memory_space<semaphore_mem>> -> memref<!tpu.dma_semaphore, #tpu.memory_space<semaphore_mem>>
      tpu.enqueue_indirect_dma source(%dma_start3A_1026 : memref<2000000x64xf32, #tpu.memory_space<hbm>>) target(%dma_start3A_1020 : memref<200x64xf32, #tpu.memory_space<vmem>>) offsets(%dma_start3A_1023 : memref<200xi32, #tpu.memory_space<vmem>>) semaphore(%dma_start3A_1028 : memref<!tpu.dma_semaphore, #tpu.memory_space<semaphore_mem>>)
      %add3A_1029 = arith.constant 7 : i32
      %add3A_1030 = arith.addi %mul3A_552, %add3A_1029 : i32
      %dma_wait3A_1031 = arith.constant 7 : i32
      %dma_wait3A_1032 = arith.constant 7 : i32
      %dma_wait3A_1033 = arith.constant 0 : i32
      %dma_wait3A_1034 = arith.constant 0 : i32
      %dma_wait3A_1035 = tpu.memref_slice %arg6[%dma_wait3A_1031, %dma_wait3A_1033, %dma_wait3A_1034] : memref<8x200x64xf32, #tpu.memory_space<vmem>> -> memref<1x200x64xf32, #tpu.memory_space<vmem>>
      %dma_wait3A_1036 = tpu.memref_squeeze %dma_wait3A_1035 : memref<1x200x64xf32, #tpu.memory_space<vmem>> -> memref<200x64xf32, #tpu.memory_space<vmem>>
      %dma_wait3A_1037 = arith.constant 0 : i32
      %dma_wait3A_1038 = tpu.memref_slice %arg5[%add3A_1030, %dma_wait3A_1037] : memref<128x200xi32, #tpu.memory_space<vmem>> -> memref<1x200xi32, #tpu.memory_space<vmem>>
      %dma_wait3A_1039 = tpu.memref_squeeze %dma_wait3A_1038 : memref<1x200xi32, #tpu.memory_space<vmem>> -> memref<200xi32, #tpu.memory_space<vmem>>
      %dma_wait3A_1040 = arith.constant 0 : i32
      %dma_wait3A_1041 = arith.constant 0 : i32
      %dma_wait3A_1042 = tpu.memref_slice %arg3[%dma_wait3A_1040, %dma_wait3A_1041] : memref<2000000x64xf32, #tpu.memory_space<hbm>> -> memref<2000000x64xf32, #tpu.memory_space<hbm>>
      %dma_wait3A_1043 = tpu.memref_slice %arg7[%dma_wait3A_1032] : memref<8x!tpu.dma_semaphore, #tpu.memory_space<semaphore_mem>> -> memref<1x!tpu.dma_semaphore, #tpu.memory_space<semaphore_mem>>
      %dma_wait3A_1044 = tpu.memref_squeeze %dma_wait3A_1043 : memref<1x!tpu.dma_semaphore, #tpu.memory_space<semaphore_mem>> -> memref<!tpu.dma_semaphore, #tpu.memory_space<semaphore_mem>>
      tpu.wait_indirect_dma semaphore(%dma_wait3A_1044 : memref<!tpu.dma_semaphore, #tpu.memory_space<semaphore_mem>>) src(%dma_wait3A_1042 : memref<2000000x64xf32, #tpu.memory_space<hbm>>) dst(%dma_wait3A_1036 : memref<200x64xf32, #tpu.memory_space<vmem>>)
      %add3A_1045 = arith.addi %mul3A_2, %add3A_1030 : i32
      %dma_start3A_1046 = arith.constant 7 : i32
      %dma_start3A_1047 = arith.constant 7 : i32
      %dma_start3A_1048 = arith.constant 0 : i32
      %dma_start3A_1049 = arith.constant 0 : i32
      %dma_start3A_1050 = tpu.memref_slice %arg6[%dma_start3A_1047, %dma_start3A_1048, %dma_start3A_1049] : memref<8x200x64xf32, #tpu.memory_space<vmem>> -> memref<1x200x64xf32, #tpu.memory_space<vmem>>
      %dma_start3A_1051 = arith.constant 0 : i32
      %dma_start3A_1052 = arith.constant 0 : i32
      %dma_start3A_1053 = tpu.memref_slice %arg4[%add3A_1045, %dma_start3A_1051, %dma_start3A_1052] : memref<4096x200x128xf32, #tpu.memory_space<hbm>> -> memref<1x200x64xf32, #tpu.memory_space<hbm>>
      %dma_start3A_1054 = tpu.memref_slice %arg8[%dma_start3A_1046] : memref<8x!tpu.dma_semaphore, #tpu.memory_space<semaphore_mem>> -> memref<1x!tpu.dma_semaphore, #tpu.memory_space<semaphore_mem>>
      %dma_start3A_1055 = tpu.memref_squeeze %dma_start3A_1054 : memref<1x!tpu.dma_semaphore, #tpu.memory_space<semaphore_mem>> -> memref<!tpu.dma_semaphore, #tpu.memory_space<semaphore_mem>>
      %dma_start3A_1056 = arith.constant 0 : i32
      %dma_start3A_1057 = arith.constant 0 : i32
      %dma_start3A_1058 = tpu.memref_slice %arg4[%add3A_1045, %dma_start3A_1056, %dma_start3A_1057] : memref<4096x200x128xf32, #tpu.memory_space<hbm>> -> memref<1x200x64xf32, #tpu.memory_space<hbm>>
      %dma_start3A_1059 = arith.constant 7 : i32
      %dma_start3A_1060 = arith.constant 0 : i32
      %dma_start3A_1061 = arith.constant 0 : i32
      %dma_start3A_1062 = tpu.memref_slice %arg6[%dma_start3A_1059, %dma_start3A_1060, %dma_start3A_1061] : memref<8x200x64xf32, #tpu.memory_space<vmem>> -> memref<1x200x64xf32, #tpu.memory_space<vmem>>
      tpu.enqueue_dma source(%dma_start3A_1062 : memref<1x200x64xf32, #tpu.memory_space<vmem>>) target(%dma_start3A_1058 : memref<1x200x64xf32, #tpu.memory_space<hbm>>) target_semaphore(%dma_start3A_1055 : memref<!tpu.dma_semaphore, #tpu.memory_space<semaphore_mem>>)
      %add3A_1063 = arith.addi %mul3A_2, %add3A_1030 : i32
      %dma_wait3A_1064 = arith.constant 7 : i32
      %dma_wait3A_1065 = arith.constant 7 : i32
      %dma_wait3A_1066 = arith.constant 0 : i32
      %dma_wait3A_1067 = arith.constant 0 : i32
      %dma_wait3A_1068 = tpu.memref_slice %arg6[%dma_wait3A_1065, %dma_wait3A_1066, %dma_wait3A_1067] : memref<8x200x64xf32, #tpu.memory_space<vmem>> -> memref<1x200x64xf32, #tpu.memory_space<vmem>>
      %dma_wait3A_1069 = arith.constant 0 : i32
      %dma_wait3A_1070 = arith.constant 0 : i32
      %dma_wait3A_1071 = tpu.memref_slice %arg4[%add3A_1063, %dma_wait3A_1069, %dma_wait3A_1070] : memref<4096x200x128xf32, #tpu.memory_space<hbm>> -> memref<1x200x64xf32, #tpu.memory_space<hbm>>
      %dma_wait3A_1072 = tpu.memref_slice %arg8[%dma_wait3A_1064] : memref<8x!tpu.dma_semaphore, #tpu.memory_space<semaphore_mem>> -> memref<1x!tpu.dma_semaphore, #tpu.memory_space<semaphore_mem>>
      %dma_wait3A_1073 = tpu.memref_squeeze %dma_wait3A_1072 : memref<1x!tpu.dma_semaphore, #tpu.memory_space<semaphore_mem>> -> memref<!tpu.dma_semaphore, #tpu.memory_space<semaphore_mem>>
      %dma_wait3A_1074 = arith.constant 0 : i32
      %dma_wait3A_1075 = arith.constant 0 : i32
      %dma_wait3A_1076 = tpu.memref_slice %arg4[%add3A_1063, %dma_wait3A_1074, %dma_wait3A_1075] : memref<4096x200x128xf32, #tpu.memory_space<hbm>> -> memref<1x200x64xf32, #tpu.memory_space<hbm>>
      %dma_wait3A_1077 = arith.constant 7 : i32
      %dma_wait3A_1078 = arith.constant 0 : i32
      %dma_wait3A_1079 = arith.constant 0 : i32
      %dma_wait3A_1080 = tpu.memref_slice %arg6[%dma_wait3A_1077, %dma_wait3A_1078, %dma_wait3A_1079] : memref<8x200x64xf32, #tpu.memory_space<vmem>> -> memref<1x200x64xf32, #tpu.memory_space<vmem>>
      tpu.wait_dma2 semaphore(%dma_wait3A_1073 : memref<!tpu.dma_semaphore, #tpu.memory_space<semaphore_mem>>) src(%dma_wait3A_1080 : memref<1x200x64xf32, #tpu.memory_space<vmem>>) dst(%dma_wait3A_1076 : memref<1x200x64xf32, #tpu.memory_space<hbm>>)
      %add3A_1081 = arith.constant 8 : i32
      %add3A_1082 = arith.addi %add3A_1030, %add3A_1081 : i32
      %dma_start3A_1083 = arith.constant 7 : i32
      %dma_start3A_1084 = arith.constant 7 : i32
      %dma_start3A_1085 = arith.constant 0 : i32
      %dma_start3A_1086 = arith.constant 0 : i32
      %dma_start3A_1087 = tpu.memref_slice %arg6[%dma_start3A_1083, %dma_start3A_1085, %dma_start3A_1086] : memref<8x200x64xf32, #tpu.memory_space<vmem>> -> memref<1x200x64xf32, #tpu.memory_space<vmem>>
      %dma_start3A_1088 = tpu.memref_squeeze %dma_start3A_1087 : memref<1x200x64xf32, #tpu.memory_space<vmem>> -> memref<200x64xf32, #tpu.memory_space<vmem>>
      %dma_start3A_1089 = arith.constant 0 : i32
      %dma_start3A_1090 = tpu.memref_slice %arg5[%add3A_1082, %dma_start3A_1089] : memref<128x200xi32, #tpu.memory_space<vmem>> -> memref<1x200xi32, #tpu.memory_space<vmem>>
      %dma_start3A_1091 = tpu.memref_squeeze %dma_start3A_1090 : memref<1x200xi32, #tpu.memory_space<vmem>> -> memref<200xi32, #tpu.memory_space<vmem>>
      %dma_start3A_1092 = arith.constant 0 : i32
      %dma_start3A_1093 = arith.constant 0 : i32
      %dma_start3A_1094 = tpu.memref_slice %arg3[%dma_start3A_1092, %dma_start3A_1093] : memref<2000000x64xf32, #tpu.memory_space<hbm>> -> memref<2000000x64xf32, #tpu.memory_space<hbm>>
      %dma_start3A_1095 = tpu.memref_slice %arg7[%dma_start3A_1084] : memref<8x!tpu.dma_semaphore, #tpu.memory_space<semaphore_mem>> -> memref<1x!tpu.dma_semaphore, #tpu.memory_space<semaphore_mem>>
      %dma_start3A_1096 = tpu.memref_squeeze %dma_start3A_1095 : memref<1x!tpu.dma_semaphore, #tpu.memory_space<semaphore_mem>> -> memref<!tpu.dma_semaphore, #tpu.memory_space<semaphore_mem>>
      tpu.enqueue_indirect_dma source(%dma_start3A_1094 : memref<2000000x64xf32, #tpu.memory_space<hbm>>) target(%dma_start3A_1088 : memref<200x64xf32, #tpu.memory_space<vmem>>) offsets(%dma_start3A_1091 : memref<200xi32, #tpu.memory_space<vmem>>) semaphore(%dma_start3A_1096 : memref<!tpu.dma_semaphore, #tpu.memory_space<semaphore_mem>>)
    }
    %scan3A_126 = arith.constant 15 : i32
    %dma_wait3A = arith.constant 120 : i32
    %dma_wait3A_127 = arith.constant 0 : i32
    %dma_wait3A_128 = arith.constant 0 : i32
    %dma_wait3A_129 = arith.constant 0 : i32
    %dma_wait3A_130 = arith.constant 0 : i32
    %dma_wait3A_131 = tpu.memref_slice %arg6[%dma_wait3A_127, %dma_wait3A_129, %dma_wait3A_130] : memref<8x200x64xf32, #tpu.memory_space<vmem>> -> memref<1x200x64xf32, #tpu.memory_space<vmem>>
    %dma_wait3A_132 = tpu.memref_squeeze %dma_wait3A_131 : memref<1x200x64xf32, #tpu.memory_space<vmem>> -> memref<200x64xf32, #tpu.memory_space<vmem>>
    %dma_wait3A_133 = arith.constant 0 : i32
    %dma_wait3A_134 = tpu.memref_slice %arg5[%dma_wait3A, %dma_wait3A_133] : memref<128x200xi32, #tpu.memory_space<vmem>> -> memref<1x200xi32, #tpu.memory_space<vmem>>
    %dma_wait3A_135 = tpu.memref_squeeze %dma_wait3A_134 : memref<1x200xi32, #tpu.memory_space<vmem>> -> memref<200xi32, #tpu.memory_space<vmem>>
    %dma_wait3A_136 = arith.constant 0 : i32
    %dma_wait3A_137 = arith.constant 0 : i32
    %dma_wait3A_138 = tpu.memref_slice %arg3[%dma_wait3A_136, %dma_wait3A_137] : memref<2000000x64xf32, #tpu.memory_space<hbm>> -> memref<2000000x64xf32, #tpu.memory_space<hbm>>
    %dma_wait3A_139 = tpu.memref_slice %arg7[%dma_wait3A_128] : memref<8x!tpu.dma_semaphore, #tpu.memory_space<semaphore_mem>> -> memref<1x!tpu.dma_semaphore, #tpu.memory_space<semaphore_mem>>
    %dma_wait3A_140 = tpu.memref_squeeze %dma_wait3A_139 : memref<1x!tpu.dma_semaphore, #tpu.memory_space<semaphore_mem>> -> memref<!tpu.dma_semaphore, #tpu.memory_space<semaphore_mem>>
    tpu.wait_indirect_dma semaphore(%dma_wait3A_140 : memref<!tpu.dma_semaphore, #tpu.memory_space<semaphore_mem>>) src(%dma_wait3A_138 : memref<2000000x64xf32, #tpu.memory_space<hbm>>) dst(%dma_wait3A_132 : memref<200x64xf32, #tpu.memory_space<vmem>>)
    %add3A_141 = arith.constant 120 : i32
    %add3A_142 = arith.addi %mul3A_2, %add3A_141 : i32
    %dma_start3A_143 = arith.constant 0 : i32
    %dma_start3A_144 = arith.constant 0 : i32
    %dma_start3A_145 = arith.constant 0 : i32
    %dma_start3A_146 = arith.constant 0 : i32
    %dma_start3A_147 = tpu.memref_slice %arg6[%dma_start3A_144, %dma_start3A_145, %dma_start3A_146] : memref<8x200x64xf32, #tpu.memory_space<vmem>> -> memref<1x200x64xf32, #tpu.memory_space<vmem>>
    %dma_start3A_148 = arith.constant 0 : i32
    %dma_start3A_149 = arith.constant 0 : i32
    %dma_start3A_150 = tpu.memref_slice %arg4[%add3A_142, %dma_start3A_148, %dma_start3A_149] : memref<4096x200x128xf32, #tpu.memory_space<hbm>> -> memref<1x200x64xf32, #tpu.memory_space<hbm>>
    %dma_start3A_151 = tpu.memref_slice %arg8[%dma_start3A_143] : memref<8x!tpu.dma_semaphore, #tpu.memory_space<semaphore_mem>> -> memref<1x!tpu.dma_semaphore, #tpu.memory_space<semaphore_mem>>
    %dma_start3A_152 = tpu.memref_squeeze %dma_start3A_151 : memref<1x!tpu.dma_semaphore, #tpu.memory_space<semaphore_mem>> -> memref<!tpu.dma_semaphore, #tpu.memory_space<semaphore_mem>>
    %dma_start3A_153 = arith.constant 0 : i32
    %dma_start3A_154 = arith.constant 0 : i32
    %dma_start3A_155 = tpu.memref_slice %arg4[%add3A_142, %dma_start3A_153, %dma_start3A_154] : memref<4096x200x128xf32, #tpu.memory_space<hbm>> -> memref<1x200x64xf32, #tpu.memory_space<hbm>>
    %dma_start3A_156 = arith.constant 0 : i32
    %dma_start3A_157 = arith.constant 0 : i32
    %dma_start3A_158 = arith.constant 0 : i32
    %dma_start3A_159 = tpu.memref_slice %arg6[%dma_start3A_156, %dma_start3A_157, %dma_start3A_158] : memref<8x200x64xf32, #tpu.memory_space<vmem>> -> memref<1x200x64xf32, #tpu.memory_space<vmem>>
    tpu.enqueue_dma source(%dma_start3A_159 : memref<1x200x64xf32, #tpu.memory_space<vmem>>) target(%dma_start3A_155 : memref<1x200x64xf32, #tpu.memory_space<hbm>>) target_semaphore(%dma_start3A_152 : memref<!tpu.dma_semaphore, #tpu.memory_space<semaphore_mem>>)
    %add3A_160 = arith.constant 120 : i32
    %add3A_161 = arith.addi %mul3A_2, %add3A_160 : i32
    %dma_wait3A_162 = arith.constant 0 : i32
    %dma_wait3A_163 = arith.constant 0 : i32
    %dma_wait3A_164 = arith.constant 0 : i32
    %dma_wait3A_165 = arith.constant 0 : i32
    %dma_wait3A_166 = tpu.memref_slice %arg6[%dma_wait3A_163, %dma_wait3A_164, %dma_wait3A_165] : memref<8x200x64xf32, #tpu.memory_space<vmem>> -> memref<1x200x64xf32, #tpu.memory_space<vmem>>
    %dma_wait3A_167 = arith.constant 0 : i32
    %dma_wait3A_168 = arith.constant 0 : i32
    %dma_wait3A_169 = tpu.memref_slice %arg4[%add3A_161, %dma_wait3A_167, %dma_wait3A_168] : memref<4096x200x128xf32, #tpu.memory_space<hbm>> -> memref<1x200x64xf32, #tpu.memory_space<hbm>>
    %dma_wait3A_170 = tpu.memref_slice %arg8[%dma_wait3A_162] : memref<8x!tpu.dma_semaphore, #tpu.memory_space<semaphore_mem>> -> memref<1x!tpu.dma_semaphore, #tpu.memory_space<semaphore_mem>>
    %dma_wait3A_171 = tpu.memref_squeeze %dma_wait3A_170 : memref<1x!tpu.dma_semaphore, #tpu.memory_space<semaphore_mem>> -> memref<!tpu.dma_semaphore, #tpu.memory_space<semaphore_mem>>
    %dma_wait3A_172 = arith.constant 0 : i32
    %dma_wait3A_173 = arith.constant 0 : i32
    %dma_wait3A_174 = tpu.memref_slice %arg4[%add3A_161, %dma_wait3A_172, %dma_wait3A_173] : memref<4096x200x128xf32, #tpu.memory_space<hbm>> -> memref<1x200x64xf32, #tpu.memory_space<hbm>>
    %dma_wait3A_175 = arith.constant 0 : i32
    %dma_wait3A_176 = arith.constant 0 : i32
    %dma_wait3A_177 = arith.constant 0 : i32
    %dma_wait3A_178 = tpu.memref_slice %arg6[%dma_wait3A_175, %dma_wait3A_176, %dma_wait3A_177] : memref<8x200x64xf32, #tpu.memory_space<vmem>> -> memref<1x200x64xf32, #tpu.memory_space<vmem>>
    tpu.wait_dma2 semaphore(%dma_wait3A_171 : memref<!tpu.dma_semaphore, #tpu.memory_space<semaphore_mem>>) src(%dma_wait3A_178 : memref<1x200x64xf32, #tpu.memory_space<vmem>>) dst(%dma_wait3A_174 : memref<1x200x64xf32, #tpu.memory_space<hbm>>)
    %dma_wait3A_179 = arith.constant 121 : i32
    %dma_wait3A_180 = arith.constant 1 : i32
    %dma_wait3A_181 = arith.constant 1 : i32
    %dma_wait3A_182 = arith.constant 0 : i32
    %dma_wait3A_183 = arith.constant 0 : i32
    %dma_wait3A_184 = tpu.memref_slice %arg6[%dma_wait3A_180, %dma_wait3A_182, %dma_wait3A_183] : memref<8x200x64xf32, #tpu.memory_space<vmem>> -> memref<1x200x64xf32, #tpu.memory_space<vmem>>
    %dma_wait3A_185 = tpu.memref_squeeze %dma_wait3A_184 : memref<1x200x64xf32, #tpu.memory_space<vmem>> -> memref<200x64xf32, #tpu.memory_space<vmem>>
    %dma_wait3A_186 = arith.constant 0 : i32
    %dma_wait3A_187 = tpu.memref_slice %arg5[%dma_wait3A_179, %dma_wait3A_186] : memref<128x200xi32, #tpu.memory_space<vmem>> -> memref<1x200xi32, #tpu.memory_space<vmem>>
    %dma_wait3A_188 = tpu.memref_squeeze %dma_wait3A_187 : memref<1x200xi32, #tpu.memory_space<vmem>> -> memref<200xi32, #tpu.memory_space<vmem>>
    %dma_wait3A_189 = arith.constant 0 : i32
    %dma_wait3A_190 = arith.constant 0 : i32
    %dma_wait3A_191 = tpu.memref_slice %arg3[%dma_wait3A_189, %dma_wait3A_190] : memref<2000000x64xf32, #tpu.memory_space<hbm>> -> memref<2000000x64xf32, #tpu.memory_space<hbm>>
    %dma_wait3A_192 = tpu.memref_slice %arg7[%dma_wait3A_181] : memref<8x!tpu.dma_semaphore, #tpu.memory_space<semaphore_mem>> -> memref<1x!tpu.dma_semaphore, #tpu.memory_space<semaphore_mem>>
    %dma_wait3A_193 = tpu.memref_squeeze %dma_wait3A_192 : memref<1x!tpu.dma_semaphore, #tpu.memory_space<semaphore_mem>> -> memref<!tpu.dma_semaphore, #tpu.memory_space<semaphore_mem>>
    tpu.wait_indirect_dma semaphore(%dma_wait3A_193 : memref<!tpu.dma_semaphore, #tpu.memory_space<semaphore_mem>>) src(%dma_wait3A_191 : memref<2000000x64xf32, #tpu.memory_space<hbm>>) dst(%dma_wait3A_185 : memref<200x64xf32, #tpu.memory_space<vmem>>)
    %add3A_194 = arith.constant 121 : i32
    %add3A_195 = arith.addi %mul3A_2, %add3A_194 : i32
    %dma_start3A_196 = arith.constant 1 : i32
    %dma_start3A_197 = arith.constant 1 : i32
    %dma_start3A_198 = arith.constant 0 : i32
    %dma_start3A_199 = arith.constant 0 : i32
    %dma_start3A_200 = tpu.memref_slice %arg6[%dma_start3A_197, %dma_start3A_198, %dma_start3A_199] : memref<8x200x64xf32, #tpu.memory_space<vmem>> -> memref<1x200x64xf32, #tpu.memory_space<vmem>>
    %dma_start3A_201 = arith.constant 0 : i32
    %dma_start3A_202 = arith.constant 0 : i32
    %dma_start3A_203 = tpu.memref_slice %arg4[%add3A_195, %dma_start3A_201, %dma_start3A_202] : memref<4096x200x128xf32, #tpu.memory_space<hbm>> -> memref<1x200x64xf32, #tpu.memory_space<hbm>>
    %dma_start3A_204 = tpu.memref_slice %arg8[%dma_start3A_196] : memref<8x!tpu.dma_semaphore, #tpu.memory_space<semaphore_mem>> -> memref<1x!tpu.dma_semaphore, #tpu.memory_space<semaphore_mem>>
    %dma_start3A_205 = tpu.memref_squeeze %dma_start3A_204 : memref<1x!tpu.dma_semaphore, #tpu.memory_space<semaphore_mem>> -> memref<!tpu.dma_semaphore, #tpu.memory_space<semaphore_mem>>
    %dma_start3A_206 = arith.constant 0 : i32
    %dma_start3A_207 = arith.constant 0 : i32
    %dma_start3A_208 = tpu.memref_slice %arg4[%add3A_195, %dma_start3A_206, %dma_start3A_207] : memref<4096x200x128xf32, #tpu.memory_space<hbm>> -> memref<1x200x64xf32, #tpu.memory_space<hbm>>
    %dma_start3A_209 = arith.constant 1 : i32
    %dma_start3A_210 = arith.constant 0 : i32
    %dma_start3A_211 = arith.constant 0 : i32
    %dma_start3A_212 = tpu.memref_slice %arg6[%dma_start3A_209, %dma_start3A_210, %dma_start3A_211] : memref<8x200x64xf32, #tpu.memory_space<vmem>> -> memref<1x200x64xf32, #tpu.memory_space<vmem>>
    tpu.enqueue_dma source(%dma_start3A_212 : memref<1x200x64xf32, #tpu.memory_space<vmem>>) target(%dma_start3A_208 : memref<1x200x64xf32, #tpu.memory_space<hbm>>) target_semaphore(%dma_start3A_205 : memref<!tpu.dma_semaphore, #tpu.memory_space<semaphore_mem>>)
    %add3A_213 = arith.constant 121 : i32
    %add3A_214 = arith.addi %mul3A_2, %add3A_213 : i32
    %dma_wait3A_215 = arith.constant 1 : i32
    %dma_wait3A_216 = arith.constant 1 : i32
    %dma_wait3A_217 = arith.constant 0 : i32
    %dma_wait3A_218 = arith.constant 0 : i32
    %dma_wait3A_219 = tpu.memref_slice %arg6[%dma_wait3A_216, %dma_wait3A_217, %dma_wait3A_218] : memref<8x200x64xf32, #tpu.memory_space<vmem>> -> memref<1x200x64xf32, #tpu.memory_space<vmem>>
    %dma_wait3A_220 = arith.constant 0 : i32
    %dma_wait3A_221 = arith.constant 0 : i32
    %dma_wait3A_222 = tpu.memref_slice %arg4[%add3A_214, %dma_wait3A_220, %dma_wait3A_221] : memref<4096x200x128xf32, #tpu.memory_space<hbm>> -> memref<1x200x64xf32, #tpu.memory_space<hbm>>
    %dma_wait3A_223 = tpu.memref_slice %arg8[%dma_wait3A_215] : memref<8x!tpu.dma_semaphore, #tpu.memory_space<semaphore_mem>> -> memref<1x!tpu.dma_semaphore, #tpu.memory_space<semaphore_mem>>
    %dma_wait3A_224 = tpu.memref_squeeze %dma_wait3A_223 : memref<1x!tpu.dma_semaphore, #tpu.memory_space<semaphore_mem>> -> memref<!tpu.dma_semaphore, #tpu.memory_space<semaphore_mem>>
    %dma_wait3A_225 = arith.constant 0 : i32
    %dma_wait3A_226 = arith.constant 0 : i32
    %dma_wait3A_227 = tpu.memref_slice %arg4[%add3A_214, %dma_wait3A_225, %dma_wait3A_226] : memref<4096x200x128xf32, #tpu.memory_space<hbm>> -> memref<1x200x64xf32, #tpu.memory_space<hbm>>
    %dma_wait3A_228 = arith.constant 1 : i32
    %dma_wait3A_229 = arith.constant 0 : i32
    %dma_wait3A_230 = arith.constant 0 : i32
    %dma_wait3A_231 = tpu.memref_slice %arg6[%dma_wait3A_228, %dma_wait3A_229, %dma_wait3A_230] : memref<8x200x64xf32, #tpu.memory_space<vmem>> -> memref<1x200x64xf32, #tpu.memory_space<vmem>>
    tpu.wait_dma2 semaphore(%dma_wait3A_224 : memref<!tpu.dma_semaphore, #tpu.memory_space<semaphore_mem>>) src(%dma_wait3A_231 : memref<1x200x64xf32, #tpu.memory_space<vmem>>) dst(%dma_wait3A_227 : memref<1x200x64xf32, #tpu.memory_space<hbm>>)
    %dma_wait3A_232 = arith.constant 122 : i32
    %dma_wait3A_233 = arith.constant 2 : i32
    %dma_wait3A_234 = arith.constant 2 : i32
    %dma_wait3A_235 = arith.constant 0 : i32
    %dma_wait3A_236 = arith.constant 0 : i32
    %dma_wait3A_237 = tpu.memref_slice %arg6[%dma_wait3A_233, %dma_wait3A_235, %dma_wait3A_236] : memref<8x200x64xf32, #tpu.memory_space<vmem>> -> memref<1x200x64xf32, #tpu.memory_space<vmem>>
    %dma_wait3A_238 = tpu.memref_squeeze %dma_wait3A_237 : memref<1x200x64xf32, #tpu.memory_space<vmem>> -> memref<200x64xf32, #tpu.memory_space<vmem>>
    %dma_wait3A_239 = arith.constant 0 : i32
    %dma_wait3A_240 = tpu.memref_slice %arg5[%dma_wait3A_232, %dma_wait3A_239] : memref<128x200xi32, #tpu.memory_space<vmem>> -> memref<1x200xi32, #tpu.memory_space<vmem>>
    %dma_wait3A_241 = tpu.memref_squeeze %dma_wait3A_240 : memref<1x200xi32, #tpu.memory_space<vmem>> -> memref<200xi32, #tpu.memory_space<vmem>>
    %dma_wait3A_242 = arith.constant 0 : i32
    %dma_wait3A_243 = arith.constant 0 : i32
    %dma_wait3A_244 = tpu.memref_slice %arg3[%dma_wait3A_242, %dma_wait3A_243] : memref<2000000x64xf32, #tpu.memory_space<hbm>> -> memref<2000000x64xf32, #tpu.memory_space<hbm>>
    %dma_wait3A_245 = tpu.memref_slice %arg7[%dma_wait3A_234] : memref<8x!tpu.dma_semaphore, #tpu.memory_space<semaphore_mem>> -> memref<1x!tpu.dma_semaphore, #tpu.memory_space<semaphore_mem>>
    %dma_wait3A_246 = tpu.memref_squeeze %dma_wait3A_245 : memref<1x!tpu.dma_semaphore, #tpu.memory_space<semaphore_mem>> -> memref<!tpu.dma_semaphore, #tpu.memory_space<semaphore_mem>>
    tpu.wait_indirect_dma semaphore(%dma_wait3A_246 : memref<!tpu.dma_semaphore, #tpu.memory_space<semaphore_mem>>) src(%dma_wait3A_244 : memref<2000000x64xf32, #tpu.memory_space<hbm>>) dst(%dma_wait3A_238 : memref<200x64xf32, #tpu.memory_space<vmem>>)
    %add3A_247 = arith.constant 122 : i32
    %add3A_248 = arith.addi %mul3A_2, %add3A_247 : i32
    %dma_start3A_249 = arith.constant 2 : i32
    %dma_start3A_250 = arith.constant 2 : i32
    %dma_start3A_251 = arith.constant 0 : i32
    %dma_start3A_252 = arith.constant 0 : i32
    %dma_start3A_253 = tpu.memref_slice %arg6[%dma_start3A_250, %dma_start3A_251, %dma_start3A_252] : memref<8x200x64xf32, #tpu.memory_space<vmem>> -> memref<1x200x64xf32, #tpu.memory_space<vmem>>
    %dma_start3A_254 = arith.constant 0 : i32
    %dma_start3A_255 = arith.constant 0 : i32
    %dma_start3A_256 = tpu.memref_slice %arg4[%add3A_248, %dma_start3A_254, %dma_start3A_255] : memref<4096x200x128xf32, #tpu.memory_space<hbm>> -> memref<1x200x64xf32, #tpu.memory_space<hbm>>
    %dma_start3A_257 = tpu.memref_slice %arg8[%dma_start3A_249] : memref<8x!tpu.dma_semaphore, #tpu.memory_space<semaphore_mem>> -> memref<1x!tpu.dma_semaphore, #tpu.memory_space<semaphore_mem>>
    %dma_start3A_258 = tpu.memref_squeeze %dma_start3A_257 : memref<1x!tpu.dma_semaphore, #tpu.memory_space<semaphore_mem>> -> memref<!tpu.dma_semaphore, #tpu.memory_space<semaphore_mem>>
    %dma_start3A_259 = arith.constant 0 : i32
    %dma_start3A_260 = arith.constant 0 : i32
    %dma_start3A_261 = tpu.memref_slice %arg4[%add3A_248, %dma_start3A_259, %dma_start3A_260] : memref<4096x200x128xf32, #tpu.memory_space<hbm>> -> memref<1x200x64xf32, #tpu.memory_space<hbm>>
    %dma_start3A_262 = arith.constant 2 : i32
    %dma_start3A_263 = arith.constant 0 : i32
    %dma_start3A_264 = arith.constant 0 : i32
    %dma_start3A_265 = tpu.memref_slice %arg6[%dma_start3A_262, %dma_start3A_263, %dma_start3A_264] : memref<8x200x64xf32, #tpu.memory_space<vmem>> -> memref<1x200x64xf32, #tpu.memory_space<vmem>>
    tpu.enqueue_dma source(%dma_start3A_265 : memref<1x200x64xf32, #tpu.memory_space<vmem>>) target(%dma_start3A_261 : memref<1x200x64xf32, #tpu.memory_space<hbm>>) target_semaphore(%dma_start3A_258 : memref<!tpu.dma_semaphore, #tpu.memory_space<semaphore_mem>>)
    %add3A_266 = arith.constant 122 : i32
    %add3A_267 = arith.addi %mul3A_2, %add3A_266 : i32
    %dma_wait3A_268 = arith.constant 2 : i32
    %dma_wait3A_269 = arith.constant 2 : i32
    %dma_wait3A_270 = arith.constant 0 : i32
    %dma_wait3A_271 = arith.constant 0 : i32
    %dma_wait3A_272 = tpu.memref_slice %arg6[%dma_wait3A_269, %dma_wait3A_270, %dma_wait3A_271] : memref<8x200x64xf32, #tpu.memory_space<vmem>> -> memref<1x200x64xf32, #tpu.memory_space<vmem>>
    %dma_wait3A_273 = arith.constant 0 : i32
    %dma_wait3A_274 = arith.constant 0 : i32
    %dma_wait3A_275 = tpu.memref_slice %arg4[%add3A_267, %dma_wait3A_273, %dma_wait3A_274] : memref<4096x200x128xf32, #tpu.memory_space<hbm>> -> memref<1x200x64xf32, #tpu.memory_space<hbm>>
    %dma_wait3A_276 = tpu.memref_slice %arg8[%dma_wait3A_268] : memref<8x!tpu.dma_semaphore, #tpu.memory_space<semaphore_mem>> -> memref<1x!tpu.dma_semaphore, #tpu.memory_space<semaphore_mem>>
    %dma_wait3A_277 = tpu.memref_squeeze %dma_wait3A_276 : memref<1x!tpu.dma_semaphore, #tpu.memory_space<semaphore_mem>> -> memref<!tpu.dma_semaphore, #tpu.memory_space<semaphore_mem>>
    %dma_wait3A_278 = arith.constant 0 : i32
    %dma_wait3A_279 = arith.constant 0 : i32
    %dma_wait3A_280 = tpu.memref_slice %arg4[%add3A_267, %dma_wait3A_278, %dma_wait3A_279] : memref<4096x200x128xf32, #tpu.memory_space<hbm>> -> memref<1x200x64xf32, #tpu.memory_space<hbm>>
    %dma_wait3A_281 = arith.constant 2 : i32
    %dma_wait3A_282 = arith.constant 0 : i32
    %dma_wait3A_283 = arith.constant 0 : i32
    %dma_wait3A_284 = tpu.memref_slice %arg6[%dma_wait3A_281, %dma_wait3A_282, %dma_wait3A_283] : memref<8x200x64xf32, #tpu.memory_space<vmem>> -> memref<1x200x64xf32, #tpu.memory_space<vmem>>
    tpu.wait_dma2 semaphore(%dma_wait3A_277 : memref<!tpu.dma_semaphore, #tpu.memory_space<semaphore_mem>>) src(%dma_wait3A_284 : memref<1x200x64xf32, #tpu.memory_space<vmem>>) dst(%dma_wait3A_280 : memref<1x200x64xf32, #tpu.memory_space<hbm>>)
    %dma_wait3A_285 = arith.constant 123 : i32
    %dma_wait3A_286 = arith.constant 3 : i32
    %dma_wait3A_287 = arith.constant 3 : i32
    %dma_wait3A_288 = arith.constant 0 : i32
    %dma_wait3A_289 = arith.constant 0 : i32
    %dma_wait3A_290 = tpu.memref_slice %arg6[%dma_wait3A_286, %dma_wait3A_288, %dma_wait3A_289] : memref<8x200x64xf32, #tpu.memory_space<vmem>> -> memref<1x200x64xf32, #tpu.memory_space<vmem>>
    %dma_wait3A_291 = tpu.memref_squeeze %dma_wait3A_290 : memref<1x200x64xf32, #tpu.memory_space<vmem>> -> memref<200x64xf32, #tpu.memory_space<vmem>>
    %dma_wait3A_292 = arith.constant 0 : i32
    %dma_wait3A_293 = tpu.memref_slice %arg5[%dma_wait3A_285, %dma_wait3A_292] : memref<128x200xi32, #tpu.memory_space<vmem>> -> memref<1x200xi32, #tpu.memory_space<vmem>>
    %dma_wait3A_294 = tpu.memref_squeeze %dma_wait3A_293 : memref<1x200xi32, #tpu.memory_space<vmem>> -> memref<200xi32, #tpu.memory_space<vmem>>
    %dma_wait3A_295 = arith.constant 0 : i32
    %dma_wait3A_296 = arith.constant 0 : i32
    %dma_wait3A_297 = tpu.memref_slice %arg3[%dma_wait3A_295, %dma_wait3A_296] : memref<2000000x64xf32, #tpu.memory_space<hbm>> -> memref<2000000x64xf32, #tpu.memory_space<hbm>>
    %dma_wait3A_298 = tpu.memref_slice %arg7[%dma_wait3A_287] : memref<8x!tpu.dma_semaphore, #tpu.memory_space<semaphore_mem>> -> memref<1x!tpu.dma_semaphore, #tpu.memory_space<semaphore_mem>>
    %dma_wait3A_299 = tpu.memref_squeeze %dma_wait3A_298 : memref<1x!tpu.dma_semaphore, #tpu.memory_space<semaphore_mem>> -> memref<!tpu.dma_semaphore, #tpu.memory_space<semaphore_mem>>
    tpu.wait_indirect_dma semaphore(%dma_wait3A_299 : memref<!tpu.dma_semaphore, #tpu.memory_space<semaphore_mem>>) src(%dma_wait3A_297 : memref<2000000x64xf32, #tpu.memory_space<hbm>>) dst(%dma_wait3A_291 : memref<200x64xf32, #tpu.memory_space<vmem>>)
    %add3A_300 = arith.constant 123 : i32
    %add3A_301 = arith.addi %mul3A_2, %add3A_300 : i32
    %dma_start3A_302 = arith.constant 3 : i32
    %dma_start3A_303 = arith.constant 3 : i32
    %dma_start3A_304 = arith.constant 0 : i32
    %dma_start3A_305 = arith.constant 0 : i32
    %dma_start3A_306 = tpu.memref_slice %arg6[%dma_start3A_303, %dma_start3A_304, %dma_start3A_305] : memref<8x200x64xf32, #tpu.memory_space<vmem>> -> memref<1x200x64xf32, #tpu.memory_space<vmem>>
    %dma_start3A_307 = arith.constant 0 : i32
    %dma_start3A_308 = arith.constant 0 : i32
    %dma_start3A_309 = tpu.memref_slice %arg4[%add3A_301, %dma_start3A_307, %dma_start3A_308] : memref<4096x200x128xf32, #tpu.memory_space<hbm>> -> memref<1x200x64xf32, #tpu.memory_space<hbm>>
    %dma_start3A_310 = tpu.memref_slice %arg8[%dma_start3A_302] : memref<8x!tpu.dma_semaphore, #tpu.memory_space<semaphore_mem>> -> memref<1x!tpu.dma_semaphore, #tpu.memory_space<semaphore_mem>>
    %dma_start3A_311 = tpu.memref_squeeze %dma_start3A_310 : memref<1x!tpu.dma_semaphore, #tpu.memory_space<semaphore_mem>> -> memref<!tpu.dma_semaphore, #tpu.memory_space<semaphore_mem>>
    %dma_start3A_312 = arith.constant 0 : i32
    %dma_start3A_313 = arith.constant 0 : i32
    %dma_start3A_314 = tpu.memref_slice %arg4[%add3A_301, %dma_start3A_312, %dma_start3A_313] : memref<4096x200x128xf32, #tpu.memory_space<hbm>> -> memref<1x200x64xf32, #tpu.memory_space<hbm>>
    %dma_start3A_315 = arith.constant 3 : i32
    %dma_start3A_316 = arith.constant 0 : i32
    %dma_start3A_317 = arith.constant 0 : i32
    %dma_start3A_318 = tpu.memref_slice %arg6[%dma_start3A_315, %dma_start3A_316, %dma_start3A_317] : memref<8x200x64xf32, #tpu.memory_space<vmem>> -> memref<1x200x64xf32, #tpu.memory_space<vmem>>
    tpu.enqueue_dma source(%dma_start3A_318 : memref<1x200x64xf32, #tpu.memory_space<vmem>>) target(%dma_start3A_314 : memref<1x200x64xf32, #tpu.memory_space<hbm>>) target_semaphore(%dma_start3A_311 : memref<!tpu.dma_semaphore, #tpu.memory_space<semaphore_mem>>)
    %add3A_319 = arith.constant 123 : i32
    %add3A_320 = arith.addi %mul3A_2, %add3A_319 : i32
    %dma_wait3A_321 = arith.constant 3 : i32
    %dma_wait3A_322 = arith.constant 3 : i32
    %dma_wait3A_323 = arith.constant 0 : i32
    %dma_wait3A_324 = arith.constant 0 : i32
    %dma_wait3A_325 = tpu.memref_slice %arg6[%dma_wait3A_322, %dma_wait3A_323, %dma_wait3A_324] : memref<8x200x64xf32, #tpu.memory_space<vmem>> -> memref<1x200x64xf32, #tpu.memory_space<vmem>>
    %dma_wait3A_326 = arith.constant 0 : i32
    %dma_wait3A_327 = arith.constant 0 : i32
    %dma_wait3A_328 = tpu.memref_slice %arg4[%add3A_320, %dma_wait3A_326, %dma_wait3A_327] : memref<4096x200x128xf32, #tpu.memory_space<hbm>> -> memref<1x200x64xf32, #tpu.memory_space<hbm>>
    %dma_wait3A_329 = tpu.memref_slice %arg8[%dma_wait3A_321] : memref<8x!tpu.dma_semaphore, #tpu.memory_space<semaphore_mem>> -> memref<1x!tpu.dma_semaphore, #tpu.memory_space<semaphore_mem>>
    %dma_wait3A_330 = tpu.memref_squeeze %dma_wait3A_329 : memref<1x!tpu.dma_semaphore, #tpu.memory_space<semaphore_mem>> -> memref<!tpu.dma_semaphore, #tpu.memory_space<semaphore_mem>>
    %dma_wait3A_331 = arith.constant 0 : i32
    %dma_wait3A_332 = arith.constant 0 : i32
    %dma_wait3A_333 = tpu.memref_slice %arg4[%add3A_320, %dma_wait3A_331, %dma_wait3A_332] : memref<4096x200x128xf32, #tpu.memory_space<hbm>> -> memref<1x200x64xf32, #tpu.memory_space<hbm>>
    %dma_wait3A_334 = arith.constant 3 : i32
    %dma_wait3A_335 = arith.constant 0 : i32
    %dma_wait3A_336 = arith.constant 0 : i32
    %dma_wait3A_337 = tpu.memref_slice %arg6[%dma_wait3A_334, %dma_wait3A_335, %dma_wait3A_336] : memref<8x200x64xf32, #tpu.memory_space<vmem>> -> memref<1x200x64xf32, #tpu.memory_space<vmem>>
    tpu.wait_dma2 semaphore(%dma_wait3A_330 : memref<!tpu.dma_semaphore, #tpu.memory_space<semaphore_mem>>) src(%dma_wait3A_337 : memref<1x200x64xf32, #tpu.memory_space<vmem>>) dst(%dma_wait3A_333 : memref<1x200x64xf32, #tpu.memory_space<hbm>>)
    %dma_wait3A_338 = arith.constant 124 : i32
    %dma_wait3A_339 = arith.constant 4 : i32
    %dma_wait3A_340 = arith.constant 4 : i32
    %dma_wait3A_341 = arith.constant 0 : i32
    %dma_wait3A_342 = arith.constant 0 : i32
    %dma_wait3A_343 = tpu.memref_slice %arg6[%dma_wait3A_339, %dma_wait3A_341, %dma_wait3A_342] : memref<8x200x64xf32, #tpu.memory_space<vmem>> -> memref<1x200x64xf32, #tpu.memory_space<vmem>>
    %dma_wait3A_344 = tpu.memref_squeeze %dma_wait3A_343 : memref<1x200x64xf32, #tpu.memory_space<vmem>> -> memref<200x64xf32, #tpu.memory_space<vmem>>
    %dma_wait3A_345 = arith.constant 0 : i32
    %dma_wait3A_346 = tpu.memref_slice %arg5[%dma_wait3A_338, %dma_wait3A_345] : memref<128x200xi32, #tpu.memory_space<vmem>> -> memref<1x200xi32, #tpu.memory_space<vmem>>
    %dma_wait3A_347 = tpu.memref_squeeze %dma_wait3A_346 : memref<1x200xi32, #tpu.memory_space<vmem>> -> memref<200xi32, #tpu.memory_space<vmem>>
    %dma_wait3A_348 = arith.constant 0 : i32
    %dma_wait3A_349 = arith.constant 0 : i32
    %dma_wait3A_350 = tpu.memref_slice %arg3[%dma_wait3A_348, %dma_wait3A_349] : memref<2000000x64xf32, #tpu.memory_space<hbm>> -> memref<2000000x64xf32, #tpu.memory_space<hbm>>
    %dma_wait3A_351 = tpu.memref_slice %arg7[%dma_wait3A_340] : memref<8x!tpu.dma_semaphore, #tpu.memory_space<semaphore_mem>> -> memref<1x!tpu.dma_semaphore, #tpu.memory_space<semaphore_mem>>
    %dma_wait3A_352 = tpu.memref_squeeze %dma_wait3A_351 : memref<1x!tpu.dma_semaphore, #tpu.memory_space<semaphore_mem>> -> memref<!tpu.dma_semaphore, #tpu.memory_space<semaphore_mem>>
    tpu.wait_indirect_dma semaphore(%dma_wait3A_352 : memref<!tpu.dma_semaphore, #tpu.memory_space<semaphore_mem>>) src(%dma_wait3A_350 : memref<2000000x64xf32, #tpu.memory_space<hbm>>) dst(%dma_wait3A_344 : memref<200x64xf32, #tpu.memory_space<vmem>>)
    %add3A_353 = arith.constant 124 : i32
    %add3A_354 = arith.addi %mul3A_2, %add3A_353 : i32
    %dma_start3A_355 = arith.constant 4 : i32
    %dma_start3A_356 = arith.constant 4 : i32
    %dma_start3A_357 = arith.constant 0 : i32
    %dma_start3A_358 = arith.constant 0 : i32
    %dma_start3A_359 = tpu.memref_slice %arg6[%dma_start3A_356, %dma_start3A_357, %dma_start3A_358] : memref<8x200x64xf32, #tpu.memory_space<vmem>> -> memref<1x200x64xf32, #tpu.memory_space<vmem>>
    %dma_start3A_360 = arith.constant 0 : i32
    %dma_start3A_361 = arith.constant 0 : i32
    %dma_start3A_362 = tpu.memref_slice %arg4[%add3A_354, %dma_start3A_360, %dma_start3A_361] : memref<4096x200x128xf32, #tpu.memory_space<hbm>> -> memref<1x200x64xf32, #tpu.memory_space<hbm>>
    %dma_start3A_363 = tpu.memref_slice %arg8[%dma_start3A_355] : memref<8x!tpu.dma_semaphore, #tpu.memory_space<semaphore_mem>> -> memref<1x!tpu.dma_semaphore, #tpu.memory_space<semaphore_mem>>
    %dma_start3A_364 = tpu.memref_squeeze %dma_start3A_363 : memref<1x!tpu.dma_semaphore, #tpu.memory_space<semaphore_mem>> -> memref<!tpu.dma_semaphore, #tpu.memory_space<semaphore_mem>>
    %dma_start3A_365 = arith.constant 0 : i32
    %dma_start3A_366 = arith.constant 0 : i32
    %dma_start3A_367 = tpu.memref_slice %arg4[%add3A_354, %dma_start3A_365, %dma_start3A_366] : memref<4096x200x128xf32, #tpu.memory_space<hbm>> -> memref<1x200x64xf32, #tpu.memory_space<hbm>>
    %dma_start3A_368 = arith.constant 4 : i32
    %dma_start3A_369 = arith.constant 0 : i32
    %dma_start3A_370 = arith.constant 0 : i32
    %dma_start3A_371 = tpu.memref_slice %arg6[%dma_start3A_368, %dma_start3A_369, %dma_start3A_370] : memref<8x200x64xf32, #tpu.memory_space<vmem>> -> memref<1x200x64xf32, #tpu.memory_space<vmem>>
    tpu.enqueue_dma source(%dma_start3A_371 : memref<1x200x64xf32, #tpu.memory_space<vmem>>) target(%dma_start3A_367 : memref<1x200x64xf32, #tpu.memory_space<hbm>>) target_semaphore(%dma_start3A_364 : memref<!tpu.dma_semaphore, #tpu.memory_space<semaphore_mem>>)
    %add3A_372 = arith.constant 124 : i32
    %add3A_373 = arith.addi %mul3A_2, %add3A_372 : i32
    %dma_wait3A_374 = arith.constant 4 : i32
    %dma_wait3A_375 = arith.constant 4 : i32
    %dma_wait3A_376 = arith.constant 0 : i32
    %dma_wait3A_377 = arith.constant 0 : i32
    %dma_wait3A_378 = tpu.memref_slice %arg6[%dma_wait3A_375, %dma_wait3A_376, %dma_wait3A_377] : memref<8x200x64xf32, #tpu.memory_space<vmem>> -> memref<1x200x64xf32, #tpu.memory_space<vmem>>
    %dma_wait3A_379 = arith.constant 0 : i32
    %dma_wait3A_380 = arith.constant 0 : i32
    %dma_wait3A_381 = tpu.memref_slice %arg4[%add3A_373, %dma_wait3A_379, %dma_wait3A_380] : memref<4096x200x128xf32, #tpu.memory_space<hbm>> -> memref<1x200x64xf32, #tpu.memory_space<hbm>>
    %dma_wait3A_382 = tpu.memref_slice %arg8[%dma_wait3A_374] : memref<8x!tpu.dma_semaphore, #tpu.memory_space<semaphore_mem>> -> memref<1x!tpu.dma_semaphore, #tpu.memory_space<semaphore_mem>>
    %dma_wait3A_383 = tpu.memref_squeeze %dma_wait3A_382 : memref<1x!tpu.dma_semaphore, #tpu.memory_space<semaphore_mem>> -> memref<!tpu.dma_semaphore, #tpu.memory_space<semaphore_mem>>
    %dma_wait3A_384 = arith.constant 0 : i32
    %dma_wait3A_385 = arith.constant 0 : i32
    %dma_wait3A_386 = tpu.memref_slice %arg4[%add3A_373, %dma_wait3A_384, %dma_wait3A_385] : memref<4096x200x128xf32, #tpu.memory_space<hbm>> -> memref<1x200x64xf32, #tpu.memory_space<hbm>>
    %dma_wait3A_387 = arith.constant 4 : i32
    %dma_wait3A_388 = arith.constant 0 : i32
    %dma_wait3A_389 = arith.constant 0 : i32
    %dma_wait3A_390 = tpu.memref_slice %arg6[%dma_wait3A_387, %dma_wait3A_388, %dma_wait3A_389] : memref<8x200x64xf32, #tpu.memory_space<vmem>> -> memref<1x200x64xf32, #tpu.memory_space<vmem>>
    tpu.wait_dma2 semaphore(%dma_wait3A_383 : memref<!tpu.dma_semaphore, #tpu.memory_space<semaphore_mem>>) src(%dma_wait3A_390 : memref<1x200x64xf32, #tpu.memory_space<vmem>>) dst(%dma_wait3A_386 : memref<1x200x64xf32, #tpu.memory_space<hbm>>)
    %dma_wait3A_391 = arith.constant 125 : i32
    %dma_wait3A_392 = arith.constant 5 : i32
    %dma_wait3A_393 = arith.constant 5 : i32
    %dma_wait3A_394 = arith.constant 0 : i32
    %dma_wait3A_395 = arith.constant 0 : i32
    %dma_wait3A_396 = tpu.memref_slice %arg6[%dma_wait3A_392, %dma_wait3A_394, %dma_wait3A_395] : memref<8x200x64xf32, #tpu.memory_space<vmem>> -> memref<1x200x64xf32, #tpu.memory_space<vmem>>
    %dma_wait3A_397 = tpu.memref_squeeze %dma_wait3A_396 : memref<1x200x64xf32, #tpu.memory_space<vmem>> -> memref<200x64xf32, #tpu.memory_space<vmem>>
    %dma_wait3A_398 = arith.constant 0 : i32
    %dma_wait3A_399 = tpu.memref_slice %arg5[%dma_wait3A_391, %dma_wait3A_398] : memref<128x200xi32, #tpu.memory_space<vmem>> -> memref<1x200xi32, #tpu.memory_space<vmem>>
    %dma_wait3A_400 = tpu.memref_squeeze %dma_wait3A_399 : memref<1x200xi32, #tpu.memory_space<vmem>> -> memref<200xi32, #tpu.memory_space<vmem>>
    %dma_wait3A_401 = arith.constant 0 : i32
    %dma_wait3A_402 = arith.constant 0 : i32
    %dma_wait3A_403 = tpu.memref_slice %arg3[%dma_wait3A_401, %dma_wait3A_402] : memref<2000000x64xf32, #tpu.memory_space<hbm>> -> memref<2000000x64xf32, #tpu.memory_space<hbm>>
    %dma_wait3A_404 = tpu.memref_slice %arg7[%dma_wait3A_393] : memref<8x!tpu.dma_semaphore, #tpu.memory_space<semaphore_mem>> -> memref<1x!tpu.dma_semaphore, #tpu.memory_space<semaphore_mem>>
    %dma_wait3A_405 = tpu.memref_squeeze %dma_wait3A_404 : memref<1x!tpu.dma_semaphore, #tpu.memory_space<semaphore_mem>> -> memref<!tpu.dma_semaphore, #tpu.memory_space<semaphore_mem>>
    tpu.wait_indirect_dma semaphore(%dma_wait3A_405 : memref<!tpu.dma_semaphore, #tpu.memory_space<semaphore_mem>>) src(%dma_wait3A_403 : memref<2000000x64xf32, #tpu.memory_space<hbm>>) dst(%dma_wait3A_397 : memref<200x64xf32, #tpu.memory_space<vmem>>)
    %add3A_406 = arith.constant 125 : i32
    %add3A_407 = arith.addi %mul3A_2, %add3A_406 : i32
    %dma_start3A_408 = arith.constant 5 : i32
    %dma_start3A_409 = arith.constant 5 : i32
    %dma_start3A_410 = arith.constant 0 : i32
    %dma_start3A_411 = arith.constant 0 : i32
    %dma_start3A_412 = tpu.memref_slice %arg6[%dma_start3A_409, %dma_start3A_410, %dma_start3A_411] : memref<8x200x64xf32, #tpu.memory_space<vmem>> -> memref<1x200x64xf32, #tpu.memory_space<vmem>>
    %dma_start3A_413 = arith.constant 0 : i32
    %dma_start3A_414 = arith.constant 0 : i32
    %dma_start3A_415 = tpu.memref_slice %arg4[%add3A_407, %dma_start3A_413, %dma_start3A_414] : memref<4096x200x128xf32, #tpu.memory_space<hbm>> -> memref<1x200x64xf32, #tpu.memory_space<hbm>>
    %dma_start3A_416 = tpu.memref_slice %arg8[%dma_start3A_408] : memref<8x!tpu.dma_semaphore, #tpu.memory_space<semaphore_mem>> -> memref<1x!tpu.dma_semaphore, #tpu.memory_space<semaphore_mem>>
    %dma_start3A_417 = tpu.memref_squeeze %dma_start3A_416 : memref<1x!tpu.dma_semaphore, #tpu.memory_space<semaphore_mem>> -> memref<!tpu.dma_semaphore, #tpu.memory_space<semaphore_mem>>
    %dma_start3A_418 = arith.constant 0 : i32
    %dma_start3A_419 = arith.constant 0 : i32
    %dma_start3A_420 = tpu.memref_slice %arg4[%add3A_407, %dma_start3A_418, %dma_start3A_419] : memref<4096x200x128xf32, #tpu.memory_space<hbm>> -> memref<1x200x64xf32, #tpu.memory_space<hbm>>
    %dma_start3A_421 = arith.constant 5 : i32
    %dma_start3A_422 = arith.constant 0 : i32
    %dma_start3A_423 = arith.constant 0 : i32
    %dma_start3A_424 = tpu.memref_slice %arg6[%dma_start3A_421, %dma_start3A_422, %dma_start3A_423] : memref<8x200x64xf32, #tpu.memory_space<vmem>> -> memref<1x200x64xf32, #tpu.memory_space<vmem>>
    tpu.enqueue_dma source(%dma_start3A_424 : memref<1x200x64xf32, #tpu.memory_space<vmem>>) target(%dma_start3A_420 : memref<1x200x64xf32, #tpu.memory_space<hbm>>) target_semaphore(%dma_start3A_417 : memref<!tpu.dma_semaphore, #tpu.memory_space<semaphore_mem>>)
    %add3A_425 = arith.constant 125 : i32
    %add3A_426 = arith.addi %mul3A_2, %add3A_425 : i32
    %dma_wait3A_427 = arith.constant 5 : i32
    %dma_wait3A_428 = arith.constant 5 : i32
    %dma_wait3A_429 = arith.constant 0 : i32
    %dma_wait3A_430 = arith.constant 0 : i32
    %dma_wait3A_431 = tpu.memref_slice %arg6[%dma_wait3A_428, %dma_wait3A_429, %dma_wait3A_430] : memref<8x200x64xf32, #tpu.memory_space<vmem>> -> memref<1x200x64xf32, #tpu.memory_space<vmem>>
    %dma_wait3A_432 = arith.constant 0 : i32
    %dma_wait3A_433 = arith.constant 0 : i32
    %dma_wait3A_434 = tpu.memref_slice %arg4[%add3A_426, %dma_wait3A_432, %dma_wait3A_433] : memref<4096x200x128xf32, #tpu.memory_space<hbm>> -> memref<1x200x64xf32, #tpu.memory_space<hbm>>
    %dma_wait3A_435 = tpu.memref_slice %arg8[%dma_wait3A_427] : memref<8x!tpu.dma_semaphore, #tpu.memory_space<semaphore_mem>> -> memref<1x!tpu.dma_semaphore, #tpu.memory_space<semaphore_mem>>
    %dma_wait3A_436 = tpu.memref_squeeze %dma_wait3A_435 : memref<1x!tpu.dma_semaphore, #tpu.memory_space<semaphore_mem>> -> memref<!tpu.dma_semaphore, #tpu.memory_space<semaphore_mem>>
    %dma_wait3A_437 = arith.constant 0 : i32
    %dma_wait3A_438 = arith.constant 0 : i32
    %dma_wait3A_439 = tpu.memref_slice %arg4[%add3A_426, %dma_wait3A_437, %dma_wait3A_438] : memref<4096x200x128xf32, #tpu.memory_space<hbm>> -> memref<1x200x64xf32, #tpu.memory_space<hbm>>
    %dma_wait3A_440 = arith.constant 5 : i32
    %dma_wait3A_441 = arith.constant 0 : i32
    %dma_wait3A_442 = arith.constant 0 : i32
    %dma_wait3A_443 = tpu.memref_slice %arg6[%dma_wait3A_440, %dma_wait3A_441, %dma_wait3A_442] : memref<8x200x64xf32, #tpu.memory_space<vmem>> -> memref<1x200x64xf32, #tpu.memory_space<vmem>>
    tpu.wait_dma2 semaphore(%dma_wait3A_436 : memref<!tpu.dma_semaphore, #tpu.memory_space<semaphore_mem>>) src(%dma_wait3A_443 : memref<1x200x64xf32, #tpu.memory_space<vmem>>) dst(%dma_wait3A_439 : memref<1x200x64xf32, #tpu.memory_space<hbm>>)
    %dma_wait3A_444 = arith.constant 126 : i32
    %dma_wait3A_445 = arith.constant 6 : i32
    %dma_wait3A_446 = arith.constant 6 : i32
    %dma_wait3A_447 = arith.constant 0 : i32
    %dma_wait3A_448 = arith.constant 0 : i32
    %dma_wait3A_449 = tpu.memref_slice %arg6[%dma_wait3A_445, %dma_wait3A_447, %dma_wait3A_448] : memref<8x200x64xf32, #tpu.memory_space<vmem>> -> memref<1x200x64xf32, #tpu.memory_space<vmem>>
    %dma_wait3A_450 = tpu.memref_squeeze %dma_wait3A_449 : memref<1x200x64xf32, #tpu.memory_space<vmem>> -> memref<200x64xf32, #tpu.memory_space<vmem>>
    %dma_wait3A_451 = arith.constant 0 : i32
    %dma_wait3A_452 = tpu.memref_slice %arg5[%dma_wait3A_444, %dma_wait3A_451] : memref<128x200xi32, #tpu.memory_space<vmem>> -> memref<1x200xi32, #tpu.memory_space<vmem>>
    %dma_wait3A_453 = tpu.memref_squeeze %dma_wait3A_452 : memref<1x200xi32, #tpu.memory_space<vmem>> -> memref<200xi32, #tpu.memory_space<vmem>>
    %dma_wait3A_454 = arith.constant 0 : i32
    %dma_wait3A_455 = arith.constant 0 : i32
    %dma_wait3A_456 = tpu.memref_slice %arg3[%dma_wait3A_454, %dma_wait3A_455] : memref<2000000x64xf32, #tpu.memory_space<hbm>> -> memref<2000000x64xf32, #tpu.memory_space<hbm>>
    %dma_wait3A_457 = tpu.memref_slice %arg7[%dma_wait3A_446] : memref<8x!tpu.dma_semaphore, #tpu.memory_space<semaphore_mem>> -> memref<1x!tpu.dma_semaphore, #tpu.memory_space<semaphore_mem>>
    %dma_wait3A_458 = tpu.memref_squeeze %dma_wait3A_457 : memref<1x!tpu.dma_semaphore, #tpu.memory_space<semaphore_mem>> -> memref<!tpu.dma_semaphore, #tpu.memory_space<semaphore_mem>>
    tpu.wait_indirect_dma semaphore(%dma_wait3A_458 : memref<!tpu.dma_semaphore, #tpu.memory_space<semaphore_mem>>) src(%dma_wait3A_456 : memref<2000000x64xf32, #tpu.memory_space<hbm>>) dst(%dma_wait3A_450 : memref<200x64xf32, #tpu.memory_space<vmem>>)
    %add3A_459 = arith.constant 126 : i32
    %add3A_460 = arith.addi %mul3A_2, %add3A_459 : i32
    %dma_start3A_461 = arith.constant 6 : i32
    %dma_start3A_462 = arith.constant 6 : i32
    %dma_start3A_463 = arith.constant 0 : i32
    %dma_start3A_464 = arith.constant 0 : i32
    %dma_start3A_465 = tpu.memref_slice %arg6[%dma_start3A_462, %dma_start3A_463, %dma_start3A_464] : memref<8x200x64xf32, #tpu.memory_space<vmem>> -> memref<1x200x64xf32, #tpu.memory_space<vmem>>
    %dma_start3A_466 = arith.constant 0 : i32
    %dma_start3A_467 = arith.constant 0 : i32
    %dma_start3A_468 = tpu.memref_slice %arg4[%add3A_460, %dma_start3A_466, %dma_start3A_467] : memref<4096x200x128xf32, #tpu.memory_space<hbm>> -> memref<1x200x64xf32, #tpu.memory_space<hbm>>
    %dma_start3A_469 = tpu.memref_slice %arg8[%dma_start3A_461] : memref<8x!tpu.dma_semaphore, #tpu.memory_space<semaphore_mem>> -> memref<1x!tpu.dma_semaphore, #tpu.memory_space<semaphore_mem>>
    %dma_start3A_470 = tpu.memref_squeeze %dma_start3A_469 : memref<1x!tpu.dma_semaphore, #tpu.memory_space<semaphore_mem>> -> memref<!tpu.dma_semaphore, #tpu.memory_space<semaphore_mem>>
    %dma_start3A_471 = arith.constant 0 : i32
    %dma_start3A_472 = arith.constant 0 : i32
    %dma_start3A_473 = tpu.memref_slice %arg4[%add3A_460, %dma_start3A_471, %dma_start3A_472] : memref<4096x200x128xf32, #tpu.memory_space<hbm>> -> memref<1x200x64xf32, #tpu.memory_space<hbm>>
    %dma_start3A_474 = arith.constant 6 : i32
    %dma_start3A_475 = arith.constant 0 : i32
    %dma_start3A_476 = arith.constant 0 : i32
    %dma_start3A_477 = tpu.memref_slice %arg6[%dma_start3A_474, %dma_start3A_475, %dma_start3A_476] : memref<8x200x64xf32, #tpu.memory_space<vmem>> -> memref<1x200x64xf32, #tpu.memory_space<vmem>>
    tpu.enqueue_dma source(%dma_start3A_477 : memref<1x200x64xf32, #tpu.memory_space<vmem>>) target(%dma_start3A_473 : memref<1x200x64xf32, #tpu.memory_space<hbm>>) target_semaphore(%dma_start3A_470 : memref<!tpu.dma_semaphore, #tpu.memory_space<semaphore_mem>>)
    %add3A_478 = arith.constant 126 : i32
    %add3A_479 = arith.addi %mul3A_2, %add3A_478 : i32
    %dma_wait3A_480 = arith.constant 6 : i32
    %dma_wait3A_481 = arith.constant 6 : i32
    %dma_wait3A_482 = arith.constant 0 : i32
    %dma_wait3A_483 = arith.constant 0 : i32
    %dma_wait3A_484 = tpu.memref_slice %arg6[%dma_wait3A_481, %dma_wait3A_482, %dma_wait3A_483] : memref<8x200x64xf32, #tpu.memory_space<vmem>> -> memref<1x200x64xf32, #tpu.memory_space<vmem>>
    %dma_wait3A_485 = arith.constant 0 : i32
    %dma_wait3A_486 = arith.constant 0 : i32
    %dma_wait3A_487 = tpu.memref_slice %arg4[%add3A_479, %dma_wait3A_485, %dma_wait3A_486] : memref<4096x200x128xf32, #tpu.memory_space<hbm>> -> memref<1x200x64xf32, #tpu.memory_space<hbm>>
    %dma_wait3A_488 = tpu.memref_slice %arg8[%dma_wait3A_480] : memref<8x!tpu.dma_semaphore, #tpu.memory_space<semaphore_mem>> -> memref<1x!tpu.dma_semaphore, #tpu.memory_space<semaphore_mem>>
    %dma_wait3A_489 = tpu.memref_squeeze %dma_wait3A_488 : memref<1x!tpu.dma_semaphore, #tpu.memory_space<semaphore_mem>> -> memref<!tpu.dma_semaphore, #tpu.memory_space<semaphore_mem>>
    %dma_wait3A_490 = arith.constant 0 : i32
    %dma_wait3A_491 = arith.constant 0 : i32
    %dma_wait3A_492 = tpu.memref_slice %arg4[%add3A_479, %dma_wait3A_490, %dma_wait3A_491] : memref<4096x200x128xf32, #tpu.memory_space<hbm>> -> memref<1x200x64xf32, #tpu.memory_space<hbm>>
    %dma_wait3A_493 = arith.constant 6 : i32
    %dma_wait3A_494 = arith.constant 0 : i32
    %dma_wait3A_495 = arith.constant 0 : i32
    %dma_wait3A_496 = tpu.memref_slice %arg6[%dma_wait3A_493, %dma_wait3A_494, %dma_wait3A_495] : memref<8x200x64xf32, #tpu.memory_space<vmem>> -> memref<1x200x64xf32, #tpu.memory_space<vmem>>
    tpu.wait_dma2 semaphore(%dma_wait3A_489 : memref<!tpu.dma_semaphore, #tpu.memory_space<semaphore_mem>>) src(%dma_wait3A_496 : memref<1x200x64xf32, #tpu.memory_space<vmem>>) dst(%dma_wait3A_492 : memref<1x200x64xf32, #tpu.memory_space<hbm>>)
    %dma_wait3A_497 = arith.constant 127 : i32
    %dma_wait3A_498 = arith.constant 7 : i32
    %dma_wait3A_499 = arith.constant 7 : i32
    %dma_wait3A_500 = arith.constant 0 : i32
    %dma_wait3A_501 = arith.constant 0 : i32
    %dma_wait3A_502 = tpu.memref_slice %arg6[%dma_wait3A_498, %dma_wait3A_500, %dma_wait3A_501] : memref<8x200x64xf32, #tpu.memory_space<vmem>> -> memref<1x200x64xf32, #tpu.memory_space<vmem>>
    %dma_wait3A_503 = tpu.memref_squeeze %dma_wait3A_502 : memref<1x200x64xf32, #tpu.memory_space<vmem>> -> memref<200x64xf32, #tpu.memory_space<vmem>>
    %dma_wait3A_504 = arith.constant 0 : i32
    %dma_wait3A_505 = tpu.memref_slice %arg5[%dma_wait3A_497, %dma_wait3A_504] : memref<128x200xi32, #tpu.memory_space<vmem>> -> memref<1x200xi32, #tpu.memory_space<vmem>>
    %dma_wait3A_506 = tpu.memref_squeeze %dma_wait3A_505 : memref<1x200xi32, #tpu.memory_space<vmem>> -> memref<200xi32, #tpu.memory_space<vmem>>
    %dma_wait3A_507 = arith.constant 0 : i32
    %dma_wait3A_508 = arith.constant 0 : i32
    %dma_wait3A_509 = tpu.memref_slice %arg3[%dma_wait3A_507, %dma_wait3A_508] : memref<2000000x64xf32, #tpu.memory_space<hbm>> -> memref<2000000x64xf32, #tpu.memory_space<hbm>>
    %dma_wait3A_510 = tpu.memref_slice %arg7[%dma_wait3A_499] : memref<8x!tpu.dma_semaphore, #tpu.memory_space<semaphore_mem>> -> memref<1x!tpu.dma_semaphore, #tpu.memory_space<semaphore_mem>>
    %dma_wait3A_511 = tpu.memref_squeeze %dma_wait3A_510 : memref<1x!tpu.dma_semaphore, #tpu.memory_space<semaphore_mem>> -> memref<!tpu.dma_semaphore, #tpu.memory_space<semaphore_mem>>
    tpu.wait_indirect_dma semaphore(%dma_wait3A_511 : memref<!tpu.dma_semaphore, #tpu.memory_space<semaphore_mem>>) src(%dma_wait3A_509 : memref<2000000x64xf32, #tpu.memory_space<hbm>>) dst(%dma_wait3A_503 : memref<200x64xf32, #tpu.memory_space<vmem>>)
    %add3A_512 = arith.constant 127 : i32
    %add3A_513 = arith.addi %mul3A_2, %add3A_512 : i32
    %dma_start3A_514 = arith.constant 7 : i32
    %dma_start3A_515 = arith.constant 7 : i32
    %dma_start3A_516 = arith.constant 0 : i32
    %dma_start3A_517 = arith.constant 0 : i32
    %dma_start3A_518 = tpu.memref_slice %arg6[%dma_start3A_515, %dma_start3A_516, %dma_start3A_517] : memref<8x200x64xf32, #tpu.memory_space<vmem>> -> memref<1x200x64xf32, #tpu.memory_space<vmem>>
    %dma_start3A_519 = arith.constant 0 : i32
    %dma_start3A_520 = arith.constant 0 : i32
    %dma_start3A_521 = tpu.memref_slice %arg4[%add3A_513, %dma_start3A_519, %dma_start3A_520] : memref<4096x200x128xf32, #tpu.memory_space<hbm>> -> memref<1x200x64xf32, #tpu.memory_space<hbm>>
    %dma_start3A_522 = tpu.memref_slice %arg8[%dma_start3A_514] : memref<8x!tpu.dma_semaphore, #tpu.memory_space<semaphore_mem>> -> memref<1x!tpu.dma_semaphore, #tpu.memory_space<semaphore_mem>>
    %dma_start3A_523 = tpu.memref_squeeze %dma_start3A_522 : memref<1x!tpu.dma_semaphore, #tpu.memory_space<semaphore_mem>> -> memref<!tpu.dma_semaphore, #tpu.memory_space<semaphore_mem>>
    %dma_start3A_524 = arith.constant 0 : i32
    %dma_start3A_525 = arith.constant 0 : i32
    %dma_start3A_526 = tpu.memref_slice %arg4[%add3A_513, %dma_start3A_524, %dma_start3A_525] : memref<4096x200x128xf32, #tpu.memory_space<hbm>> -> memref<1x200x64xf32, #tpu.memory_space<hbm>>
    %dma_start3A_527 = arith.constant 7 : i32
    %dma_start3A_528 = arith.constant 0 : i32
    %dma_start3A_529 = arith.constant 0 : i32
    %dma_start3A_530 = tpu.memref_slice %arg6[%dma_start3A_527, %dma_start3A_528, %dma_start3A_529] : memref<8x200x64xf32, #tpu.memory_space<vmem>> -> memref<1x200x64xf32, #tpu.memory_space<vmem>>
    tpu.enqueue_dma source(%dma_start3A_530 : memref<1x200x64xf32, #tpu.memory_space<vmem>>) target(%dma_start3A_526 : memref<1x200x64xf32, #tpu.memory_space<hbm>>) target_semaphore(%dma_start3A_523 : memref<!tpu.dma_semaphore, #tpu.memory_space<semaphore_mem>>)
    %add3A_531 = arith.constant 127 : i32
    %add3A_532 = arith.addi %mul3A_2, %add3A_531 : i32
    %dma_wait3A_533 = arith.constant 7 : i32
    %dma_wait3A_534 = arith.constant 7 : i32
    %dma_wait3A_535 = arith.constant 0 : i32
    %dma_wait3A_536 = arith.constant 0 : i32
    %dma_wait3A_537 = tpu.memref_slice %arg6[%dma_wait3A_534, %dma_wait3A_535, %dma_wait3A_536] : memref<8x200x64xf32, #tpu.memory_space<vmem>> -> memref<1x200x64xf32, #tpu.memory_space<vmem>>
    %dma_wait3A_538 = arith.constant 0 : i32
    %dma_wait3A_539 = arith.constant 0 : i32
    %dma_wait3A_540 = tpu.memref_slice %arg4[%add3A_532, %dma_wait3A_538, %dma_wait3A_539] : memref<4096x200x128xf32, #tpu.memory_space<hbm>> -> memref<1x200x64xf32, #tpu.memory_space<hbm>>
    %dma_wait3A_541 = tpu.memref_slice %arg8[%dma_wait3A_533] : memref<8x!tpu.dma_semaphore, #tpu.memory_space<semaphore_mem>> -> memref<1x!tpu.dma_semaphore, #tpu.memory_space<semaphore_mem>>
    %dma_wait3A_542 = tpu.memref_squeeze %dma_wait3A_541 : memref<1x!tpu.dma_semaphore, #tpu.memory_space<semaphore_mem>> -> memref<!tpu.dma_semaphore, #tpu.memory_space<semaphore_mem>>
    %dma_wait3A_543 = arith.constant 0 : i32
    %dma_wait3A_544 = arith.constant 0 : i32
    %dma_wait3A_545 = tpu.memref_slice %arg4[%add3A_532, %dma_wait3A_543, %dma_wait3A_544] : memref<4096x200x128xf32, #tpu.memory_space<hbm>> -> memref<1x200x64xf32, #tpu.memory_space<hbm>>
    %dma_wait3A_546 = arith.constant 7 : i32
    %dma_wait3A_547 = arith.constant 0 : i32
    %dma_wait3A_548 = arith.constant 0 : i32
    %dma_wait3A_549 = tpu.memref_slice %arg6[%dma_wait3A_546, %dma_wait3A_547, %dma_wait3A_548] : memref<8x200x64xf32, #tpu.memory_space<vmem>> -> memref<1x200x64xf32, #tpu.memory_space<vmem>>
    tpu.wait_dma2 semaphore(%dma_wait3A_542 : memref<!tpu.dma_semaphore, #tpu.memory_space<semaphore_mem>>) src(%dma_wait3A_549 : memref<1x200x64xf32, #tpu.memory_space<vmem>>) dst(%dma_wait3A_545 : memref<1x200x64xf32, #tpu.memory_space<hbm>>)
    return
  }
}

</mosaic_0001>

<sc_bundles>
// kernel: kernel.4.cloned.1.call-start
scs
__scs_entry_jumppad:
0x0: {  	(pc) =	sbr.rel $0x88, $3  }
0x1: {  	(tag) =	ssettag $0x0;
	lr =	simm.s32 $0x1  }
0x2: {  	[smem:$0x3F9F] =	sst lr;
	_ =	strace $0xD0000000  }
0x3: {  	_ = 	snop  }
0x4: {  	_ = 	snop  }
0x5: {  	_ = 	snop  }
0x6: {  	_ = 	snop  }
0x7: {  	_ = 	snop  }
__scs_overlays_trampoline_lowered:
0x8: {  	[smem:$0x3FAE] =	sst s0  }
0x9: {  	[smem:$0x3FAF] =	sst s1  }
0xa: {  	[smem:$0x3FB0] =	sst s2  }
0xb: {  	[smem:$0x3FB1] =	sst s3  }
0xc: {  	[smem:$0x3FB2] =	sst s4  }
0xd: {  	[smem:$0x3FB3] =	sst s5  }
0xe: {  	[smem:$0x3FB4] =	sst s6  }
0xf: {  	[smem:$0x3FB5] =	sst s7  }
0x10: {  	[smem:$0x3FB6] =	sst s8  }
0x11: {  	[smem:$0x3FB7] =	sst s9;
	s0 =	simm.s32 @!p0 $0x0  }
0x12: {  	s1 =	sld [smem:$0x3F9D];
	s0 =	simm.s32 @p0 $0x1  }
0x13: {  	[smem:$0x3FB8] =	sst s0;
	s0 =	simm.s32 @!p1 $0x0  }
0x14: {  	s2 =	sld [smem:$0x3F9C];
	s0 =	simm.s32 @p1 $0x1  }
0x15: {  	[smem:$0x3FB9] =	sst s0;
	s0 =	simm.s32 @!p2 $0x0  }
0x16: {  	s3 =	sld [smem:$0x3FDB];
	s0 =	simm.s32 @p2 $0x1  }
0x17: {  	s4 =	simm.s32 $0x1BF5;
	[smem:$0x3FBB] =	sst s0  }
0x18: {  	s0 =	sld [smem:$0x3F9E];
	_ =	swait.ge [sflag:s4], $0x0  }
0x19: {  	s7 =	sld [smem:$0x3F9F]  }
0x1a: {  	s8 =	sadd.s32 $0xFFFFE003, lr  }
0x1b: {  	s9 =	sadd.s32 $0xFFFFFEF7, lr;
	s5 =	simm.s32 $0xFFFFFFFF;
	p2 =	slt.u32 s8, $0xFFFFF086  }
0x1c: {  	p1 =	slt.u32 s9, $0xF7A;
	s5 =	simm.s32 @!p2 $0x0  }
0x1d: {  	s5 =	simm.s32 @p1 $0x1;
	p0 =	seq.s32 s7, s2  }
0x1e: {  	s7 =	smul.u32 @!p0 $0xF7A, s2;
	p2 =	seq.s32 @!p0 s5, $0x0  }
0x1f: {  	s9 =	smul.u32 $0xF7A, s1;
	s8 =	simm.s32 @!p0 $0x1BF5;
	p2 =	por !p2, p0  }
0x20: {  	[sflag:s8] =	ssyncset.s32 @!p0 $0xFFFFF086;
	s6 =	sadd.s32 @!p0 s3, s7;
	s7 =	simm.s32 @!p0 $0x108  }
0x21: {  	s3 =	sadd.s32 s3, s9;
	s6 =	sadd.s32 @!p0 $0x88, s6;
	s7 =	simm.s32 @p2 $0x1082  }
0x22: {  	[simem:s7], [sflag:s8] =	dma.local @!p0 [hbm:s6], $0xF7A  }
0x23: {  	s9 =	sor.u32 $0xD0000000, s2;
	s6 =	simm.s32 $0x108;
	_ =	swait.ge @!p0 [sflag:s8], $0x0  }
0x24: {  	s3 =	sadd.s32 $0x88, s3;
	s6 =	simm.s32 @!p1 $0x1082;
	[sflag:s4] =	ssyncset.s32 $0xFFFFF086  }
0x25: {  	[simem:s6], [sflag:s4] =	dma.local [hbm:s3], $0xF7A  }
0x26: {  	[smem:$0x3F9F] =	sst s1;
	(tag) =	ssettag s2;
	_ =	strace s9  }
0x27: {  	s1 =	sld [smem:$0x3FAF]  }
0x28: {  	s2 =	sld [smem:$0x3FB0]  }
0x29: {  	s4 =	sld [smem:$0x3FB2]  }
0x2a: {  	p0 =	seq.s32 s5, $0x0;
	s5 =	sld [smem:$0x3FB3]  }
0x2b: {  	s6 =	sld [smem:$0x3FB4]  }
0x2c: {  	s7 =	sld [smem:$0x3FB5]  }
0x2d: {  	s3 =	simm.s32 $0x108;
	s8 =	sld [smem:$0x3FB6]  }
0x2e: {  	s3 =	simm.s32 @!p0 $0x1082;
	s9 =	sld [smem:$0x3FB7]  }
0x2f: {  	lr =	sadd.s32 s0, s3;
	s0 =	sld [smem:$0x3FAE]  }
0x30: {  	s3 =	sld [smem:$0x3FB1]  }
0x31: {  	[smem:$0x3FBA] =	sst s10  }
0x32: {  	s10 =	sld [smem:$0x3FB8];
	_ =	sdelay $0x3  }
0x33: {  	p0 =	seq.s32 s10, $0x1;
	s10 =	sld [smem:$0x3FBA];
	_ =	sdelay $0x3  }
0x34: {  	[smem:$0x3FBA] =	sst s10  }
0x35: {  	s10 =	sld [smem:$0x3FB9];
	_ =	sdelay $0x3  }
0x36: {  	p1 =	seq.s32 s10, $0x1;
	s10 =	sld [smem:$0x3FBA];
	_ =	sdelay $0x3  }
0x37: {  	[smem:$0x3FBA] =	sst s10  }
0x38: {  	s10 =	sld [smem:$0x3FBB]  }
0x39: {  	_ = 	snop;
	(pc) =	sbr.ind lr, $3  }
0x3a: {  	_ = 	snop  }
0x3b: {  	_ = 	snop  }
0x3c: {  	p2 =	seq.s32 s10, $0x1;
	s10 =	sld [smem:$0x3FBA]  }
0x3d: {  	_ =	shalt  }
0x3e: {  	_ =	shalt  }
0x3f: {  	_ =	shalt  }
0x40: {  	_ =	shalt  }
0x41: {  	_ =	shalt  }
0x42: {  	_ =	shalt  }
0x43: {  	_ =	shalt  }
0x44: {  	_ =	shalt  }
0x45: {  	_ =	shalt  }
0x46: {  	_ =	shalt  }
0x47: {  	_ =	shalt  }
0x48: {  	_ =	shalt  }
0x49: {  	_ =	shalt  }
0x4a: {  	_ =	shalt  }
0x4b: {  	_ =	shalt  }
0x4c: {  	_ =	shalt  }
0x4d: {  	_ =	shalt  }
0x4e: {  	_ =	shalt  }
0x4f: {  	_ =	shalt  }
0x50: {  	_ =	shalt  }
0x51: {  	_ =	shalt  }
0x52: {  	_ =	shalt  }
0x53: {  	_ =	shalt  }
0x54: {  	_ =	shalt  }
0x55: {  	_ =	shalt  }
0x56: {  	_ =	shalt  }
0x57: {  	_ =	shalt  }
0x58: {  	_ =	shalt  }
0x59: {  	_ =	shalt  }
0x5a: {  	_ =	shalt  }
0x5b: {  	_ =	shalt  }
0x5c: {  	_ =	shalt  }
0x5d: {  	_ =	shalt  }
0x5e: {  	_ =	shalt  }
0x5f: {  	_ =	shalt  }
0x60: {  	_ =	shalt  }
0x61: {  	_ =	shalt  }
0x62: {  	_ =	shalt  }
0x63: {  	_ =	shalt  }
0x64: {  	_ =	shalt  }
0x65: {  	_ =	shalt  }
0x66: {  	_ =	shalt  }
0x67: {  	_ =	shalt  }
0x68: {  	_ =	shalt  }
0x69: {  	_ =	shalt  }
0x6a: {  	_ =	shalt  }
0x6b: {  	_ =	shalt  }
0x6c: {  	_ =	shalt  }
0x6d: {  	_ =	shalt  }
0x6e: {  	_ =	shalt  }
0x6f: {  	_ =	shalt  }
0x70: {  	_ =	shalt  }
0x71: {  	_ =	shalt  }
0x72: {  	_ =	shalt  }
0x73: {  	_ =	shalt  }
0x74: {  	_ =	shalt  }
0x75: {  	_ =	shalt  }
0x76: {  	_ =	shalt  }
0x77: {  	_ =	shalt  }
0x78: {  	_ =	shalt  }
0x79: {  	_ =	shalt  }
0x7a: {  	_ =	shalt  }
0x7b: {  	_ =	shalt  }
0x7c: {  	_ =	shalt  }
0x7d: {  	_ =	shalt  }
0x7e: {  	_ =	shalt  }
0x7f: {  	_ =	shalt  }
0x80: {  	_ =	shalt  }
0x81: {  	_ =	shalt  }
0x82: {  	_ =	shalt  }
0x83: {  	_ =	shalt  }
0x84: {  	_ =	shalt  }
0x85: {  	_ =	shalt  }
0x86: {  	_ =	shalt  }
0x87: {  	_ =	shalt  }
.Lfunc_end0:
.L_simem_size_0:
called_computation.1_lowered:
.L_overlay_start_0:
0x88: {  	s2 =	sld [smem:$0x3FD9]  }
0x89: {  	s3 =	sld [smem:$0x3FFE];
	_ =	sdelay $0x1  }
0x8a: {  	s1 =	srdreg.scid  }
0x8b: {  	s0 =	sand.u32 $0x1, s1  }
0x8c: {  	s16 =	sshll.u32 s0, $0xA;
	s2 =	sadd.s32 s3, s2  }
0x8d: {  	s2 =	sadd.s32 s2, s16  }
0x8e: {  	[smem:$0x3FC6] =	sst s2  }
0x8f: {  	_ = 	snop  }
0x90: {  	(tm) =	ssettm $0x1  }
0x91: {  	s17 =	sld [smem:$0x3FFB];
	_ =	sdelay $0x3  }
0x92: {  	_ =	strace s17  }
0x93: {  	s2 =	sld [smem:$0x3FFC];
	_ =	sdelay $0x3  }
0x94: {  	_ =	strace s2  }
0x95: {  	s2 =	sld [smem:$0x3FFD];
	_ =	sdelay $0x3  }
0x96: {  	_ =	strace s2  }
0x97: {  	_ =	strace $0x8FFFFFFF  }
0x98: {  	s18 =	sld [smem:$0x3FDB];
	_ =	sdelay $0x1  }
0x99: {  	s19 =	simm.s32 $_scs_section_size  }
0x9a: {  	s4 =	simm.s32 $_size__tile_overlayer_lowered;
	s5 =	simm.s32 $_tile_overlayer_lowered  }
0x9b: {  	s22 =	simm.s32 $0x1BFF;
	s21 =	sshll.u32 s5, $0x1;
	s2 =	sadd.s32 s19, s18  }
0x9c: {  	s6 =	simm.s32 $0x0;
	s20 =	sshll.u32 s4, $0x1;
	s4 =	sadd.s32 s21, s2  }
0x9d: {  	[timem:s6], [sflag:s22] =	dma.local [hbm:s4], s20  }
0x9e: {  	_ =	swait.ge [sflag:s22], s20  }
0x9f: {  	s3 =	ssub.s32 $0x0, s20;
	[sflag:s22] =	ssyncset.done $0x0  }
0xa0: {  	[sflag:s22] =	ssyncadd.s32 s3;
	_ =	sdelay $0x1  }
0xa1: {  	s23 =	simm.s32 $0x1B8B  }
0xa2: {  	_ =	swait.ge [sflag:s23], $0x1  }
0xa3: {  	[sflag:s23] =	ssyncset.done $0x0  }
0xa4: {  	s25 =	simm.s32 $0x1B8E;
	s24 =	sld [smem:$0x3FFE];
	[sflag:s23] =	ssyncadd.s32 $0xFFFFFFFF  }
0xa5: {  	s26 =	simm.s32 $execute0_lowered;
	[smem:$0x3FD2] =	sst s25  }
0xa6: {  	s4 =	sshll.u32 s26, $0x1;
	_ =	strace $0x80000046;
	[dreg:$0x1] =	wrdreg $0xFFFFFFFF  }
0xa7: {  	s28 =	simm.s32 $_size_execute0_lowered;
	s2 =	sadd.s32 s2, s4;
	[dreg:$0x0] =	wrdreg $0x0  }
0xa8: {  	s4 =	sshll.u32 s28, $0x1;
	[dreg:$0x2] =	wrdreg s2  }
0xa9: {  	[dreg:$0x3] =	wrdreg s4  }
0xaa: {  	[dreg:$0x4] =	wrdreg $0xC0  }
0xab: {  	_ =	task [dreg:s6], $0x5FFFF  }
0xac: {  	[dreg:$0x1] =	wrdreg $0xFFFFFFFF  }
0xad: {  	[dreg:$0x0] =	wrdreg $0x60  }
0xae: {  	[dreg:$0x2] =	wrdreg s24  }
0xaf: {  	[dreg:$0x3] =	wrdreg $0x9  }
0xb0: {  	_ =	task.clear_ibuf [dreg:s6], $0x4FFFF;
	_ =	strace $0x90000046  }
0xb1: {  	s29 =	simm.s32 $0x9;
	_ =	strace $0x80000048  }
0xb2: {  	_ =	swait.ge [sflag:s29], $0x1  }
0xb3: {  	[sflag:s29] =	ssyncadd.s32 $0xFFFFFFFF  }
0xb4: {  	_ =	strace $0x90000048  }
0xb5: {  	_ =	sfence  }
0xb6: {  	s30 =	sld [smem:$0x0];
	_ =	sdelay $0x2  }
0xb7: {  	s31 =	sshll.u32 s1, $0xD;
	s1 =	sshrl.u32 s1, $0x2  }
0xb8: {  	s3 =	sand.u32 $0x4000, s31;
	s1 =	sadd.s32 s1, s30  }
0xb9: {  	s0 =	sor.u32 s3, s0;
	s1 =	sshll.u32 s1, $0x11  }
0xba: {  	s0 =	sor.u32 s1, s0  }
0xbb: {  	s0 =	sadd.s32 $0x8F2B, s0  }
0xbc: {  	[sflag:s0] =	ssyncadd.remote.s32 $0x1  }
0xbd: {  	_ =	sfence.sel $0xFFFF  }
0xbe: {  	[dreg:$0x0] =	wrdreg $0xFFFFFFFF;
	(pc) =	sbr.abs _section_cstart, $3  }
0xbf: {  	[dreg:$0x1] =	wrdreg $0xFFFFFFFF  }
0xc0: {  	_ =	task.clear_ibuf [dreg:s6], $0x2FFFF;
	_ =	strace $0x9FFFFFFF  }
0xc1: {  	(tm) =	ssettm $0x7FFFFFFF  }
tec
execute0_lowered:
.L_overlay_start_1:
0x0: {  	(tag) =	ssettag $0x1  }
0x1: {  	s13 =	rddreg [dreg:$0x0]  }
0x2: {  	s0 =	rddreg [dreg:$0x1];
	s3 =	srdreg.scid  }
0x3: {  	s1 =	stileid.u32;
	s2 =	simm.s32 $0x0;
	s15 =	simm.s32 $0xF4240  }
0x4: {  	s16 =	simm.s32 $0x5000;
	s17 =	simm.s32 $0x1;
	s18 =	simm.s32 $0x40  }
0x5: {  	s19 =	simm.s32 $0x80;
	s20 =	simm.s32 $0xA000;
	s21 =	simm.s32 $0x3  }
0x6: {  	s22 =	simm.s32 $0x2;
	s23 =	simm.s32 $0xF000;
	s24 =	simm.s32 $0x4  }
0x7: {  	s25 =	simm.s32 $0x0;
	s6 =	sand.u32 $0x1, s3;
	s29 =	sshll.u32 s1, $0x1  }
0x8: {  	[smem:$0x7FF] =	sst s2;
	s5 =	sadd.s32 $0x7A1E00, s13;
	s3 =	sor.u32 s6, s29  }
0x9: {  	s4 =	sadd.s32 $0xC00, s13;
	s13 =	sadd.s32 $0x7C9E00, s13;
	s7 =	smul.u32 $0x140, s3  }
0xa: {  	_ =	strace $0x80000047;
	s6 =	ssub.s32 $0x2, s6;
	s8 =	smul.u32 $0x28, s3  }
0xb: {  	s9 =	smul.u32 $0x1400, s3;
	s10 =	smin.u32 s3, $0x14;
	s11 =	sshrl.u32 s6, $0x1  }
0xc: {  	s10 =	smul.u32 $0xA000, s10;
	s12 =	ssub.s32 s6, s11;
	s7 =	sshrl.u32 s7, $0x3  }
0xd: {  	v0 =	vlaneseq.u32;
	s6 =	sadd.s32 s4, s8;
	s8 =	sor.u32 $0x40, s3;
	s30 =	sadd.s32 s9, s5  }
0xe: {  	v0 =	vmul.u32 $0x140, v0;
	s9 =	sor.u32 $0x60, s3;
	s12 =	smax.u32 s12, $0x1;
	s14 =	sshrl.u32 s10, $0x3  }
0xf: {  	s7 =	sadd.s32 s4, s7;
	s10 =	sadd.s32 $0xF00000, s30;
	s31 =	sadd.s32 s5, s14  }
0x10: {  	v1 =	vadd.s32 $0x1400, v0;
	v2 =	vadd.s32 $0x2800, v0;
	v3 =	vadd.s32 $0x3C00, v0;
	s7 =	sadd.s32 $0x500, s7;
	s14 =	simm.s32 $0x140;
	s11 =	sadd.s32 $0xF28000, s31  }
.LBB2_1:
0x11: {  	[tilespmem:s2], [sflag:$0x1] =	stream.strided.gather [hbm4b:s6+s14], $0x5000, s15, s14, $0x38;
	[tilespmem:$0x14000] =	vst v63  }
0x12: {  	s26 =	simm.s32 $0x0  }
0x13: {  	[tilespmem:s16], [sflag:$0x2] =	stream.strided.gather [hbm4b:s7+s14], $0x5000, s15, s14, $0x38;
	[tilespmem:$0x14000] =	vst v63  }
.LBB2_2:
0x14: {  	s28 =	simm.s32 $0x0  }
0x15: {  	v4 =	vmov s28  }
0x16: {  	v4 =	vand.u32 $0x1FF, v4  }
0x17: {  	v5 =	vadd.s32 v0, v4;
	_ =	sdelay $0x1  }
0x18: {  	_ =	swait.ge [sflag:s17], $0x5000  }
0x19: {  	[sflag:s17] =	ssyncset.done $0x0  }
0x1a: {  	[sflag:s17] =	ssyncadd.s32 $0xFFFFB000  }
0x1b: {  	v5 =	vld.idx.msk [tilespmem:v5+s2+$0x0], $0xffff  }
0x1c: {  	v6 =	vadd.s32 v1, v4;
	_ =	sdelay $0x2  }
0x1d: {  	s28 =	simm.s32 $0xA020  }
0x1e: {  	[tilespmem:s28+$0xFFFFFFE0] =	vst v5  }
0x1f: {  	v5 =	vld.idx.msk [tilespmem:v6+s2+$0x0], $0xffff  }
0x20: {  	v6 =	vadd.s32 v2, v4;
	_ =	sdelay $0x3  }
0x21: {  	[tilespmem:s28+$0xFFFFFFF0] =	vst v5  }
0x22: {  	v5 =	vld.idx.msk [tilespmem:v6+s2+$0x0], $0xffff  }
0x23: {  	v4 =	vadd.s32 v3, v4;
	_ =	sdelay $0x3  }
0x24: {  	s29 =	simm.s32 $0x1;
	[tilespmem:s28+$0x0] =	vst v5  }
0x25: {  	v5 =	vmov s29;
	s29 =	simm.s32 $0x2;
	v4 =	vld.idx.msk [tilespmem:v4+s2+$0x0], $0xffff  }
.LBB2_3:
0x26: {  	p0 =	sne.s32 s29, $0x13F;
	v5 =	vand.u32 $0x1FF, v5  }
0x27: {  	v6 =	vadd.s32 v0, v5;
	_ =	sdelay $0x3  }
0x28: {  	[tilespmem:s28+$0x10] =	vst v4  }
0x29: {  	v4 =	vld.idx.msk [tilespmem:v6+s2+$0x0], $0xffff;
	_ =	sdelay $0x1  }
0x2a: {  	v6 =	vadd.s32 v1, v5;
	_ =	sdelay $0x2  }
0x2b: {  	s28 =	sadd.s32 $0x40, s28  }
0x2c: {  	[tilespmem:s28+$0xFFFFFFE0] =	vst v4  }
0x2d: {  	v4 =	vld.idx.msk [tilespmem:v6+s2+$0x0], $0xffff;
	_ =	sdelay $0x1  }
0x2e: {  	v6 =	vadd.s32 v2, v5;
	_ =	sdelay $0x3  }
0x2f: {  	[tilespmem:s28+$0xFFFFFFF0] =	vst v4  }
0x30: {  	v4 =	vld.idx.msk [tilespmem:v6+s2+$0x0], $0xffff;
	_ =	sdelay $0x1  }
0x31: {  	v6 =	vadd.s32 v3, v5  }
.Ltmp0:
0x32: {  	(pc) =	sbr.rel @p0 .LBB2_3-.Ltmp0, $3  }
0x33: {  	_ =	sdelay $0x1  }
0x34: {  	[tilespmem:s28+$0x0] =	vst v4  }
0x35: {  	v5 =	vmov s29;
	s29 =	sadd.s32 $0x1, s29;
	v4 =	vld.idx.msk [tilespmem:v6+s2+$0x0], $0xffff  }
0x36: {  	v5 =	vand.u32 $0x1FF, v5  }
0x37: {  	v6 =	vadd.s32 v0, v5;
	_ =	sdelay $0x3  }
0x38: {  	[tilespmem:s28+$0x10] =	vst v4  }
0x39: {  	v4 =	vld.idx.msk [tilespmem:v6+s2+$0x0], $0xffff  }
0x3a: {  	v6 =	vadd.s32 v1, v5;
	_ =	sdelay $0x2  }
0x3b: {  	s30 =	sadd.s32 $0x40, s28  }
0x3c: {  	[tilespmem:s30+$0xFFFFFFE0] =	vst v4  }
0x3d: {  	v4 =	vld.idx.msk [tilespmem:v6+s2+$0x0], $0xffff  }
0x3e: {  	v6 =	vadd.s32 v2, v5;
	_ =	sdelay $0x3  }
0x3f: {  	[tilespmem:s30+$0xFFFFFFF0] =	vst v4  }
0x40: {  	v4 =	vld.idx.msk [tilespmem:v6+s2+$0x0], $0xffff  }
0x41: {  	v5 =	vadd.s32 v3, v5;
	_ =	sdelay $0x3  }
0x42: {  	[tilespmem:s30+$0x0] =	vst v4  }
0x43: {  	v4 =	vld.idx.msk [tilespmem:v5+s2+$0x0], $0xffff  }
0x44: {  	s28 =	sshll.u32 s26, $0x6  }
0x45: {  	s29 =	sor.u32 s3, s28  }
0x46: {  	s29 =	smul.u32 $0x1400, s29;
	_ =	sdelay $0x1  }
0x47: {  	[tilespmem:s30+$0x10] =	vst v4;
	s30 =	sadd.s32 s5, s29  }
0x48: {  	[hbm4b:s30+s18] =	stream.strided.scatter [tilespmem:s20], [sflag:$0x3], $0x5000, s19, s18, $0x38;
	[tilespmem:$0x14000] =	vst v63  }
0x49: {  	s31 =	simm.s32 $0x0;
	s30 =	sadd.s32 s8, s28  }
0x4a: {  	v4 =	vmov s31;
	_ =	swait.ge [sflag:s21], $0x5000;
	s30 =	smul.u32 $0x28, s30  }
0x4b: {  	v4 =	vand.u32 $0x1FF, v4;
	[sflag:s21] =	ssyncset.done $0x0  }
0x4c: {  	v5 =	vadd.s32 v0, v4;
	[sflag:s21] =	ssyncadd.s32 $0xFFFFB000;
	s30 =	sadd.s32 s4, s30  }
0x4d: {  	[tilespmem:s31], [sflag:$0x1] =	stream.strided.gather [hbm4b:s30+s14], $0x5000, s15, s14, $0x38;
	[tilespmem:$0x14000] =	vst v63  }
0x4e: {  	_ =	swait.ge [sflag:s22], $0x5000  }
0x4f: {  	[sflag:s22] =	ssyncset.done $0x0  }
0x50: {  	[sflag:s22] =	ssyncadd.s32 $0xFFFFB000  }
0x51: {  	v5 =	vld.idx.msk [tilespmem:v5+s16+$0x0], $0xffff  }
0x52: {  	v6 =	vadd.s32 v1, v4;
	_ =	sdelay $0x2  }
0x53: {  	s30 =	simm.s32 $0xF020  }
0x54: {  	[tilespmem:s30+$0xFFFFFFE0] =	vst v5  }
0x55: {  	v5 =	vld.idx.msk [tilespmem:v6+s16+$0x0], $0xffff  }
0x56: {  	v6 =	vadd.s32 v2, v4;
	_ =	sdelay $0x3  }
0x57: {  	[tilespmem:s30+$0xFFFFFFF0] =	vst v5  }
0x58: {  	v5 =	vld.idx.msk [tilespmem:v6+s16+$0x0], $0xffff  }
0x59: {  	v4 =	vadd.s32 v3, v4;
	_ =	sdelay $0x3  }
0x5a: {  	s31 =	simm.s32 $0x1;
	[tilespmem:s30+$0x0] =	vst v5  }
0x5b: {  	v5 =	vmov s31;
	s31 =	simm.s32 $0x2;
	v4 =	vld.idx.msk [tilespmem:v4+s16+$0x0], $0xffff  }
.LBB2_5:
0x5c: {  	p0 =	sne.s32 s31, $0x13F;
	v5 =	vand.u32 $0x1FF, v5  }
0x5d: {  	v6 =	vadd.s32 v0, v5;
	_ =	sdelay $0x3  }
0x5e: {  	[tilespmem:s30+$0x10] =	vst v4  }
0x5f: {  	v4 =	vld.idx.msk [tilespmem:v6+s16+$0x0], $0xffff;
	_ =	sdelay $0x1  }
0x60: {  	v6 =	vadd.s32 v1, v5;
	_ =	sdelay $0x2  }
0x61: {  	s30 =	sadd.s32 $0x40, s30  }
0x62: {  	[tilespmem:s30+$0xFFFFFFE0] =	vst v4  }
0x63: {  	v4 =	vld.idx.msk [tilespmem:v6+s16+$0x0], $0xffff;
	_ =	sdelay $0x1  }
0x64: {  	v6 =	vadd.s32 v2, v5;
	_ =	sdelay $0x3  }
0x65: {  	[tilespmem:s30+$0xFFFFFFF0] =	vst v4  }
0x66: {  	v4 =	vld.idx.msk [tilespmem:v6+s16+$0x0], $0xffff;
	_ =	sdelay $0x1  }
0x67: {  	v6 =	vadd.s32 v3, v5  }
.Ltmp1:
0x68: {  	(pc) =	sbr.rel @p0 .LBB2_5-.Ltmp1, $3  }
0x69: {  	_ =	sdelay $0x1  }
0x6a: {  	[tilespmem:s30+$0x0] =	vst v4  }
0x6b: {  	v5 =	vmov s31;
	s31 =	sadd.s32 $0x1, s31;
	v4 =	vld.idx.msk [tilespmem:v6+s16+$0x0], $0xffff  }
0x6c: {  	v5 =	vand.u32 $0x1FF, v5  }
0x6d: {  	v6 =	vadd.s32 v0, v5;
	_ =	sdelay $0x3  }
0x6e: {  	[tilespmem:s30+$0x10] =	vst v4  }
0x6f: {  	v4 =	vld.idx.msk [tilespmem:v6+s16+$0x0], $0xffff  }
0x70: {  	v62 =	vadd.s32 v1, v5;
	_ =	sdelay $0x2  }
0x71: {  	s31 =	sadd.s32 $0x40, s30  }
0x72: {  	[tilespmem:s31+$0xFFFFFFE0] =	vst v4  }
0x73: {  	v4 =	vld.idx.msk [tilespmem:v62+s16+$0x0], $0xffff  }
0x74: {  	v63 =	vadd.s32 v2, v5;
	_ =	sdelay $0x3  }
0x75: {  	[tilespmem:s31+$0xFFFFFFF0] =	vst v4  }
0x76: {  	v4 =	vld.idx.msk [tilespmem:v63+s16+$0x0], $0xffff  }
0x77: {  	v5 =	vadd.s32 v3, v5;
	_ =	sdelay $0x3  }
0x78: {  	[tilespmem:s31+$0x0] =	vst v4  }
0x79: {  	v4 =	vld.idx.msk [tilespmem:v5+s16+$0x0], $0xffff;
	_ =	sdelay $0x3  }
0x7a: {  	s26 =	sadd.s32 $0x1, s26  }
0x7b: {  	s29 =	sadd.s32 s13, s29;
	s28 =	sadd.s32 s9, s28;
	p0 =	sne.s32 s26, $0x30;
	[tilespmem:s31+$0x10] =	vst v4  }
0x7c: {  	[hbm4b:s29+s18] =	stream.strided.scatter [tilespmem:s23], [sflag:$0x4], $0x5000, s19, s18, $0x38;
	[tilespmem:$0x14000] =	vst v63  }
.Ltmp2:
0x7d: {  	s28 =	smin.u32 s28, $0xC34;
	(pc) =	sbr.rel @p0 .LBB2_2-.Ltmp2, $4  }
0x7e: {  	s28 =	smul.u32 $0x28, s28;
	_ =	swait.ge [sflag:s24], $0x5000  }
0x7f: {  	[sflag:s24] =	ssyncset.done $0x0  }
0x80: {  	s28 =	sadd.s32 s4, s28;
	[sflag:s24] =	ssyncadd.s32 $0xFFFFB000  }
0x81: {  	[tilespmem:s16], [sflag:$0x2] =	stream.strided.gather [hbm4b:s28+s14], $0x5000, s15, s14, $0x38;
	[tilespmem:$0x14000] =	vst v63  }
0x82: {  	s26 =	simm.s32 $0x0  }
0x83: {  	v4 =	vmov s26  }
0x84: {  	v4 =	vand.u32 $0x1FF, v4  }
0x85: {  	v5 =	vadd.s32 v0, v4;
	_ =	sdelay $0x1  }
0x86: {  	_ =	swait.ge [sflag:s17], $0x5000  }
0x87: {  	[sflag:s17] =	ssyncset.done $0x0  }
0x88: {  	[sflag:s17] =	ssyncadd.s32 $0xFFFFB000  }
0x89: {  	v5 =	vld.idx.msk [tilespmem:v5+s2+$0x0], $0xffff  }
0x8a: {  	v6 =	vadd.s32 v1, v4;
	_ =	sdelay $0x2  }
0x8b: {  	s26 =	simm.s32 $0xA020  }
0x8c: {  	[tilespmem:s26+$0xFFFFFFE0] =	vst v5  }
0x8d: {  	v5 =	vld.idx.msk [tilespmem:v6+s2+$0x0], $0xffff  }
0x8e: {  	v6 =	vadd.s32 v2, v4;
	_ =	sdelay $0x3  }
0x8f: {  	[tilespmem:s26+$0xFFFFFFF0] =	vst v5  }
0x90: {  	v5 =	vld.idx.msk [tilespmem:v6+s2+$0x0], $0xffff  }
0x91: {  	v4 =	vadd.s32 v3, v4;
	_ =	sdelay $0x3  }
0x92: {  	s28 =	simm.s32 $0x1;
	[tilespmem:s26+$0x0] =	vst v5  }
0x93: {  	v5 =	vmov s28;
	s28 =	simm.s32 $0x2;
	v4 =	vld.idx.msk [tilespmem:v4+s2+$0x0], $0xffff  }
.LBB2_8:
0x94: {  	p0 =	sne.s32 s28, $0x13F;
	v5 =	vand.u32 $0x1FF, v5  }
0x95: {  	v6 =	vadd.s32 v0, v5;
	_ =	sdelay $0x3  }
0x96: {  	[tilespmem:s26+$0x10] =	vst v4  }
0x97: {  	v4 =	vld.idx.msk [tilespmem:v6+s2+$0x0], $0xffff;
	_ =	sdelay $0x1  }
0x98: {  	v6 =	vadd.s32 v1, v5;
	_ =	sdelay $0x2  }
0x99: {  	s26 =	sadd.s32 $0x40, s26  }
0x9a: {  	[tilespmem:s26+$0xFFFFFFE0] =	vst v4  }
0x9b: {  	v4 =	vld.idx.msk [tilespmem:v6+s2+$0x0], $0xffff;
	_ =	sdelay $0x1  }
0x9c: {  	v6 =	vadd.s32 v2, v5;
	_ =	sdelay $0x3  }
0x9d: {  	[tilespmem:s26+$0xFFFFFFF0] =	vst v4  }
0x9e: {  	v4 =	vld.idx.msk [tilespmem:v6+s2+$0x0], $0xffff;
	_ =	sdelay $0x1  }
0x9f: {  	v6 =	vadd.s32 v3, v5  }
.Ltmp3:
0xa0: {  	(pc) =	sbr.rel @p0 .LBB2_8-.Ltmp3, $3  }
0xa1: {  	_ =	sdelay $0x1  }
0xa2: {  	[tilespmem:s26+$0x0] =	vst v4  }
0xa3: {  	v5 =	vmov s28;
	s28 =	sadd.s32 $0x1, s28;
	v4 =	vld.idx.msk [tilespmem:v6+s2+$0x0], $0xffff  }
0xa4: {  	v5 =	vand.u32 $0x1FF, v5  }
0xa5: {  	v6 =	vadd.s32 v0, v5;
	_ =	sdelay $0x3  }
0xa6: {  	[tilespmem:s26+$0x10] =	vst v4  }
0xa7: {  	v4 =	vld.idx.msk [tilespmem:v6+s2+$0x0], $0xffff  }
0xa8: {  	v6 =	vadd.s32 v1, v5;
	_ =	sdelay $0x2  }
0xa9: {  	s30 =	sadd.s32 $0x40, s26  }
0xaa: {  	[tilespmem:s30+$0xFFFFFFE0] =	vst v4  }
0xab: {  	v4 =	vld.idx.msk [tilespmem:v6+s2+$0x0], $0xffff  }
0xac: {  	v6 =	vadd.s32 v2, v5;
	_ =	sdelay $0x3  }
0xad: {  	[tilespmem:s30+$0xFFFFFFF0] =	vst v4  }
0xae: {  	v4 =	vld.idx.msk [tilespmem:v6+s2+$0x0], $0xffff  }
0xaf: {  	v5 =	vadd.s32 v3, v5;
	_ =	sdelay $0x3  }
0xb0: {  	[tilespmem:s30+$0x0] =	vst v4  }
0xb1: {  	v4 =	vld.idx.msk [tilespmem:v5+s2+$0x0], $0xffff;
	_ =	sdelay $0x4  }
0xb2: {  	s31 =	simm.s32 $0x0;
	[tilespmem:s30+$0x10] =	vst v4  }
0xb3: {  	v4 =	vmov s31;
	[hbm4b:s10+s18] =	stream.strided.scatter [tilespmem:s20], [sflag:$0x3], $0x5000, s19, s18, $0x38;
	[tilespmem:$0x14000] =	vst v63  }
0xb4: {  	v4 =	vand.u32 $0x1FF, v4;
	_ =	swait.ge [sflag:s21], $0x5000  }
0xb5: {  	v5 =	vadd.s32 v0, v4;
	[sflag:s21] =	ssyncset.done $0x0  }
0xb6: {  	[sflag:s21] =	ssyncadd.s32 $0xFFFFB000  }
0xb7: {  	_ =	swait.ge [sflag:s22], $0x5000  }
0xb8: {  	[sflag:s22] =	ssyncset.done $0x0  }
0xb9: {  	[sflag:s22] =	ssyncadd.s32 $0xFFFFB000  }
0xba: {  	v5 =	vld.idx.msk [tilespmem:v5+s16+$0x0], $0xffff  }
0xbb: {  	v6 =	vadd.s32 v1, v4;
	_ =	sdelay $0x2  }
0xbc: {  	s26 =	simm.s32 $0xF020  }
0xbd: {  	[tilespmem:s26+$0xFFFFFFE0] =	vst v5  }
0xbe: {  	v5 =	vld.idx.msk [tilespmem:v6+s16+$0x0], $0xffff  }
0xbf: {  	v6 =	vadd.s32 v2, v4;
	_ =	sdelay $0x3  }
0xc0: {  	[tilespmem:s26+$0xFFFFFFF0] =	vst v5  }
0xc1: {  	v5 =	vld.idx.msk [tilespmem:v6+s16+$0x0], $0xffff  }
0xc2: {  	v4 =	vadd.s32 v3, v4;
	_ =	sdelay $0x3  }
0xc3: {  	s28 =	simm.s32 $0x1;
	[tilespmem:s26+$0x0] =	vst v5  }
0xc4: {  	v5 =	vmov s28;
	s28 =	simm.s32 $0x2;
	v4 =	vld.idx.msk [tilespmem:v4+s16+$0x0], $0xffff  }
.LBB2_10:
0xc5: {  	p0 =	sne.s32 s28, $0x13F;
	v5 =	vand.u32 $0x1FF, v5  }
0xc6: {  	v6 =	vadd.s32 v0, v5;
	_ =	sdelay $0x3  }
0xc7: {  	[tilespmem:s26+$0x10] =	vst v4  }
0xc8: {  	v4 =	vld.idx.msk [tilespmem:v6+s16+$0x0], $0xffff;
	_ =	sdelay $0x1  }
0xc9: {  	v6 =	vadd.s32 v1, v5;
	_ =	sdelay $0x2  }
0xca: {  	s26 =	sadd.s32 $0x40, s26  }
0xcb: {  	[tilespmem:s26+$0xFFFFFFE0] =	vst v4  }
0xcc: {  	v4 =	vld.idx.msk [tilespmem:v6+s16+$0x0], $0xffff;
	_ =	sdelay $0x1  }
0xcd: {  	v6 =	vadd.s32 v2, v5;
	_ =	sdelay $0x3  }
0xce: {  	[tilespmem:s26+$0xFFFFFFF0] =	vst v4  }
0xcf: {  	v4 =	vld.idx.msk [tilespmem:v6+s16+$0x0], $0xffff;
	_ =	sdelay $0x1  }
0xd0: {  	v6 =	vadd.s32 v3, v5  }
.Ltmp4:
0xd1: {  	(pc) =	sbr.rel @p0 .LBB2_10-.Ltmp4, $3  }
0xd2: {  	_ =	sdelay $0x1  }
0xd3: {  	[tilespmem:s26+$0x0] =	vst v4  }
0xd4: {  	v5 =	vmov s28;
	s28 =	sadd.s32 $0x1, s28;
	v4 =	vld.idx.msk [tilespmem:v6+s16+$0x0], $0xffff  }
0xd5: {  	v5 =	vand.u32 $0x1FF, v5  }
0xd6: {  	v6 =	vadd.s32 v0, v5;
	_ =	sdelay $0x3  }
0xd7: {  	[tilespmem:s26+$0x10] =	vst v4  }
0xd8: {  	v4 =	vld.idx.msk [tilespmem:v6+s16+$0x0], $0xffff  }
0xd9: {  	v62 =	vadd.s32 v1, v5;
	_ =	sdelay $0x2  }
0xda: {  	s31 =	sadd.s32 $0x40, s26  }
0xdb: {  	[tilespmem:s31+$0xFFFFFFE0] =	vst v4  }
0xdc: {  	v4 =	vld.idx.msk [tilespmem:v62+s16+$0x0], $0xffff  }
0xdd: {  	v63 =	vadd.s32 v2, v5;
	_ =	sdelay $0x3  }
0xde: {  	[tilespmem:s31+$0xFFFFFFF0] =	vst v4  }
0xdf: {  	v4 =	vld.idx.msk [tilespmem:v63+s16+$0x0], $0xffff  }
0xe0: {  	v5 =	vadd.s32 v3, v5;
	_ =	sdelay $0x3  }
0xe1: {  	[tilespmem:s31+$0x0] =	vst v4  }
0xe2: {  	v4 =	vld.idx.msk [tilespmem:v5+s16+$0x0], $0xffff;
	_ =	sdelay $0x2  }
0xe3: {  	s25 =	sadd.s32 $0x1, s25  }
0xe4: {  	p0 =	sne.s32 s25, s12  }
.Ltmp5:
0xe5: {  	[tilespmem:s31+$0x10] =	vst v4;
	(pc) =	sbr.rel @p0 .LBB2_1-.Ltmp5, $4  }
0xe6: {  	[hbm4b:s11+s18] =	stream.strided.scatter [tilespmem:s23], [sflag:$0x4], $0x5000, s19, s18, $0x38;
	[tilespmem:$0x14000] =	vst v63  }
0xe7: {  	_ =	swait.ge [sflag:s24], $0x5000  }
0xe8: {  	[sflag:s24] =	ssyncset.done $0x0  }
0xe9: {  	[sflag:s24] =	ssyncadd.s32 $0xFFFFB000  }
0xea: {  	_ =	sfence.sel $0x180000  }
0xeb: {  	[bflag:$0x0] =	sbarrier.arrive $0xFFFF  }
0xec: {  	p0 =	sne.s32 s1, $0x0;
	_ =	strace $0x90000047  }
0xed: {  	s0 =	sadd.s32 @!p0 $0x100000, s0;
	[bflag:$0x2] =	sbarrier.arrive $0xFFFF  }
0xee: {  	[sflag:s0] =	ssyncadd.tile.s32 @!p0 $0x1;
	_ =	shalt  }
.Lfunc_end2:
_tile_overlayer_lowered:
.L_overlay_start_2:
0xef: {  	(tag) =	ssettag $0x2  }
0xf0: {  	s0 =	rddreg [dreg:$0x0];
	s2 =	stileid.u32  }
0xf1: {  	s1 =	rddreg [dreg:$0x1];
	p0 =	sne.s32 s2, $0x0  }
0xf2: {  	s3 =	rddreg [dreg:$0x2];
	[bflag:$0x3] =	sbarrier.arrive $0xFFFF;
	s2 =	simm.s32 @!p0 $0x1C05  }
0xf3: {  	[timem:s3], [sflag:s2] =	dma.local @!p0 [hbm:s0], s1  }
0xf4: {  	s0 =	simm.s32 @!p0 $0x5  }
0xf5: {  	_ =	swait.ge @!p0 [sflag:s0], s1  }
0xf6: {  	s1 =	ssub.s32 @!p0 $0x0, s1;
	[sflag:s0] =	ssyncset.done @!p0 $0x0  }
0xf7: {  	[sflag:s0] =	ssyncadd.s32 @!p0 s1  }
0xf8: {  	[bflag:$0x3] =	sbarrier.arrive $0xFFFF  }
0xf9: {  	_ =	shalt  }

// kernel: kernel.7.cloned.1.call-start
scs
__scs_entry_jumppad:
0x0: {  	(pc) =	sbr.rel $0x88, $3  }
0x1: {  	(tag) =	ssettag $0x0;
	lr =	simm.s32 $0x1  }
0x2: {  	[smem:$0x3F9F] =	sst lr;
	_ =	strace $0xD0000000  }
0x3: {  	_ = 	snop  }
0x4: {  	_ = 	snop  }
0x5: {  	_ = 	snop  }
0x6: {  	_ = 	snop  }
0x7: {  	_ = 	snop  }
__scs_overlays_trampoline_lowered:
0x8: {  	[smem:$0x3FAE] =	sst s0  }
0x9: {  	[smem:$0x3FAF] =	sst s1  }
0xa: {  	[smem:$0x3FB0] =	sst s2  }
0xb: {  	[smem:$0x3FB1] =	sst s3  }
0xc: {  	[smem:$0x3FB2] =	sst s4  }
0xd: {  	[smem:$0x3FB3] =	sst s5  }
0xe: {  	[smem:$0x3FB4] =	sst s6  }
0xf: {  	[smem:$0x3FB5] =	sst s7  }
0x10: {  	[smem:$0x3FB6] =	sst s8  }
0x11: {  	[smem:$0x3FB7] =	sst s9;
	s0 =	simm.s32 @!p0 $0x0  }
0x12: {  	s1 =	sld [smem:$0x3F9D];
	s0 =	simm.s32 @p0 $0x1  }
0x13: {  	[smem:$0x3FB8] =	sst s0;
	s0 =	simm.s32 @!p1 $0x0  }
0x14: {  	s2 =	sld [smem:$0x3F9C];
	s0 =	simm.s32 @p1 $0x1  }
0x15: {  	[smem:$0x3FB9] =	sst s0;
	s0 =	simm.s32 @!p2 $0x0  }
0x16: {  	s3 =	sld [smem:$0x3FDB];
	s0 =	simm.s32 @p2 $0x1  }
0x17: {  	s4 =	simm.s32 $0x1BF5;
	[smem:$0x3FBB] =	sst s0  }
0x18: {  	s0 =	sld [smem:$0x3F9E];
	_ =	swait.ge [sflag:s4], $0x0  }
0x19: {  	s7 =	sld [smem:$0x3F9F]  }
0x1a: {  	s8 =	sadd.s32 $0xFFFFE003, lr  }
0x1b: {  	s9 =	sadd.s32 $0xFFFFFEF7, lr;
	s5 =	simm.s32 $0xFFFFFFFF;
	p2 =	slt.u32 s8, $0xFFFFF086  }
0x1c: {  	p1 =	slt.u32 s9, $0xF7A;
	s5 =	simm.s32 @!p2 $0x0  }
0x1d: {  	s5 =	simm.s32 @p1 $0x1;
	p0 =	seq.s32 s7, s2  }
0x1e: {  	s7 =	smul.u32 @!p0 $0xF7A, s2;
	p2 =	seq.s32 @!p0 s5, $0x0  }
0x1f: {  	s9 =	smul.u32 $0xF7A, s1;
	s8 =	simm.s32 @!p0 $0x1BF5;
	p2 =	por !p2, p0  }
0x20: {  	[sflag:s8] =	ssyncset.s32 @!p0 $0xFFFFF086;
	s6 =	sadd.s32 @!p0 s3, s7;
	s7 =	simm.s32 @!p0 $0x108  }
0x21: {  	s3 =	sadd.s32 s3, s9;
	s6 =	sadd.s32 @!p0 $0x88, s6;
	s7 =	simm.s32 @p2 $0x1082  }
0x22: {  	[simem:s7], [sflag:s8] =	dma.local @!p0 [hbm:s6], $0xF7A  }
0x23: {  	s9 =	sor.u32 $0xD0000000, s2;
	s6 =	simm.s32 $0x108;
	_ =	swait.ge @!p0 [sflag:s8], $0x0  }
0x24: {  	s3 =	sadd.s32 $0x88, s3;
	s6 =	simm.s32 @!p1 $0x1082;
	[sflag:s4] =	ssyncset.s32 $0xFFFFF086  }
0x25: {  	[simem:s6], [sflag:s4] =	dma.local [hbm:s3], $0xF7A  }
0x26: {  	[smem:$0x3F9F] =	sst s1;
	(tag) =	ssettag s2;
	_ =	strace s9  }
0x27: {  	s1 =	sld [smem:$0x3FAF]  }
0x28: {  	s2 =	sld [smem:$0x3FB0]  }
0x29: {  	s4 =	sld [smem:$0x3FB2]  }
0x2a: {  	p0 =	seq.s32 s5, $0x0;
	s5 =	sld [smem:$0x3FB3]  }
0x2b: {  	s6 =	sld [smem:$0x3FB4]  }
0x2c: {  	s7 =	sld [smem:$0x3FB5]  }
0x2d: {  	s3 =	simm.s32 $0x108;
	s8 =	sld [smem:$0x3FB6]  }
0x2e: {  	s3 =	simm.s32 @!p0 $0x1082;
	s9 =	sld [smem:$0x3FB7]  }
0x2f: {  	lr =	sadd.s32 s0, s3;
	s0 =	sld [smem:$0x3FAE]  }
0x30: {  	s3 =	sld [smem:$0x3FB1]  }
0x31: {  	[smem:$0x3FBA] =	sst s10  }
0x32: {  	s10 =	sld [smem:$0x3FB8];
	_ =	sdelay $0x3  }
0x33: {  	p0 =	seq.s32 s10, $0x1;
	s10 =	sld [smem:$0x3FBA];
	_ =	sdelay $0x3  }
0x34: {  	[smem:$0x3FBA] =	sst s10  }
0x35: {  	s10 =	sld [smem:$0x3FB9];
	_ =	sdelay $0x3  }
0x36: {  	p1 =	seq.s32 s10, $0x1;
	s10 =	sld [smem:$0x3FBA];
	_ =	sdelay $0x3  }
0x37: {  	[smem:$0x3FBA] =	sst s10  }
0x38: {  	s10 =	sld [smem:$0x3FBB]  }
0x39: {  	_ = 	snop;
	(pc) =	sbr.ind lr, $3  }
0x3a: {  	_ = 	snop  }
0x3b: {  	_ = 	snop  }
0x3c: {  	p2 =	seq.s32 s10, $0x1;
	s10 =	sld [smem:$0x3FBA]  }
0x3d: {  	_ =	shalt  }
0x3e: {  	_ =	shalt  }
0x3f: {  	_ =	shalt  }
0x40: {  	_ =	shalt  }
0x41: {  	_ =	shalt  }
0x42: {  	_ =	shalt  }
0x43: {  	_ =	shalt  }
0x44: {  	_ =	shalt  }
0x45: {  	_ =	shalt  }
0x46: {  	_ =	shalt  }
0x47: {  	_ =	shalt  }
0x48: {  	_ =	shalt  }
0x49: {  	_ =	shalt  }
0x4a: {  	_ =	shalt  }
0x4b: {  	_ =	shalt  }
0x4c: {  	_ =	shalt  }
0x4d: {  	_ =	shalt  }
0x4e: {  	_ =	shalt  }
0x4f: {  	_ =	shalt  }
0x50: {  	_ =	shalt  }
0x51: {  	_ =	shalt  }
0x52: {  	_ =	shalt  }
0x53: {  	_ =	shalt  }
0x54: {  	_ =	shalt  }
0x55: {  	_ =	shalt  }
0x56: {  	_ =	shalt  }
0x57: {  	_ =	shalt  }
0x58: {  	_ =	shalt  }
0x59: {  	_ =	shalt  }
0x5a: {  	_ =	shalt  }
0x5b: {  	_ =	shalt  }
0x5c: {  	_ =	shalt  }
0x5d: {  	_ =	shalt  }
0x5e: {  	_ =	shalt  }
0x5f: {  	_ =	shalt  }
0x60: {  	_ =	shalt  }
0x61: {  	_ =	shalt  }
0x62: {  	_ =	shalt  }
0x63: {  	_ =	shalt  }
0x64: {  	_ =	shalt  }
0x65: {  	_ =	shalt  }
0x66: {  	_ =	shalt  }
0x67: {  	_ =	shalt  }
0x68: {  	_ =	shalt  }
0x69: {  	_ =	shalt  }
0x6a: {  	_ =	shalt  }
0x6b: {  	_ =	shalt  }
0x6c: {  	_ =	shalt  }
0x6d: {  	_ =	shalt  }
0x6e: {  	_ =	shalt  }
0x6f: {  	_ =	shalt  }
0x70: {  	_ =	shalt  }
0x71: {  	_ =	shalt  }
0x72: {  	_ =	shalt  }
0x73: {  	_ =	shalt  }
0x74: {  	_ =	shalt  }
0x75: {  	_ =	shalt  }
0x76: {  	_ =	shalt  }
0x77: {  	_ =	shalt  }
0x78: {  	_ =	shalt  }
0x79: {  	_ =	shalt  }
0x7a: {  	_ =	shalt  }
0x7b: {  	_ =	shalt  }
0x7c: {  	_ =	shalt  }
0x7d: {  	_ =	shalt  }
0x7e: {  	_ =	shalt  }
0x7f: {  	_ =	shalt  }
0x80: {  	_ =	shalt  }
0x81: {  	_ =	shalt  }
0x82: {  	_ =	shalt  }
0x83: {  	_ =	shalt  }
0x84: {  	_ =	shalt  }
0x85: {  	_ =	shalt  }
0x86: {  	_ =	shalt  }
0x87: {  	_ =	shalt  }
.Lfunc_end0:
.L_simem_size_0:
called_computation.2_lowered:
.L_overlay_start_0:
0x88: {  	s2 =	sld [smem:$0x3FD9]  }
0x89: {  	s3 =	sld [smem:$0x3FFE];
	_ =	sdelay $0x1  }
0x8a: {  	s1 =	srdreg.scid  }
0x8b: {  	s0 =	sand.u32 $0x1, s1  }
0x8c: {  	s17 =	sshll.u32 s0, $0xA;
	s2 =	sadd.s32 s3, s2  }
0x8d: {  	s2 =	sadd.s32 s2, s17  }
0x8e: {  	[smem:$0x3FC6] =	sst s2  }
0x8f: {  	_ = 	snop  }
0x90: {  	s2 =	sld [smem:$0x3FD0];
	(tm) =	ssettm $0x1  }
0x91: {  	s18 =	sld [smem:$0x3FFB];
	_ =	sdelay $0x3  }
0x92: {  	_ =	strace s18  }
0x93: {  	s3 =	sld [smem:$0x3FFC];
	_ =	sdelay $0x3  }
0x94: {  	_ =	strace s3  }
0x95: {  	s3 =	sld [smem:$0x3FFD];
	_ =	sdelay $0x3  }
0x96: {  	_ =	strace s3  }
0x97: {  	_ =	strace $0x8FFFFFFF  }
0x98: {  	s19 =	sld [smem:$0x3FDB];
	_ =	sdelay $0x1  }
0x99: {  	s4 =	simm.s32 $_scs_section_size  }
0x9a: {  	s5 =	simm.s32 $_size__tile_overlayer_lowered;
	s6 =	simm.s32 $_tile_overlayer_lowered  }
0x9b: {  	s22 =	simm.s32 $0x1BFF;
	s21 =	sshll.u32 s6, $0x1;
	s3 =	sadd.s32 s4, s19  }
0x9c: {  	s7 =	simm.s32 $0x0;
	s20 =	sshll.u32 s5, $0x1;
	s5 =	sadd.s32 s21, s3  }
0x9d: {  	[timem:s7], [sflag:s22] =	dma.local [hbm:s5], s20  }
0x9e: {  	_ =	swait.ge [sflag:s22], s20  }
0x9f: {  	s4 =	ssub.s32 $0x0, s20;
	[sflag:s22] =	ssyncset.done $0x0  }
0xa0: {  	[sflag:s22] =	ssyncadd.s32 s4;
	_ =	sdelay $0x1  }
0xa1: {  	s23 =	simm.s32 $0x1B8B  }
0xa2: {  	_ =	swait.ge [sflag:s23], $0x1  }
0xa3: {  	[sflag:s23] =	ssyncset.done $0x0  }
0xa4: {  	s25 =	simm.s32 $0x1B8E;
	s24 =	sld [smem:$0x3FFE];
	[sflag:s23] =	ssyncadd.s32 $0xFFFFFFFF  }
0xa5: {  	s26 =	simm.s32 $execute0_lowered;
	[smem:$0x3FD2] =	sst s25  }
0xa6: {  	s5 =	sshll.u32 s26, $0x1;
	_ =	strace $0x80000049;
	[dreg:$0x1] =	wrdreg $0xFFFFFFFF  }
0xa7: {  	s28 =	simm.s32 $_size_execute0_lowered;
	s3 =	sadd.s32 s3, s5;
	[dreg:$0x0] =	wrdreg $0x0  }
0xa8: {  	s5 =	sshll.u32 s28, $0x1;
	[dreg:$0x2] =	wrdreg s3  }
0xa9: {  	[dreg:$0x3] =	wrdreg s5  }
0xaa: {  	[dreg:$0x4] =	wrdreg $0xC0  }
0xab: {  	_ =	task [dreg:s7], $0x5FFFF  }
0xac: {  	[dreg:$0x1] =	wrdreg $0xFFFFFFFF  }
0xad: {  	[dreg:$0x0] =	wrdreg $0x60  }
0xae: {  	[dreg:$0x2] =	wrdreg s2  }
0xaf: {  	[dreg:$0x3] =	wrdreg s24  }
0xb0: {  	[dreg:$0x4] =	wrdreg $0x9  }
0xb1: {  	_ =	task.clear_ibuf [dreg:s7], $0x5FFFF;
	_ =	strace $0x90000049  }
0xb2: {  	s29 =	simm.s32 $0x9;
	_ =	strace $0x8000004B  }
0xb3: {  	_ =	swait.ge [sflag:s29], $0x1  }
0xb4: {  	[sflag:s29] =	ssyncadd.s32 $0xFFFFFFFF  }
0xb5: {  	_ =	strace $0x9000004B  }
0xb6: {  	_ =	sfence  }
0xb7: {  	s30 =	sld [smem:$0x0];
	_ =	sdelay $0x2  }
0xb8: {  	s31 =	sshll.u32 s1, $0xD;
	s1 =	sshrl.u32 s1, $0x2  }
0xb9: {  	s3 =	sand.u32 $0x4000, s31;
	s1 =	sadd.s32 s1, s30  }
0xba: {  	s0 =	sor.u32 s3, s0;
	s1 =	sshll.u32 s1, $0x11  }
0xbb: {  	s0 =	sor.u32 s1, s0  }
0xbc: {  	s0 =	sadd.s32 $0x8F2B, s0  }
0xbd: {  	[sflag:s0] =	ssyncadd.remote.s32 $0x1  }
0xbe: {  	_ =	sfence.sel $0xFFFF  }
0xbf: {  	[dreg:$0x0] =	wrdreg $0xFFFFFFFF;
	(pc) =	sbr.abs _section_cstart, $3  }
0xc0: {  	[dreg:$0x1] =	wrdreg $0xFFFFFFFF  }
0xc1: {  	_ =	task.clear_ibuf [dreg:s7], $0x2FFFF;
	_ =	strace $0x9FFFFFFF  }
0xc2: {  	(tm) =	ssettm $0x7FFFFFFF  }
0xc3: {  	_ =	shalt  }
tec
execute0_lowered:
.L_overlay_start_1:
0x0: {  	(tag) =	ssettag $0x1  }
0x1: {  	s0 =	rddreg [dreg:$0x0]  }
0x2: {  	s1 =	rddreg [dreg:$0x1];
	s2 =	srdreg.scid  }
0x3: {  	s8 =	stileid.u32;
	s5 =	simm.s32 $0x0;
	s16 =	simm.s32 $0xC8  }
0x4: {  	s28 =	simm.s32 $0x3;
	s30 =	simm.s32 $0xB;
	s9 =	simm.s32 $0x7  }
0x5: {  	s10 =	simm.s32 $0xF;
	s11 =	simm.s32 $0x8;
	s2 =	sand.u32 $0x1, s2  }
0x6: {  	s12 =	simm.s32 $0x10;
	s3 =	sshll.u32 s8, $0x8;
	s4 =	sshll.u32 s2, $0x7  }
0x7: {  	[smem:$0x7FF] =	sst s5;
	s6 =	ssub.s32 $0x2, s2;
	s4 =	sor.u32 s4, s3  }
0x8: {  	_ =	strace $0x8000004A;
	s7 =	sshrl.u32 s6, $0x1;
	s18 =	smul.u32 $0x6400, s4  }
0x9: {  	s3 =	sadd.s32 $0x7A1E00, s1;
	s4 =	smul.u32 $0x19, s4;
	s6 =	ssub.s32 s6, s7  }
0xa: {  	s1 =	sadd.s32 $0x16E4200, s1;
	s29 =	smax.u32 s6, $0x1;
	s5 =	sshrl.u32 s18, $0x3  }
0xb: {  	s0 =	sadd.s32 s0, s4;
	[dreg:$0xc] =	wrdreg s29;
	s19 =	sadd.s32 s1, s5  }
0xc: {  	s25 =	smul.u32 $0xC8000, s8;
	[dreg:$0x3] =	wrdreg s0;
	s20 =	sadd.s32 $0x5DC00, s19  }
0xd: {  	s8 =	simm.s32 $0xE;
	s21 =	sadd.s32 $0x5E880, s19;
	[dreg:$0x4] =	wrdreg s20  }
0xe: {  	s2 =	smul.u32 $0x64000, s2;
	s22 =	sadd.s32 $0x5F500, s19;
	[dreg:$0x5] =	wrdreg s21  }
0xf: {  	s31 =	sadd.s32 s25, s1;
	s23 =	sadd.s32 $0x60180, s19;
	[dreg:$0x6] =	wrdreg s22  }
0x10: {  	s25 =	simm.s32 $0xA;
	s24 =	sadd.s32 $0x60E00, s19;
	[dreg:$0x7] =	wrdreg s23  }
0x11: {  	s7 =	simm.s32 $0x6;
	s5 =	sadd.s32 $0x61A80, s19;
	[dreg:$0x8] =	wrdreg s24  }
0x12: {  	s6 =	simm.s32 $0xD;
	s26 =	sadd.s32 $0x62700, s19;
	[dreg:$0x9] =	wrdreg s5  }
0x13: {  	s4 =	simm.s32 $0xC;
	s0 =	sadd.s32 $0x63380, s19;
	[dreg:$0xa] =	wrdreg s26  }
0x14: {  	s1 =	simm.s32 $0x40;
	s19 =	simm.s32 $0x80;
	[dreg:$0xb] =	wrdreg s0  }
0x15: {  	s0 =	sadd.s32 s2, s31;
	s23 =	simm.s32 $0x2;
	s2 =	simm.s32 $0x4  }
0x16: {  	s5 =	simm.s32 $0x5;
	[dreg:$0xd] =	wrdreg s0;
	s0 =	simm.s32 $0x0  }
.LBB2_1:
0x17: {  	[dreg:$0xe] =	wrdreg s0  }
0x18: {  	s13 =	simm.s32 $0x0;
	s14 =	rddreg [dreg:$0x3];
	s22 =	simm.s32 $0x11  }
0x19: {  	[tilespmem:s13], [sflag:$0x11] =	stream.linear.gather [hbm4b:s14+s13], $0x6400, $0x38;
	[tilespmem:$0x1F400] =	vst v63  }
0x1a: {  	_ =	swait.ge [sflag:s22], $0x6400  }
0x1b: {  	[sflag:s22] =	ssyncset.done $0x0  }
0x1c: {  	s14 =	simm.s32 $0x6400;
	[sflag:s22] =	ssyncadd.s32 $0xFFFF9C00  }
0x1d: {  	[tilespmem:s14], [sflag:$0x1] =	stream.indirect.gather [hbm4b:s3+s16], $0x40, s13, s16, $0xb8;
	[tilespmem:$0x1F400] =	vst v63  }
0x1e: {  	s15 =	simm.s32 $0x9600  }
0x1f: {  	[tilespmem:s15], [sflag:$0x2] =	stream.indirect.gather [hbm4b:s3+s16], $0x40, s16, s16, $0xb8;
	[tilespmem:$0x1F400] =	vst v63  }
0x20: {  	s24 =	simm.s32 $0x190;
	s18 =	simm.s32 $0xC800  }
0x21: {  	[tilespmem:s18], [sflag:$0x3] =	stream.indirect.gather [hbm4b:s3+s16], $0x40, s24, s16, $0xb8;
	[tilespmem:$0x1F400] =	vst v63  }
0x22: {  	s26 =	simm.s32 $0x258;
	s20 =	simm.s32 $0xFA00  }
0x23: {  	[tilespmem:s20], [sflag:$0x4] =	stream.indirect.gather [hbm4b:s3+s16], $0x40, s26, s16, $0xb8;
	[tilespmem:$0x1F400] =	vst v63  }
0x24: {  	s29 =	simm.s32 $0x320;
	s22 =	simm.s32 $0x12C00  }
0x25: {  	[tilespmem:s22], [sflag:$0x5] =	stream.indirect.gather [hbm4b:s3+s16], $0x40, s29, s16, $0xb8;
	[tilespmem:$0x1F400] =	vst v63  }
0x26: {  	s31 =	simm.s32 $0x3E8;
	s24 =	simm.s32 $0x15E00  }
0x27: {  	[tilespmem:s24], [sflag:$0x6] =	stream.indirect.gather [hbm4b:s3+s16], $0x40, s31, s16, $0xb8;
	[tilespmem:$0x1F400] =	vst v63  }
0x28: {  	s0 =	simm.s32 $0x4B0;
	s26 =	simm.s32 $0x19000  }
0x29: {  	[tilespmem:s26], [sflag:$0x7] =	stream.indirect.gather [hbm4b:s3+s16], $0x40, s0, s16, $0xb8;
	[tilespmem:$0x1F400] =	vst v63  }
0x2a: {  	s21 =	simm.s32 $0x1C200;
	s17 =	simm.s32 $0x1;
	s13 =	simm.s32 $0x578  }
0x2b: {  	[tilespmem:s21], [sflag:$0x8] =	stream.indirect.gather [hbm4b:s3+s16], $0x40, s13, s16, $0xb8;
	[tilespmem:$0x1F400] =	vst v63  }
0x2c: {  	_ =	swait.ge [sflag:s17], $0x3200  }
0x2d: {  	[sflag:s17] =	ssyncset.done $0x0  }
0x2e: {  	s29 =	simm.s32 $0x9;
	[sflag:s17] =	ssyncadd.s32 $0xFFFFCE00;
	s17 =	rddreg [dreg:$0xd]  }
0x2f: {  	[hbm4b:s17+s1] =	stream.strided.scatter [tilespmem:s14], [sflag:$0x9], $0x3200, s19, s1, $0x38;
	[tilespmem:$0x1F400] =	vst v63  }
0x30: {  	_ =	swait.ge [sflag:s29], $0x3200  }
0x31: {  	[sflag:s29] =	ssyncset.done $0x0  }
0x32: {  	s31 =	simm.s32 $0x640;
	[sflag:s29] =	ssyncadd.s32 $0xFFFFCE00  }
0x33: {  	[tilespmem:s14], [sflag:$0x1] =	stream.indirect.gather [hbm4b:s3+s16], $0x40, s31, s16, $0xb8;
	[tilespmem:$0x1F400] =	vst v63  }
0x34: {  	_ =	swait.ge [sflag:s23], $0x3200  }
0x35: {  	[sflag:s23] =	ssyncset.done $0x0  }
0x36: {  	s0 =	sadd.s32 $0xC80, s17;
	[sflag:s23] =	ssyncadd.s32 $0xFFFFCE00  }
0x37: {  	[hbm4b:s0+s1] =	stream.strided.scatter [tilespmem:s15], [sflag:$0xA], $0x3200, s19, s1, $0x38;
	[tilespmem:$0x1F400] =	vst v63  }
0x38: {  	_ =	swait.ge [sflag:s25], $0x3200  }
0x39: {  	[sflag:s25] =	ssyncset.done $0x0  }
0x3a: {  	s14 =	simm.s32 $0x708;
	[sflag:s25] =	ssyncadd.s32 $0xFFFFCE00  }
0x3b: {  	[tilespmem:s15], [sflag:$0x2] =	stream.indirect.gather [hbm4b:s3+s16], $0x40, s14, s16, $0xb8;
	[tilespmem:$0x1F400] =	vst v63  }
0x3c: {  	_ =	swait.ge [sflag:s28], $0x3200  }
0x3d: {  	[sflag:s28] =	ssyncset.done $0x0  }
0x3e: {  	s29 =	sadd.s32 $0x1900, s17;
	[sflag:s28] =	ssyncadd.s32 $0xFFFFCE00  }
0x3f: {  	[hbm4b:s29+s1] =	stream.strided.scatter [tilespmem:s18], [sflag:$0xB], $0x3200, s19, s1, $0x38;
	[tilespmem:$0x1F400] =	vst v63  }
0x40: {  	_ =	swait.ge [sflag:s30], $0x3200  }
0x41: {  	[sflag:s30] =	ssyncset.done $0x0  }
0x42: {  	s31 =	simm.s32 $0x7D0;
	[sflag:s30] =	ssyncadd.s32 $0xFFFFCE00  }
0x43: {  	[tilespmem:s18], [sflag:$0x3] =	stream.indirect.gather [hbm4b:s3+s16], $0x40, s31, s16, $0xb8;
	[tilespmem:$0x1F400] =	vst v63  }
0x44: {  	_ =	swait.ge [sflag:s2], $0x3200  }
0x45: {  	[sflag:s2] =	ssyncset.done $0x0  }
0x46: {  	s0 =	sadd.s32 $0x2580, s17;
	[sflag:s2] =	ssyncadd.s32 $0xFFFFCE00  }
0x47: {  	[hbm4b:s0+s1] =	stream.strided.scatter [tilespmem:s20], [sflag:$0xC], $0x3200, s19, s1, $0x38;
	[tilespmem:$0x1F400] =	vst v63  }
0x48: {  	_ =	swait.ge [sflag:s4], $0x3200  }
0x49: {  	[sflag:s4] =	ssyncset.done $0x0  }
0x4a: {  	s14 =	simm.s32 $0x898;
	[sflag:s4] =	ssyncadd.s32 $0xFFFFCE00  }
0x4b: {  	[tilespmem:s20], [sflag:$0x4] =	stream.indirect.gather [hbm4b:s3+s16], $0x40, s14, s16, $0xb8;
	[tilespmem:$0x1F400] =	vst v63  }
0x4c: {  	_ =	swait.ge [sflag:s5], $0x3200  }
0x4d: {  	[sflag:s5] =	ssyncset.done $0x0  }
0x4e: {  	s15 =	sadd.s32 $0x3200, s17;
	[sflag:s5] =	ssyncadd.s32 $0xFFFFCE00  }
0x4f: {  	[hbm4b:s15+s1] =	stream.strided.scatter [tilespmem:s22], [sflag:$0xD], $0x3200, s19, s1, $0x38;
	[tilespmem:$0x1F400] =	vst v63  }
0x50: {  	_ =	swait.ge [sflag:s6], $0x3200  }
0x51: {  	[sflag:s6] =	ssyncset.done $0x0  }
0x52: {  	s18 =	simm.s32 $0x960;
	[sflag:s6] =	ssyncadd.s32 $0xFFFFCE00  }
0x53: {  	[tilespmem:s22], [sflag:$0x5] =	stream.indirect.gather [hbm4b:s3+s16], $0x40, s18, s16, $0xb8;
	[tilespmem:$0x1F400] =	vst v63  }
0x54: {  	_ =	swait.ge [sflag:s7], $0x3200  }
0x55: {  	[sflag:s7] =	ssyncset.done $0x0  }
0x56: {  	s20 =	sadd.s32 $0x3E80, s17;
	[sflag:s7] =	ssyncadd.s32 $0xFFFFCE00  }
0x57: {  	[hbm4b:s20+s1] =	stream.strided.scatter [tilespmem:s24], [sflag:$0xE], $0x3200, s19, s1, $0x38;
	[tilespmem:$0x1F400] =	vst v63  }
0x58: {  	_ =	swait.ge [sflag:s8], $0x3200  }
0x59: {  	[sflag:s8] =	ssyncset.done $0x0  }
0x5a: {  	s22 =	simm.s32 $0xA28;
	[sflag:s8] =	ssyncadd.s32 $0xFFFFCE00  }
0x5b: {  	[tilespmem:s24], [sflag:$0x6] =	stream.indirect.gather [hbm4b:s3+s16], $0x40, s22, s16, $0xb8;
	[tilespmem:$0x1F400] =	vst v63  }
0x5c: {  	_ =	swait.ge [sflag:s9], $0x3200  }
0x5d: {  	[sflag:s9] =	ssyncset.done $0x0  }
0x5e: {  	s24 =	sadd.s32 $0x4B00, s17;
	[sflag:s9] =	ssyncadd.s32 $0xFFFFCE00  }
0x5f: {  	[hbm4b:s24+s1] =	stream.strided.scatter [tilespmem:s26], [sflag:$0xF], $0x3200, s19, s1, $0x38;
	[tilespmem:$0x1F400] =	vst v63  }
0x60: {  	_ =	swait.ge [sflag:s10], $0x3200  }
0x61: {  	[sflag:s10] =	ssyncset.done $0x0  }
0x62: {  	s29 =	simm.s32 $0xAF0;
	[sflag:s10] =	ssyncadd.s32 $0xFFFFCE00  }
0x63: {  	[tilespmem:s26], [sflag:$0x7] =	stream.indirect.gather [hbm4b:s3+s16], $0x40, s29, s16, $0xb8;
	[tilespmem:$0x1F400] =	vst v63  }
0x64: {  	_ =	swait.ge [sflag:s11], $0x3200  }
0x65: {  	[sflag:s11] =	ssyncset.done $0x0  }
0x66: {  	s31 =	sadd.s32 $0x5780, s17;
	[sflag:s11] =	ssyncadd.s32 $0xFFFFCE00  }
0x67: {  	[hbm4b:s31+s1] =	stream.strided.scatter [tilespmem:s21], [sflag:$0x10], $0x3200, s19, s1, $0x38;
	[tilespmem:$0x1F400] =	vst v63  }
0x68: {  	_ =	swait.ge [sflag:s12], $0x3200  }
0x69: {  	s13 =	sadd.s32 $0x6400, s17;
	[sflag:s12] =	ssyncset.done $0x0  }
0x6a: {  	s14 =	simm.s32 $0xBB8;
	s15 =	simm.s32 $0x1900;
	[sflag:s12] =	ssyncadd.s32 $0xFFFFCE00  }
.LBB2_2:
0x6b: {  	s21 =	simm.s32 $0x1C200  }
0x6c: {  	[tilespmem:s21], [sflag:$0x8] =	stream.indirect.gather [hbm4b:s3+s16], $0x40, s14, s16, $0xb8;
	[tilespmem:$0x1F400] =	vst v63  }
0x6d: {  	s0 =	simm.s32 $0x1;
	s14 =	smov.u32 s15  }
0x6e: {  	p0 =	sne.s32 s15, $0x15E00;
	s15 =	sadd.s32 $0x1900, s15;
	_ =	swait.ge [sflag:s0], $0x3200  }
0x6f: {  	[sflag:s0] =	ssyncset.done $0x0  }
0x70: {  	s20 =	simm.s32 $0x6400;
	[sflag:s0] =	ssyncadd.s32 $0xFFFFCE00;
	s0 =	simm.s32 $0x9  }
0x71: {  	[hbm4b:s13+s1] =	stream.strided.scatter [tilespmem:s20], [sflag:$0x9], $0x3200, s19, s1, $0x38;
	[tilespmem:$0x1F400] =	vst v63  }
0x72: {  	_ =	swait.ge [sflag:s0], $0x3200  }
0x73: {  	s14 =	sshra.s32 s14, $0x2;
	[sflag:s0] =	ssyncset.done $0x0  }
0x74: {  	s18 =	simm.s32 $0x6400;
	s17 =	sadd.s32 $0x640, s14;
	[sflag:s0] =	ssyncadd.s32 $0xFFFFCE00  }
0x75: {  	[tilespmem:s20], [sflag:$0x1] =	stream.indirect.gather [hbm4b:s3+s16], $0x40, s17, s16, $0xb8;
	[tilespmem:$0x1F400] =	vst v63  }
0x76: {  	_ =	swait.ge [sflag:s23], $0x3200  }
0x77: {  	[sflag:s23] =	ssyncset.done $0x0  }
0x78: {  	s22 =	simm.s32 $0x9600;
	s17 =	sadd.s32 $0xC80, s13;
	[sflag:s23] =	ssyncadd.s32 $0xFFFFCE00  }
0x79: {  	[hbm4b:s17+s1] =	stream.strided.scatter [tilespmem:s22], [sflag:$0xA], $0x3200, s19, s1, $0x38;
	[tilespmem:$0x1F400] =	vst v63  }
0x7a: {  	_ =	swait.ge [sflag:s25], $0x3200  }
0x7b: {  	[sflag:s25] =	ssyncset.done $0x0  }
0x7c: {  	s20 =	simm.s32 $0x9600;
	s17 =	sadd.s32 $0x708, s14;
	[sflag:s25] =	ssyncadd.s32 $0xFFFFCE00  }
0x7d: {  	[tilespmem:s22], [sflag:$0x2] =	stream.indirect.gather [hbm4b:s3+s16], $0x40, s17, s16, $0xb8;
	[tilespmem:$0x1F400] =	vst v63  }
0x7e: {  	_ =	swait.ge [sflag:s28], $0x3200  }
0x7f: {  	[sflag:s28] =	ssyncset.done $0x0  }
0x80: {  	s24 =	simm.s32 $0xC800;
	s17 =	sadd.s32 $0x1900, s13;
	[sflag:s28] =	ssyncadd.s32 $0xFFFFCE00  }
0x81: {  	[hbm4b:s17+s1] =	stream.strided.scatter [tilespmem:s24], [sflag:$0xB], $0x3200, s19, s1, $0x38;
	[tilespmem:$0x1F400] =	vst v63  }
0x82: {  	_ =	swait.ge [sflag:s30], $0x3200  }
0x83: {  	[sflag:s30] =	ssyncset.done $0x0  }
0x84: {  	s22 =	simm.s32 $0xC800;
	s17 =	sadd.s32 $0x7D0, s14;
	[sflag:s30] =	ssyncadd.s32 $0xFFFFCE00  }
0x85: {  	[tilespmem:s24], [sflag:$0x3] =	stream.indirect.gather [hbm4b:s3+s16], $0x40, s17, s16, $0xb8;
	[tilespmem:$0x1F400] =	vst v63  }
0x86: {  	_ =	swait.ge [sflag:s2], $0x3200  }
0x87: {  	[sflag:s2] =	ssyncset.done $0x0  }
0x88: {  	s26 =	simm.s32 $0xFA00;
	s17 =	sadd.s32 $0x2580, s13;
	[sflag:s2] =	ssyncadd.s32 $0xFFFFCE00  }
0x89: {  	[hbm4b:s17+s1] =	stream.strided.scatter [tilespmem:s26], [sflag:$0xC], $0x3200, s19, s1, $0x38;
	[tilespmem:$0x1F400] =	vst v63  }
0x8a: {  	_ =	swait.ge [sflag:s4], $0x3200  }
0x8b: {  	[sflag:s4] =	ssyncset.done $0x0  }
0x8c: {  	s24 =	simm.s32 $0xFA00;
	s17 =	sadd.s32 $0x898, s14;
	[sflag:s4] =	ssyncadd.s32 $0xFFFFCE00  }
0x8d: {  	[tilespmem:s26], [sflag:$0x4] =	stream.indirect.gather [hbm4b:s3+s16], $0x40, s17, s16, $0xb8;
	[tilespmem:$0x1F400] =	vst v63  }
0x8e: {  	_ =	swait.ge [sflag:s5], $0x3200  }
0x8f: {  	[sflag:s5] =	ssyncset.done $0x0  }
0x90: {  	s29 =	simm.s32 $0x12C00;
	s17 =	sadd.s32 $0x3200, s13;
	[sflag:s5] =	ssyncadd.s32 $0xFFFFCE00  }
0x91: {  	[hbm4b:s17+s1] =	stream.strided.scatter [tilespmem:s29], [sflag:$0xD], $0x3200, s19, s1, $0x38;
	[tilespmem:$0x1F400] =	vst v63  }
0x92: {  	_ =	swait.ge [sflag:s6], $0x3200  }
0x93: {  	[sflag:s6] =	ssyncset.done $0x0  }
0x94: {  	s26 =	simm.s32 $0x12C00;
	s17 =	sadd.s32 $0x960, s14;
	[sflag:s6] =	ssyncadd.s32 $0xFFFFCE00  }
0x95: {  	[tilespmem:s29], [sflag:$0x5] =	stream.indirect.gather [hbm4b:s3+s16], $0x40, s17, s16, $0xb8;
	[tilespmem:$0x1F400] =	vst v63  }
0x96: {  	_ =	swait.ge [sflag:s7], $0x3200  }
0x97: {  	[sflag:s7] =	ssyncset.done $0x0  }
0x98: {  	s31 =	simm.s32 $0x15E00;
	s17 =	sadd.s32 $0x3E80, s13;
	[sflag:s7] =	ssyncadd.s32 $0xFFFFCE00  }
0x99: {  	[hbm4b:s17+s1] =	stream.strided.scatter [tilespmem:s31], [sflag:$0xE], $0x3200, s19, s1, $0x38;
	[tilespmem:$0x1F400] =	vst v63  }
0x9a: {  	_ =	swait.ge [sflag:s8], $0x3200  }
0x9b: {  	[sflag:s8] =	ssyncset.done $0x0  }
0x9c: {  	s29 =	simm.s32 $0x15E00;
	s17 =	sadd.s32 $0xA28, s14;
	[sflag:s8] =	ssyncadd.s32 $0xFFFFCE00  }
0x9d: {  	[tilespmem:s31], [sflag:$0x6] =	stream.indirect.gather [hbm4b:s3+s16], $0x40, s17, s16, $0xb8;
	[tilespmem:$0x1F400] =	vst v63  }
0x9e: {  	_ =	swait.ge [sflag:s9], $0x3200  }
0x9f: {  	[sflag:s9] =	ssyncset.done $0x0  }
0xa0: {  	s0 =	simm.s32 $0x19000;
	s17 =	sadd.s32 $0x4B00, s13;
	[sflag:s9] =	ssyncadd.s32 $0xFFFFCE00  }
0xa1: {  	[hbm4b:s17+s1] =	stream.strided.scatter [tilespmem:s0], [sflag:$0xF], $0x3200, s19, s1, $0x38;
	[tilespmem:$0x1F400] =	vst v63  }
0xa2: {  	_ =	swait.ge [sflag:s10], $0x3200  }
0xa3: {  	[sflag:s10] =	ssyncset.done $0x0  }
0xa4: {  	s31 =	simm.s32 $0x19000;
	s17 =	sadd.s32 $0xAF0, s14;
	[sflag:s10] =	ssyncadd.s32 $0xFFFFCE00  }
0xa5: {  	[tilespmem:s0], [sflag:$0x7] =	stream.indirect.gather [hbm4b:s3+s16], $0x40, s17, s16, $0xb8;
	[tilespmem:$0x1F400] =	vst v63  }
0xa6: {  	_ =	swait.ge [sflag:s11], $0x3200  }
0xa7: {  	[sflag:s11] =	ssyncset.done $0x0  }
.Ltmp0:
0xa8: {  	s17 =	sadd.s32 $0x5780, s13;
	[sflag:s11] =	ssyncadd.s32 $0xFFFFCE00;
	(pc) =	sbr.rel @p0 .LBB2_2-.Ltmp0, $4  }
0xa9: {  	[hbm4b:s17+s1] =	stream.strided.scatter [tilespmem:s21], [sflag:$0x10], $0x3200, s19, s1, $0x38;
	[tilespmem:$0x1F400] =	vst v63  }
0xaa: {  	_ =	swait.ge [sflag:s12], $0x3200  }
0xab: {  	[sflag:s12] =	ssyncset.done $0x0  }
0xac: {  	s14 =	sadd.s32 $0xBB8, s14;
	s13 =	sadd.s32 $0x6400, s13;
	[sflag:s12] =	ssyncadd.s32 $0xFFFFCE00  }
0xad: {  	s0 =	simm.s32 $0x1C200;
	s13 =	simm.s32 $0x1  }
0xae: {  	[tilespmem:s0], [sflag:$0x8] =	stream.indirect.gather [hbm4b:s3+s16], $0x40, s14, s16, $0xb8;
	[tilespmem:$0x1F400] =	vst v63  }
0xaf: {  	_ =	swait.ge [sflag:s13], $0x3200  }
0xb0: {  	[sflag:s13] =	ssyncset.done $0x0  }
0xb1: {  	s15 =	simm.s32 $0x9;
	s14 =	rddreg [dreg:$0x4];
	[sflag:s13] =	ssyncadd.s32 $0xFFFFCE00  }
0xb2: {  	[hbm4b:s14+s1] =	stream.strided.scatter [tilespmem:s18], [sflag:$0x9], $0x3200, s19, s1, $0x38;
	[tilespmem:$0x1F400] =	vst v63  }
0xb3: {  	_ =	swait.ge [sflag:s15], $0x3200  }
0xb4: {  	[sflag:s15] =	ssyncset.done $0x0  }
0xb5: {  	[sflag:s15] =	ssyncadd.s32 $0xFFFFCE00  }
0xb6: {  	_ =	swait.ge [sflag:s23], $0x3200  }
0xb7: {  	[sflag:s23] =	ssyncset.done $0x0  }
0xb8: {  	s17 =	rddreg [dreg:$0x5];
	[sflag:s23] =	ssyncadd.s32 $0xFFFFCE00  }
0xb9: {  	[hbm4b:s17+s1] =	stream.strided.scatter [tilespmem:s20], [sflag:$0xA], $0x3200, s19, s1, $0x38;
	[tilespmem:$0x1F400] =	vst v63  }
0xba: {  	_ =	swait.ge [sflag:s25], $0x3200  }
0xbb: {  	[sflag:s25] =	ssyncset.done $0x0  }
0xbc: {  	[sflag:s25] =	ssyncadd.s32 $0xFFFFCE00  }
0xbd: {  	_ =	swait.ge [sflag:s28], $0x3200  }
0xbe: {  	[sflag:s28] =	ssyncset.done $0x0  }
0xbf: {  	s18 =	rddreg [dreg:$0x6];
	[sflag:s28] =	ssyncadd.s32 $0xFFFFCE00  }
0xc0: {  	[hbm4b:s18+s1] =	stream.strided.scatter [tilespmem:s22], [sflag:$0xB], $0x3200, s19, s1, $0x38;
	[tilespmem:$0x1F400] =	vst v63  }
0xc1: {  	_ =	swait.ge [sflag:s30], $0x3200  }
0xc2: {  	[sflag:s30] =	ssyncset.done $0x0  }
0xc3: {  	[sflag:s30] =	ssyncadd.s32 $0xFFFFCE00  }
0xc4: {  	_ =	swait.ge [sflag:s2], $0x3200  }
0xc5: {  	[sflag:s2] =	ssyncset.done $0x0  }
0xc6: {  	s20 =	rddreg [dreg:$0x7];
	[sflag:s2] =	ssyncadd.s32 $0xFFFFCE00  }
0xc7: {  	[hbm4b:s20+s1] =	stream.strided.scatter [tilespmem:s24], [sflag:$0xC], $0x3200, s19, s1, $0x38;
	[tilespmem:$0x1F400] =	vst v63  }
0xc8: {  	_ =	swait.ge [sflag:s4], $0x3200  }
0xc9: {  	[sflag:s4] =	ssyncset.done $0x0  }
0xca: {  	[sflag:s4] =	ssyncadd.s32 $0xFFFFCE00  }
0xcb: {  	_ =	swait.ge [sflag:s5], $0x3200  }
0xcc: {  	[sflag:s5] =	ssyncset.done $0x0  }
0xcd: {  	s21 =	rddreg [dreg:$0x8];
	[sflag:s5] =	ssyncadd.s32 $0xFFFFCE00  }
0xce: {  	[hbm4b:s21+s1] =	stream.strided.scatter [tilespmem:s26], [sflag:$0xD], $0x3200, s19, s1, $0x38;
	[tilespmem:$0x1F400] =	vst v63  }
0xcf: {  	_ =	swait.ge [sflag:s6], $0x3200  }
0xd0: {  	[sflag:s6] =	ssyncset.done $0x0  }
0xd1: {  	[sflag:s6] =	ssyncadd.s32 $0xFFFFCE00  }
0xd2: {  	_ =	swait.ge [sflag:s7], $0x3200  }
0xd3: {  	[sflag:s7] =	ssyncset.done $0x0  }
0xd4: {  	s22 =	rddreg [dreg:$0x9];
	[sflag:s7] =	ssyncadd.s32 $0xFFFFCE00  }
0xd5: {  	[hbm4b:s22+s1] =	stream.strided.scatter [tilespmem:s29], [sflag:$0xE], $0x3200, s19, s1, $0x38;
	[tilespmem:$0x1F400] =	vst v63  }
0xd6: {  	_ =	swait.ge [sflag:s8], $0x3200  }
0xd7: {  	[sflag:s8] =	ssyncset.done $0x0  }
0xd8: {  	[sflag:s8] =	ssyncadd.s32 $0xFFFFCE00  }
0xd9: {  	_ =	swait.ge [sflag:s9], $0x3200  }
0xda: {  	[sflag:s9] =	ssyncset.done $0x0  }
0xdb: {  	s24 =	rddreg [dreg:$0xa];
	[sflag:s9] =	ssyncadd.s32 $0xFFFFCE00  }
0xdc: {  	[hbm4b:s24+s1] =	stream.strided.scatter [tilespmem:s31], [sflag:$0xF], $0x3200, s19, s1, $0x38;
	[tilespmem:$0x1F400] =	vst v63  }
0xdd: {  	_ =	swait.ge [sflag:s10], $0x3200  }
0xde: {  	[sflag:s10] =	ssyncset.done $0x0  }
0xdf: {  	[sflag:s10] =	ssyncadd.s32 $0xFFFFCE00  }
0xe0: {  	_ =	swait.ge [sflag:s11], $0x3200  }
0xe1: {  	[sflag:s11] =	ssyncset.done $0x0  }
0xe2: {  	s26 =	rddreg [dreg:$0xb];
	[sflag:s11] =	ssyncadd.s32 $0xFFFFCE00  }
0xe3: {  	[hbm4b:s26+s1] =	stream.strided.scatter [tilespmem:s0], [sflag:$0x10], $0x3200, s19, s1, $0x38;
	[tilespmem:$0x1F400] =	vst v63  }
0xe4: {  	_ =	swait.ge [sflag:s12], $0x3200  }
0xe5: {  	s29 =	rddreg [dreg:$0xe]  }
0xe6: {  	s31 =	rddreg [dreg:$0xc];
	s0 =	sadd.s32 $0x1, s29  }
0xe7: {  	p0 =	sne.s32 s0, s31  }
.Ltmp1:
0xe8: {  	_ = 	snop;
	(pc) =	sbr.rel @p0 .LBB2_1-.Ltmp1, $3  }
0xe9: {  	_ =	sdelay $0x1  }
0xea: {  	[sflag:s12] =	ssyncset.done $0x0  }
0xeb: {  	[sflag:s12] =	ssyncadd.s32 $0xFFFFCE00  }
0xec: {  	_ =	sfence.sel $0x180000  }
0xed: {  	[bflag:$0x0] =	sbarrier.arrive $0xFFFF  }
0xee: {  	_ =	strace $0x9000004A  }
0xef: {  	s0 =	stileid.u32;
	[bflag:$0x2] =	sbarrier.arrive $0xFFFF  }
0xf0: {  	p0 =	sne.s32 s0, $0x0;
	s0 =	rddreg [dreg:$0x2]  }
0xf1: {  	s0 =	sadd.s32 @!p0 $0x100000, s0  }
0xf2: {  	[sflag:s0] =	ssyncadd.tile.s32 @!p0 $0x1;
	_ =	shalt  }
.Lfunc_end2:
_tile_overlayer_lowered:
.L_overlay_start_2:
0xf3: {  	(tag) =	ssettag $0x2  }
0xf4: {  	s0 =	rddreg [dreg:$0x0];
	s2 =	stileid.u32  }
0xf5: {  	s1 =	rddreg [dreg:$0x1];
	p0 =	sne.s32 s2, $0x0  }
0xf6: {  	s3 =	rddreg [dreg:$0x2];
	[bflag:$0x3] =	sbarrier.arrive $0xFFFF;
	s2 =	simm.s32 @!p0 $0x1C11  }
0xf7: {  	[timem:s3], [sflag:s2] =	dma.local @!p0 [hbm:s0], s1  }
0xf8: {  	s0 =	simm.s32 @!p0 $0x11  }
0xf9: {  	_ =	swait.ge @!p0 [sflag:s0], s1  }
0xfa: {  	s1 =	ssub.s32 @!p0 $0x0, s1;
	[sflag:s0] =	ssyncset.done @!p0 $0x0  }
0xfb: {  	[sflag:s0] =	ssyncadd.s32 @!p0 s1  }
0xfc: {  	[bflag:$0x3] =	sbarrier.arrive $0xFFFF  }
0xfd: {  	_ =	shalt  }

// kernel: sparse-core-data-format-call.cloned.1.call-start
scs
called_computation_lowered:
.L_overlay_start_0:
0x0: {  	s2 =	sld [smem:$0x3FD9]  }
0x1: {  	s3 =	sld [smem:$0x3FFE];
	_ =	sdelay $0x1  }
0x2: {  	s1 =	srdreg.scid  }
0x3: {  	s0 =	sand.u32 $0x1, s1  }
0x4: {  	s18 =	sshll.u32 s0, $0xA;
	s2 =	sadd.s32 s3, s2  }
0x5: {  	s2 =	sadd.s32 s2, s18  }
0x6: {  	[smem:$0x3FC6] =	sst s2  }
0x7: {  	_ = 	snop  }
0x8: {  	s2 =	sld [smem:$0x3FD0];
	(tm) =	ssettm $0x1  }
0x9: {  	s19 =	sld [smem:$0x3FFB];
	_ =	sdelay $0x3  }
0xa: {  	_ =	strace s19  }
0xb: {  	s3 =	sld [smem:$0x3FFC];
	_ =	sdelay $0x3  }
0xc: {  	_ =	strace s3  }
0xd: {  	s3 =	sld [smem:$0x3FFD];
	_ =	sdelay $0x3  }
0xe: {  	_ =	strace s3  }
0xf: {  	_ =	strace $0x8FFFFFFF  }
0x10: {  	s20 =	sld [smem:$0x3FDB];
	_ =	sdelay $0x1  }
0x11: {  	s4 =	simm.s32 $_scs_section_size  }
0x12: {  	s5 =	simm.s32 $_size__tile_overlayer_lowered;
	s6 =	simm.s32 $_tile_overlayer_lowered  }
0x13: {  	s23 =	simm.s32 $0x1BFF;
	s22 =	sshll.u32 s6, $0x1;
	s3 =	sadd.s32 s4, s20  }
0x14: {  	s7 =	simm.s32 $0x0;
	s21 =	sshll.u32 s5, $0x1;
	s5 =	sadd.s32 s22, s3  }
0x15: {  	[timem:s7], [sflag:s23] =	dma.local [hbm:s5], s21  }
0x16: {  	_ =	swait.ge [sflag:s23], s21  }
0x17: {  	s4 =	ssub.s32 $0x0, s21;
	[sflag:s23] =	ssyncset.done $0x0  }
0x18: {  	[sflag:s23] =	ssyncadd.s32 s4;
	_ =	sdelay $0x1  }
0x19: {  	s24 =	simm.s32 $0x1B8B  }
0x1a: {  	_ =	swait.ge [sflag:s24], $0x1  }
0x1b: {  	[sflag:s24] =	ssyncset.done $0x0  }
0x1c: {  	s26 =	simm.s32 $0x1B8E;
	s25 =	sld [smem:$0x3FFE];
	[sflag:s24] =	ssyncadd.s32 $0xFFFFFFFF  }
0x1d: {  	s27 =	simm.s32 $execute0_lowered;
	[smem:$0x3FD2] =	sst s26  }
0x1e: {  	s5 =	sshll.u32 s27, $0x1;
	_ =	strace $0x8000004C;
	[dreg:$0x1] =	wrdreg $0xFFFFFFFF  }
0x1f: {  	s28 =	simm.s32 $_size_execute0_lowered;
	s3 =	sadd.s32 s3, s5;
	[dreg:$0x0] =	wrdreg $0x0  }
0x20: {  	s5 =	sshll.u32 s28, $0x1;
	[dreg:$0x2] =	wrdreg s3  }
0x21: {  	[dreg:$0x3] =	wrdreg s5  }
0x22: {  	[dreg:$0x4] =	wrdreg $0xC0  }
0x23: {  	_ =	task [dreg:s7], $0x5FFFF  }
0x24: {  	[dreg:$0x1] =	wrdreg $0xFFFFFFFF  }
0x25: {  	[dreg:$0x0] =	wrdreg $0x60  }
0x26: {  	[dreg:$0x2] =	wrdreg s25  }
0x27: {  	[dreg:$0x3] =	wrdreg s2  }
0x28: {  	[dreg:$0x4] =	wrdreg $0x9  }
0x29: {  	_ =	task.clear_ibuf [dreg:s7], $0x5FFFF;
	_ =	strace $0x9000004C  }
0x2a: {  	s29 =	simm.s32 $0x9;
	_ =	strace $0x8000004E  }
0x2b: {  	_ =	swait.ge [sflag:s29], $0x1  }
0x2c: {  	[sflag:s29] =	ssyncadd.s32 $0xFFFFFFFF  }
0x2d: {  	_ =	strace $0x9000004E  }
0x2e: {  	_ =	sfence  }
0x2f: {  	s30 =	sld [smem:$0x0];
	_ =	sdelay $0x2  }
0x30: {  	s31 =	sshll.u32 s1, $0xD;
	s1 =	sshrl.u32 s1, $0x2  }
0x31: {  	s3 =	sand.u32 $0x4000, s31;
	s1 =	sadd.s32 s1, s30  }
0x32: {  	s0 =	sor.u32 s3, s0;
	s1 =	sshll.u32 s1, $0x11  }
0x33: {  	s0 =	sor.u32 s1, s0  }
0x34: {  	s0 =	sadd.s32 $0x8F2B, s0  }
0x35: {  	[sflag:s0] =	ssyncadd.remote.s32 $0x1  }
0x36: {  	_ =	sfence.sel $0xFFFF  }
0x37: {  	[dreg:$0x0] =	wrdreg $0xFFFFFFFF;
	(pc) =	sbr.abs _section_cstart, $3  }
0x38: {  	[dreg:$0x1] =	wrdreg $0xFFFFFFFF  }
0x39: {  	_ =	task.clear_ibuf [dreg:s7], $0x2FFFF;
	_ =	strace $0x9FFFFFFF  }
0x3a: {  	(tm) =	ssettm $0x7FFFFFFF  }
0x3b: {  	_ =	shalt  }
tec
execute0_lowered:
.L_overlay_start_1:
0x0: {  	(tag) =	ssettag $0x1  }
0x1: {  	s0 =	srdreg.scid  }
0x2: {  	s1 =	sshll.u32 s0, $0x4  }
0x3: {  	s0 =	stileid.u32;
	s1 =	sand.u32 $0x10, s1  }
0x4: {  	s1 =	sor.u32 s0, s1  }
0x5: {  	s6 =	rddreg [dreg:$0x0];
	s4 =	simm.s32 $0x1;
	s2 =	sshll.u32 s1, $0x7  }
0x6: {  	s7 =	simm.s32 $0x2;
	s12 =	simm.s32 $0x0;
	s1 =	ssub.s32 $0x1000, s2  }
0x7: {  	s8 =	simm.s32 $0x8000;
	s13 =	simm.s32 $0x0;
	s3 =	sand.u32 $0xF80, s1  }
0x8: {  	s9 =	simm.s32 $0x0;
	s5 =	sshrl.u32 s1, $0xC;
	p0 =	sne.s32 s3, $0x0  }
.Ltmp0:
0x9: {  	s1 =	rddreg [dreg:$0x2];
	s4 =	simm.s32 @!p0 $0x0;
	(pc) =	sbr.rel .LBB1_1-.Ltmp0, $4  }
0xa: {  	s11 =	simm.s32 $0x0;
	s3 =	rddreg [dreg:$0x1];
	s5 =	sadd.s32 s4, s5  }
0xb: {  	_ =	strace $0x8000004D;
	s4 =	simm.s32 $0x1;
	s5 =	smul.u32 $0xC8, s5  }
0xc: {  	s6 =	sadd.s32 $0x16E4200, s6;
	s10 =	smov.u32 s2;
	[sflag:s4] =	ssyncpa.u1 $0x0  }
0xd: {  	p0 =	por $0x0, $0x0;
	[sflag:s7] =	ssyncpa.u1 $0x0;
	s7 =	sor.u32 $0x1, s5  }
.LBB1_4:
0xe: {  	s16 =	sshll.u32 s13, $0x3;
	s17 =	sand.u32 $0x78, s13  }
0xf: {  	s30 =	sand.u32 $0x7E00, s13;
	s12 =	sshll.u32 s12, $0xF;
	s16 =	sand.u32 $0xC00, s16  }
0x10: {  	[tilespmem:s15+$0x810 ss:$0x81] =	vst.msk $0xffff, v2;
	s31 =	sand.u32 $0x7, s13;
	s16 =	sor.u32 s17, s16;
	s17 =	sadd.s32 s3, s30  }
0x11: {  	[tilespmem:s15+$0x1020 ss:$0x81] =	vst.msk $0xffff, v0;
	s13 =	sshll.u32 s31, $0x12;
	s12 =	sadd.s32 s12, s17;
	s16 =	sshrl.u32 s16, $0x3  }
0x12: {  	[tilespmem:s15+$0x0 ss:$0x81] =	vst.msk $0xffff, v1;
	s13 =	sor.u32 $0x400, s13;
	s12 =	sadd.s32 s16, s12  }
0x13: {  	[hbm4b:s12+s13] =	stream.strided.scatter [tilespmem:s14], [sflag:$0x2], $0x2000, s8, s13, $0x20;
	[tilespmem:$0x8080] =	vst v63  }
.LBB1_5:
0x14: {  	s14 =	sadd.s32 $0x1, s9  }
0x15: {  	s12 =	sadd.s32 $0x1000, s10;
	s16 =	smov.u32 s10;
	p2 =	sgt.s32 s14, $0xC7  }
0x16: {  	s16 =	smov.u32 @p2 s12  }
0x17: {  	s14 =	simm.s32 @p2 $0x0;
	p2 =	sgt.s32 s16, $0xFFF  }
0x18: {  	s16 =	smov.u32 @p2 s2;
	p2 =	sne.s32 s11, s7  }
.Ltmp1:
0x19: {  	p1 =	slt.u32 s11, $0x2;
	(pc) =	sbr.rel @!p2 .LBB1_6-.Ltmp1, $4  }
0x1a: {  	s15 =	simm.s32 @!p1 $0x2  }
0x1b: {  	s13 =	smov.u32 s10;
	p0 =	por !p0, !p0;
	_ =	swait.ge @!p1 [sflag:s15], $0x2000  }
0x1c: {  	s12 =	smov.u32 s9;
	[sflag:s15] =	ssyncset.done @!p1 $0x0;
	s9 =	smov.u32 s14  }
0x1d: {  	s11 =	sadd.s32 $0x1, s11;
	[sflag:s15] =	ssyncadd.s32 @!p1 $0xFFFFE000;
	s10 =	smov.u32 s16  }
.LBB1_1:
0x1e: {  	p1 =	sge.u32 s11, s5  }
0x1f: {  	s14 =	sand.u32 @!p1 $0x1FFFFFF, s9  }
0x20: {  	s15 =	smulhi.u32 @!p1 $0x147AE15, s14;
	_ =	sdelay $0x1  }
0x21: {  	s15 =	smul.u32 @!p1 $0xC8, s15  }
0x22: {  	s16 =	sxor.u32 @!p1 $0xFFFFFFFF, s11;
	s17 =	smul.u32 @!p1 $0xC80, s10  }
0x23: {  	s31 =	sadd.s32 $0xFFFFFFFF, s11;
	s16 =	sshll.u32 @!p1 s16, $0xD;
	s14 =	ssub.s32 @!p1 s14, s15  }
0x24: {  	s15 =	sand.u32 @!p1 $0x2000, s16;
	s16 =	sadd.s32 @!p1 s6, s17;
	s14 =	sshll.u32 @!p1 s14, $0x4  }
0x25: {  	s17 =	simm.s32 @!p1 $0x6400;
	s14 =	sadd.s32 @!p1 s14, s16;
	s16 =	simm.s32 @!p1 $0x40  }
0x26: {  	[tilespmem:s15], [sflag:$0x1] =	stream.strided.gather @!p1 [hbm4b:s14+s16], $0x2000, s17, s16, $0x38;
	[tilespmem:$0x8080] =	vst v63  }
0x27: {  	p1 =	sge.u32 s31, s5  }
.Ltmp2:
0x28: {  	_ = 	snop;
	(pc) =	sbr.rel @p1 .LBB1_5-.Ltmp2, $1  }
0x29: {  	_ =	sdelay $0x3  }
0x2a: {  	s14 =	simm.s32 $0x1  }
0x2b: {  	_ =	swait.ge [sflag:s4], $0x2000;
	s14 =	simm.s32 @!p0 $0x0  }
0x2c: {  	[sflag:s4] =	ssyncset.done $0x0;
	s15 =	sshll.u32 s14, $0xD  }
0x2d: {  	[sflag:s4] =	ssyncadd.s32 $0xFFFFE000;
	s18 =	sor.u32 $0x20, s15  }
0x2e: {  	s14 =	smul.u32 $0x8100, s14;
	v3 =	vld [tilespmem:s18+$0x10]  }
0x2f: {  	s30 =	sand.u32 $0x1, s11;
	v2 =	vld [tilespmem:s18+$0xFFFFFFF0]  }
0x30: {  	s15 =	smul.u32 $0x8100, s30;
	s14 =	sshrl.u32 s14, $0x2;
	v0 =	vld [tilespmem:s18+$0x0]  }
0x31: {  	v1 =	vld [tilespmem:s18+$0xFFFFFFE0];
	s16 =	sor.u32 $0x4000, s14  }
0x32: {  	s31 =	sshrl.u32 s15, $0x2;
	s15 =	sadd.s32 $0x0, s16  }
0x33: {  	s17 =	simm.s32 $0x4;
	s18 =	sadd.s32 $0x40, s18;
	s14 =	sor.u32 $0x4000, s31;
	[tilespmem:s15+$0x1830 ss:$0x81] =	vst.msk $0xffff, v3  }
.LBB1_3:
0x34: {  	v3 =	vld [tilespmem:s18+$0x10];
	p1 =	sne.s32 s17, $0x1FC;
	[tilespmem:s15+$0x810 ss:$0x81] =	vst.msk $0xffff, v2;
	s19 =	smov.u32 s17;
	s17 =	sadd.s32 $0x4, s17  }
.Ltmp3:
0x35: {  	v2 =	vld [tilespmem:s18+$0xFFFFFFF0];
	[tilespmem:s15+$0x1020 ss:$0x81] =	vst.msk $0xffff, v0;
	(pc) =	sbr.rel @p1 .LBB1_3-.Ltmp3, $4  }
0x36: {  	v0 =	vld [tilespmem:s18+$0x0];
	[tilespmem:s15+$0x0 ss:$0x81] =	vst.msk $0xffff, v1  }
0x37: {  	s15 =	sshra.s32 s19, $0x2;
	v1 =	vld [tilespmem:s18+$0xFFFFFFE0]  }
0x38: {  	s15 =	sadd.s32 s15, s16  }
0x39: {  	s18 =	sadd.s32 $0x40, s18;
	[tilespmem:s15+$0x1830 ss:$0x81] =	vst.msk $0xffff, v3  }
.Ltmp4:
0x3a: {  	_ = 	snop;
	(pc) =	sbr.rel .LBB1_4-.Ltmp4, $1  }
0x3b: {  	_ =	sdelay $0x3  }
.LBB1_6:
0x3c: {  	_ =	sfence.sel $0x180000  }
0x3d: {  	s2 =	simm.s32 $0x1;
	[bflag:$0x0] =	sbarrier.arrive $0xFFFF  }
0x3e: {  	s31 =	simm.s32 $0x2;
	[sflag:s2] =	ssyncpa.u1 $0x1  }
0x3f: {  	[sflag:s31] =	ssyncpa.u1 $0x1  }
0x40: {  	p0 =	sne.s32 s0, $0x0;
	_ =	strace $0x9000004D  }
0x41: {  	s0 =	sadd.s32 @!p0 $0x100000, s1;
	[bflag:$0x2] =	sbarrier.arrive $0xFFFF  }
0x42: {  	[sflag:s0] =	ssyncadd.tile.s32 @!p0 $0x1;
	_ =	shalt  }
.Lfunc_end1:
_tile_overlayer_lowered:
.L_overlay_start_2:
0x43: {  	(tag) =	ssettag $0x2  }
0x44: {  	s0 =	rddreg [dreg:$0x0];
	s2 =	stileid.u32  }
0x45: {  	s1 =	rddreg [dreg:$0x1];
	p0 =	sne.s32 s2, $0x0  }
0x46: {  	s3 =	rddreg [dreg:$0x2];
	[bflag:$0x3] =	sbarrier.arrive $0xFFFF;
	s2 =	simm.s32 @!p0 $0x1C01  }
0x47: {  	[timem:s3], [sflag:s2] =	dma.local @!p0 [hbm:s0], s1  }
0x48: {  	s0 =	simm.s32 @!p0 $0x1  }
0x49: {  	_ =	swait.ge @!p0 [sflag:s0], s1  }
0x4a: {  	s1 =	ssub.s32 @!p0 $0x0, s1;
	[sflag:s0] =	ssyncset.done @!p0 $0x0  }
0x4b: {  	[sflag:s0] =	ssyncadd.s32 @!p0 s1  }
0x4c: {  	[bflag:$0x3] =	sbarrier.arrive $0xFFFF  }
0x4d: {  	_ =	shalt  }

</sc_bundles>
